<compile_context>
chip_gen: v7x
topology: tpu7x:2x2x1
jax: 0.10.2.dev20260603
libtpu: 0.0.44.dev20260713+nightly
codegen_flags: <defaults>
</compile_context>

<pallas_src>
import functools

import jax
import jax.numpy as jnp
from jax import lax
from jax.experimental import pallas as pl
from jax.experimental.pallas import tpu as pltpu
from jax.experimental.pallas import tpu_sc as plsc

N = 10000
R = 16
D = 128
E = 320000
T = 32768
NR = N * R

NC = 2
NS = 16
NW = NC * NS
L = 16

EPW = E // NW
ECH = 80
NECH = EPW // ECH
NP = 10240
RPT = NP // NS
ZCH = 128
TPW = T // NW
DCH = 64
NDC = TPW // DCH

_mesh = plsc.VectorSubcoreMesh(core_axis_name="c", subcore_axis_name="s")


def _z16():
    return jnp.zeros((L,), jnp.float32)


def _o16():
    return jnp.ones((L,), jnp.float32)


def _wid():
    return lax.axis_index("c") * NS + lax.axis_index("s")


@functools.partial(
    pl.kernel,
    out_type=jax.ShapeDtypeStruct((NC * NR,), jnp.float32),
    mesh=_mesh,
    compiler_params=pltpu.CompilerParams(needs_layout_passes=False),
    scratch_types=[
        pltpu.VMEM((ECH,), jnp.int32),
        pltpu.VMEM((ECH,), jnp.int32),
        pltpu.VMEM((ECH,), jnp.int32),
        pltpu.VMEM((ECH,), jnp.float32),
        pltpu.VMEM((NR // NS,), jnp.float32),
        pltpu.VMEM_SHARED((NR,), jnp.float32),
    ],
)
def _count_kernel(dst_hbm, typ_hbm, out_hbm, dstb, typb, widxb, ones, zb, acc):
    c = lax.axis_index("c")
    s = lax.axis_index("s")
    wid = c * NS + s

    def zb_body(i, _):
        zb[pl.ds(i * L, L)] = _z16()
        return 0

    lax.fori_loop(0, (NR // NS) // L, zb_body, 0)
    for k in range(ECH // L):
        ones[pl.ds(k * L, L)] = _o16()
    pltpu.sync_copy(zb, acc.at[pl.ds(s * (NR // NS), NR // NS)])
    plsc.subcore_barrier()

    base = wid * EPW

    def chunk(j, _):
        off = base + j * ECH
        pltpu.sync_copy(dst_hbm.at[pl.ds(off, ECH)], dstb)
        pltpu.sync_copy(typ_hbm.at[pl.ds(off, ECH)], typb)
        for k in range(ECH // L):
            sl = pl.ds(k * L, L)
            widxb[sl] = dstb[sl] * R + typb[sl]
        pltpu.sync_copy(ones, acc.at[widxb], add=True)
        return 0

    lax.fori_loop(0, NECH, chunk, 0)
    plsc.subcore_barrier()
    pltpu.sync_copy(acc.at[pl.ds(s * (NR // NS), NR // NS)], zb)
    pltpu.sync_copy(zb, out_hbm.at[pl.ds(c * NR + s * (NR // NS), NR // NS)])


@functools.partial(
    pl.kernel,
    out_type=(
        jax.ShapeDtypeStruct((E,), jnp.int32),
        jax.ShapeDtypeStruct((E,), jnp.float32),
    ),
    mesh=_mesh,
    compiler_params=pltpu.CompilerParams(needs_layout_passes=False),
    scratch_types=[
        pltpu.VMEM((ECH,), jnp.int32),
        pltpu.VMEM((ECH,), jnp.int32),
        pltpu.VMEM((ECH,), jnp.int32),
        pltpu.VMEM((ECH,), jnp.int32),
        pltpu.VMEM((ECH,), jnp.int32),
        pltpu.VMEM((ECH,), jnp.float32),
        pltpu.SemaphoreType.DMA,
    ],
)
def _prep_kernel(src_hbm, dst_hbm, typ_hbm, inv_hbm, gidx_hbm, w_hbm,
                 srcb, dstb, typb, gidxb, widxb, wb, sem):
    wid = _wid()
    base = wid * EPW

    def chunk(j, _):
        off = base + j * ECH
        pltpu.sync_copy(src_hbm.at[pl.ds(off, ECH)], srcb)
        pltpu.sync_copy(dst_hbm.at[pl.ds(off, ECH)], dstb)
        pltpu.sync_copy(typ_hbm.at[pl.ds(off, ECH)], typb)
        for k in range(ECH // L):
            sl = pl.ds(k * L, L)
            t = typb[sl]
            gidxb[sl] = srcb[sl] * R + t
            widxb[sl] = dstb[sl] * R + t
        pltpu.async_copy(inv_hbm.at[widxb], wb, sem).wait()
        pltpu.sync_copy(gidxb, gidx_hbm.at[pl.ds(off, ECH)])
        pltpu.sync_copy(wb, w_hbm.at[pl.ds(off, ECH)])
        return 0

    lax.fori_loop(0, NECH, chunk, 0)


@functools.partial(
    pl.kernel,
    out_type=jax.ShapeDtypeStruct((NC, NP, D), jnp.float32),
    mesh=_mesh,
    compiler_params=pltpu.CompilerParams(needs_layout_passes=False),
    scratch_types=[
        pltpu.VMEM((ECH,), jnp.int32),
        pltpu.VMEM((ECH,), jnp.int32),
        pltpu.VMEM((ECH + L,), jnp.float32),
        pltpu.VMEM((ECH, D), jnp.float32),
        pltpu.VMEM((ZCH, D), jnp.float32),
        pltpu.VMEM_SHARED((NP, D), jnp.float32),
        pltpu.SemaphoreType.DMA,
    ],
)
def _agg_kernel(g_hbm, gidx_hbm, w_hbm, dst_hbm, out_hbm,
                gidxb, dstb, wb, rows, zrows, acc, sem):
    c = lax.axis_index("c")
    s = lax.axis_index("s")
    wid = c * NS + s

    def zr_body(i, _):
        for k in range(D // L):
            zrows[i, pl.ds(k * L, L)] = _z16()
        return 0

    lax.fori_loop(0, ZCH, zr_body, 0)
    for t in range(RPT // ZCH):
        pltpu.sync_copy(zrows, acc.at[pl.ds(s * RPT + t * ZCH, ZCH)])
    plsc.subcore_barrier()

    base = wid * EPW

    def chunk(j, _):
        off = base + j * ECH
        pltpu.sync_copy(gidx_hbm.at[pl.ds(off, ECH)], gidxb)
        pltpu.sync_copy(dst_hbm.at[pl.ds(off, ECH)], dstb)
        pltpu.sync_copy(w_hbm.at[pl.ds(off, ECH)], wb.at[pl.ds(0, ECH)])
        pltpu.async_copy(g_hbm.at[gidxb], rows, sem).wait()

        def scale(i, _):
            wi = wb[pl.ds(i, L)][0]
            for k in range(D // L):
                sl = pl.ds(k * L, L)
                rows[i, sl] = rows[i, sl] * wi
            return 0

        lax.fori_loop(0, ECH, scale, 0)
        pltpu.sync_copy(rows, acc.at[dstb], add=True)
        return 0

    lax.fori_loop(0, NECH, chunk, 0)
    plsc.subcore_barrier()
    for t in range(RPT // ZCH):
        sl = pl.ds(s * RPT + t * ZCH, ZCH)
        pltpu.sync_copy(acc.at[sl], zrows)
        pltpu.sync_copy(zrows, out_hbm.at[c, sl])


@functools.partial(
    pl.kernel,
    out_type=jax.ShapeDtypeStruct((T,), jnp.float32),
    mesh=_mesh,
    compiler_params=pltpu.CompilerParams(needs_layout_passes=False),
    scratch_types=[
        pltpu.VMEM((DCH,), jnp.int32),
        pltpu.VMEM((DCH,), jnp.int32),
        pltpu.VMEM((DCH,), jnp.int32),
        pltpu.VMEM((DCH, D), jnp.float32),
        pltpu.VMEM((DCH, D), jnp.float32),
        pltpu.VMEM((DCH, D), jnp.float32),
        pltpu.VMEM((DCH,), jnp.float32),
        pltpu.SemaphoreType.DMA,
        pltpu.SemaphoreType.DMA,
        pltpu.SemaphoreType.DMA,
    ],
)
def _decode_kernel(z_hbm, rel_hbm, hidx_hbm, ridx_hbm, tidx_hbm, out_hbm,
                   hib, rib, tib, hrows, rrows, trows, outb, sem0, sem1, sem2):
    wid = _wid()
    base = wid * TPW

    def chunk(j, _):
        off = base + j * DCH
        pltpu.sync_copy(hidx_hbm.at[pl.ds(off, DCH)], hib)
        pltpu.sync_copy(ridx_hbm.at[pl.ds(off, DCH)], rib)
        pltpu.sync_copy(tidx_hbm.at[pl.ds(off, DCH)], tib)
        ch = pltpu.async_copy(z_hbm.at[hib], hrows, sem0)
        cr = pltpu.async_copy(rel_hbm.at[rib], rrows, sem1)
        ct = pltpu.async_copy(z_hbm.at[tib], trows, sem2)
        ch.wait()
        cr.wait()
        ct.wait()

        def group(g, _):
            def trip(t, vec):
                i = g * L + t
                acc = hrows[i, pl.ds(0, L)] * rrows[i, pl.ds(0, L)] * trows[i, pl.ds(0, L)]
                for k in range(1, D // L):
                    sl = pl.ds(k * L, L)
                    acc = acc + hrows[i, sl] * rrows[i, sl] * trows[i, sl]
                score = jnp.full((L,), jnp.sum(acc))
                lane = lax.iota(jnp.int32, L) == t
                return jnp.where(lane, score, vec)

            outb[pl.ds(g * L, L)] = lax.fori_loop(
                0, L, trip, jnp.zeros((L,), jnp.float32))
            return 0

        lax.fori_loop(0, DCH // L, group, 0)
        pltpu.sync_copy(outb, out_hbm.at[pl.ds(off, DCH)])
        return 0

    lax.fori_loop(0, NDC, chunk, 0)


def _inv_body(p_ref, o_ref):
    o_ref[...] = 1.0 / jnp.maximum(p_ref[0] + p_ref[1], 1.0)


def _mm1_body(h_ref, wcat_ref, root_ref, b_ref, g_ref, ob_ref):
    h = h_ref[...]
    g_ref[...] = jnp.dot(h, wcat_ref[...], preferred_element_type=jnp.float32)
    ob_ref[...] = jnp.dot(h, root_ref[...], preferred_element_type=jnp.float32) + b_ref[...]


def _mm2_body(ob_ref, p0_ref, p1_ref, wcat_ref, root_ref, b_ref, g_ref, ob2_ref):
    h = jnp.maximum(ob_ref[...] + p0_ref[...] + p1_ref[...], 0.0)
    g_ref[...] = jnp.dot(h, wcat_ref[...], preferred_element_type=jnp.float32)
    ob2_ref[...] = jnp.dot(h, root_ref[...], preferred_element_type=jnp.float32) + b_ref[...]


def _fin_body(ob_ref, p0_ref, p1_ref, z_ref):
    z_ref[...] = ob_ref[...] + p0_ref[...] + p1_ref[...]


_BM = 400


def _mm_call(body, extra_in):
    n_in = len(extra_in)
    in_specs = [pl.BlockSpec((_BM, D), lambda i: (i, 0)) for _ in range(n_in)] + [
        pl.BlockSpec((D, R * D), lambda i: (0, 0)),
        pl.BlockSpec((D, D), lambda i: (0, 0)),
        pl.BlockSpec((1, D), lambda i: (0, 0)),
    ]
    return pl.pallas_call(
        body,
        grid=(N // _BM,),
        in_specs=in_specs,
        out_specs=[
            pl.BlockSpec((_BM, R * D), lambda i: (i, 0)),
            pl.BlockSpec((_BM, D), lambda i: (i, 0)),
        ],
        out_shape=[
            jax.ShapeDtypeStruct((N, R * D), jnp.float32),
            jax.ShapeDtypeStruct((N, D), jnp.float32),
        ],
    )


def kernel(x, edge_index, edge_type, triples, node_emb, rel_emb,
           W1, root1, b1, W2, root2, b2):
    src = edge_index[0]
    dst = edge_index[1]

    cnt_parts = _count_kernel(dst, edge_type)
    inv = pl.pallas_call(
        _inv_body,
        out_shape=jax.ShapeDtypeStruct((NR // D, D), jnp.float32),
    )(cnt_parts.reshape(NC, NR // D, D)).reshape(NR)
    gidx, w = _prep_kernel(src, dst, edge_type, inv)

    wcat1 = W1.transpose(1, 0, 2).reshape(D, R * D)
    wcat2 = W2.transpose(1, 0, 2).reshape(D, R * D)
    b1r = b1.reshape(1, D)
    b2r = b2.reshape(1, D)

    h0 = node_emb
    g1, ob1 = _mm_call(_mm1_body, (h0,))(h0, wcat1, root1, b1r)
    parts1 = _agg_kernel(g1.reshape(NR, D), gidx, w, dst)
    p10 = parts1[0, :N]
    p11 = parts1[1, :N]
    g2, ob2 = _mm_call(_mm2_body, (ob1, p10, p11))(
        ob1, p10, p11, wcat2, root2, b2r)
    parts2 = _agg_kernel(g2.reshape(NR, D), gidx, w, dst)

    z = pl.pallas_call(
        _fin_body,
        grid=(10,),
        in_specs=[pl.BlockSpec((N // 10, D), lambda i: (i, 0))] * 3,
        out_specs=pl.BlockSpec((N // 10, D), lambda i: (i, 0)),
        out_shape=jax.ShapeDtypeStruct((N, D), jnp.float32),
    )(ob2, parts2[0, :N], parts2[1, :N])

    trip_t = triples.T
    return _decode_kernel(z, rel_emb, trip_t[0], trip_t[1], trip_t[2])

# --- scband reference (transcript-rebuilt; emitter-appended) ---
"""Pipeline reference for scband-kgmodel-22582938042965 (READ-ONLY COPY).

The authoritative reference and input builder live on the scoring server;
editing this copy changes nothing except your own understanding.
"""

import jax, jax.numpy as jnp
import numpy as np

NUM_NODES = 10000
NUM_RELS = 16
EMB_DIM = 128
NUM_EDGES = 320000
NUM_TRIPLES = 32768


def setup_inputs(seed: int = 0) -> dict:
    key = jax.random.key(seed)
    ks = jax.random.split(key, 12)
    inp = {}
    inp["x"] = jnp.arange(NUM_NODES, dtype=jnp.int32)
    inp["edge_index"] = jax.random.randint(ks[0], (2, NUM_EDGES), 0, NUM_NODES, dtype=jnp.int32)
    inp["edge_type"] = jax.random.randint(ks[1], (NUM_EDGES,), 0, NUM_RELS, dtype=jnp.int32)
    inp["triples"] = jax.random.randint(ks[2], (NUM_TRIPLES, 3), 0, NUM_RELS, dtype=jnp.int32)
    s = 0.05
    inp["node_emb"] = jax.random.normal(ks[3], (NUM_NODES, EMB_DIM), dtype=jnp.float32) * s
    inp["rel_emb"] = jax.random.normal(ks[4], (NUM_RELS, EMB_DIM), dtype=jnp.float32) * s
    inp["W1"] = jax.random.normal(ks[5], (NUM_RELS, EMB_DIM, EMB_DIM), dtype=jnp.float32) * s
    inp["root1"] = jax.random.normal(ks[6], (EMB_DIM, EMB_DIM), dtype=jnp.float32) * s
    inp["b1"] = jnp.zeros((EMB_DIM,), dtype=jnp.float32)
    inp["W2"] = jax.random.normal(ks[7], (NUM_RELS, EMB_DIM, EMB_DIM), dtype=jnp.float32) * s
    inp["root2"] = jax.random.normal(ks[8], (EMB_DIM, EMB_DIM), dtype=jnp.float32) * s
    inp["b2"] = jnp.zeros((EMB_DIM,), dtype=jnp.float32)
    return inp


def _rgcn_conv(h, edge_index, edge_type, W, root, b):
    # PyG RGCNConv (no bases): out_i = h_i @ root + b + sum_r mean_{j in N_r(i)} h_j @ W_r
    src = edge_index[0]
    dst = edge_index[1]
    hs = h[src]  # [E, d] gather
    out = h @ root + b
    for r in range(NUM_RELS):
        mask = (edge_type == r).astype(h.dtype)[:, None]  # [E, 1]
        sums = jnp.zeros((NUM_NODES, h.shape[1]), h.dtype).at[dst].add(hs * mask)
        cnts = jnp.zeros((NUM_NODES, 1), h.dtype).at[dst].add(mask)
        mean = sums / jnp.maximum(cnts, 1.0)
        out = out + mean @ W[r]
    return out


def reference(x, edge_index, edge_type, triples, node_emb, rel_emb, W1, root1, b1, W2, root2, b2):
    # RGCNEncoder
    h = node_emb[x]  # Embedding lookup with x = arange(num_nodes)
    h = jax.nn.relu(_rgcn_conv(h, edge_index, edge_type, W1, root1, b1))
    z = _rgcn_conv(h, edge_index, edge_type, W2, root2, b2)
    # DistMultDecoder
    head = z[triples[:, 0]]
    rel = rel_emb[triples[:, 1]]
    tail = z[triples[:, 2]]
    return jnp.sum(head * rel * tail, axis=-1)

if __name__ == "__main__":
    import jax
    _d = setup_inputs()
    print(jax.jit(kernel)(*tuple(_d.values())))

</pallas_src>

<mosaic_0001>
#map = affine_map<(d0, d1) -> (0, 0)>
#map1 = affine_map<(d0, d1) -> (0)>
#map2 = affine_map<(d0, d1) -> (0, 0, 0)>
module attributes {stable_mosaic.version = 14 : i64} {
  func.func @_agg_kernel(%arg0: i32, %arg1: i32, %arg2: memref<160000x128xf32, #tpu.memory_space<hbm>>, %arg3: memref<320000xi32, #tpu.memory_space<hbm>>, %arg4: memref<320000xf32, #tpu.memory_space<hbm>>, %arg5: memref<320000xi32, #tpu.memory_space<hbm>>, %arg6: memref<2x10240x128xf32, #tpu.memory_space<hbm>>, %arg7: memref<80xi32, #tpu.memory_space<vmem>>, %arg8: memref<80xi32, #tpu.memory_space<vmem>>, %arg9: memref<96xf32, #tpu.memory_space<vmem>>, %arg10: memref<80x128xf32, #tpu.memory_space<vmem>>, %arg11: memref<128x128xf32, #tpu.memory_space<vmem>>, %arg12: memref<10240x128xf32, #tpu.memory_space<vmem_shared>>, %arg13: memref<!tpu.dma_semaphore, #tpu.memory_space<semaphore_mem>>) attributes {dimension_semantics = [#tpu.dimension_semantics<core_parallel>, #tpu.dimension_semantics<subcore_parallel>], iteration_bounds = array<i64: 2, 16>, scalar_prefetch = 0 : i64, scratch_operands = 7 : i64, tpu.core_type = #tpu.core_type<sc_vector_subcore>, window_params = [{transform_indices = #map}, {transform_indices = #map1}, {transform_indices = #map1}, {transform_indices = #map1}, {transform_indices = #map2}]} {
    %mul3A = arith.constant 16 : i32
    %mul3A_0 = arith.muli %arg0, %mul3A : i32
    %add3A = arith.addi %mul3A_0, %arg1 : i32
    %scan3A = arith.constant 0 : i32
    %scan3A_1 = arith.constant 0 : i32
    %scan3A_2 = arith.constant 128 : i32
    %scan3A_3 = arith.addi %scan3A_1, %scan3A_2 : i32
    %scan3A_4 = arith.constant 1 : i32
    %scan3A_5 = scf.for %scan3A_57 = %scan3A_1 to %scan3A_3 step %scan3A_4 iter_args(%scan3A_58 = %scan3A) -> (i32)  : i32 {
      %broadcast_in_dim3A = arith.constant 0.000000e+00 : f32
      %broadcast_in_dim3A_59 = vector.broadcast %broadcast_in_dim3A : f32 to vector<16xf32>
      %swap3A = arith.index_cast %scan3A_57 : i32 to index
      %swap3A_60 = arith.constant 0 : index
      %swap3A_61 = tpu.vector_load %arg11[%swap3A, %swap3A_60] {strides = array<i32>} : memref<128x128xf32, #tpu.memory_space<vmem>>, vector<16xf32>,
      tpu.vector_store %arg11[%swap3A, %swap3A_60], %broadcast_in_dim3A_59 {strides = array<i32>} : memref<128x128xf32, #tpu.memory_space<vmem>>, vector<16xf32>,
      %broadcast_in_dim3A_62 = arith.constant 0.000000e+00 : f32
      %broadcast_in_dim3A_63 = vector.broadcast %broadcast_in_dim3A_62 : f32 to vector<16xf32>
      %swap3A_64 = arith.index_cast %scan3A_57 : i32 to index
      %swap3A_65 = arith.constant 16 : index
      %swap3A_66 = tpu.vector_load %arg11[%swap3A_64, %swap3A_65] {strides = array<i32>} : memref<128x128xf32, #tpu.memory_space<vmem>>, vector<16xf32>,
      tpu.vector_store %arg11[%swap3A_64, %swap3A_65], %broadcast_in_dim3A_63 {strides = array<i32>} : memref<128x128xf32, #tpu.memory_space<vmem>>, vector<16xf32>,
      %broadcast_in_dim3A_67 = arith.constant 0.000000e+00 : f32
      %broadcast_in_dim3A_68 = vector.broadcast %broadcast_in_dim3A_67 : f32 to vector<16xf32>
      %swap3A_69 = arith.index_cast %scan3A_57 : i32 to index
      %swap3A_70 = arith.constant 32 : index
      %swap3A_71 = tpu.vector_load %arg11[%swap3A_69, %swap3A_70] {strides = array<i32>} : memref<128x128xf32, #tpu.memory_space<vmem>>, vector<16xf32>,
      tpu.vector_store %arg11[%swap3A_69, %swap3A_70], %broadcast_in_dim3A_68 {strides = array<i32>} : memref<128x128xf32, #tpu.memory_space<vmem>>, vector<16xf32>,
      %broadcast_in_dim3A_72 = arith.constant 0.000000e+00 : f32
      %broadcast_in_dim3A_73 = vector.broadcast %broadcast_in_dim3A_72 : f32 to vector<16xf32>
      %swap3A_74 = arith.index_cast %scan3A_57 : i32 to index
      %swap3A_75 = arith.constant 48 : index
      %swap3A_76 = tpu.vector_load %arg11[%swap3A_74, %swap3A_75] {strides = array<i32>} : memref<128x128xf32, #tpu.memory_space<vmem>>, vector<16xf32>,
      tpu.vector_store %arg11[%swap3A_74, %swap3A_75], %broadcast_in_dim3A_73 {strides = array<i32>} : memref<128x128xf32, #tpu.memory_space<vmem>>, vector<16xf32>,
      %broadcast_in_dim3A_77 = arith.constant 0.000000e+00 : f32
      %broadcast_in_dim3A_78 = vector.broadcast %broadcast_in_dim3A_77 : f32 to vector<16xf32>
      %swap3A_79 = arith.index_cast %scan3A_57 : i32 to index
      %swap3A_80 = arith.constant 64 : index
      %swap3A_81 = tpu.vector_load %arg11[%swap3A_79, %swap3A_80] {strides = array<i32>} : memref<128x128xf32, #tpu.memory_space<vmem>>, vector<16xf32>,
      tpu.vector_store %arg11[%swap3A_79, %swap3A_80], %broadcast_in_dim3A_78 {strides = array<i32>} : memref<128x128xf32, #tpu.memory_space<vmem>>, vector<16xf32>,
      %broadcast_in_dim3A_82 = arith.constant 0.000000e+00 : f32
      %broadcast_in_dim3A_83 = vector.broadcast %broadcast_in_dim3A_82 : f32 to vector<16xf32>
      %swap3A_84 = arith.index_cast %scan3A_57 : i32 to index
      %swap3A_85 = arith.constant 80 : index
      %swap3A_86 = tpu.vector_load %arg11[%swap3A_84, %swap3A_85] {strides = array<i32>} : memref<128x128xf32, #tpu.memory_space<vmem>>, vector<16xf32>,
      tpu.vector_store %arg11[%swap3A_84, %swap3A_85], %broadcast_in_dim3A_83 {strides = array<i32>} : memref<128x128xf32, #tpu.memory_space<vmem>>, vector<16xf32>,
      %broadcast_in_dim3A_87 = arith.constant 0.000000e+00 : f32
      %broadcast_in_dim3A_88 = vector.broadcast %broadcast_in_dim3A_87 : f32 to vector<16xf32>
      %swap3A_89 = arith.index_cast %scan3A_57 : i32 to index
      %swap3A_90 = arith.constant 96 : index
      %swap3A_91 = tpu.vector_load %arg11[%swap3A_89, %swap3A_90] {strides = array<i32>} : memref<128x128xf32, #tpu.memory_space<vmem>>, vector<16xf32>,
      tpu.vector_store %arg11[%swap3A_89, %swap3A_90], %broadcast_in_dim3A_88 {strides = array<i32>} : memref<128x128xf32, #tpu.memory_space<vmem>>, vector<16xf32>,
      %broadcast_in_dim3A_92 = arith.constant 0.000000e+00 : f32
      %broadcast_in_dim3A_93 = vector.broadcast %broadcast_in_dim3A_92 : f32 to vector<16xf32>
      %swap3A_94 = arith.index_cast %scan3A_57 : i32 to index
      %swap3A_95 = arith.constant 112 : index
      %swap3A_96 = tpu.vector_load %arg11[%swap3A_94, %swap3A_95] {strides = array<i32>} : memref<128x128xf32, #tpu.memory_space<vmem>>, vector<16xf32>,
      tpu.vector_store %arg11[%swap3A_94, %swap3A_95], %broadcast_in_dim3A_93 {strides = array<i32>} : memref<128x128xf32, #tpu.memory_space<vmem>>, vector<16xf32>,
      %scan3A_97 = arith.constant 0 : i32
      scf.yield %scan3A_97 : i32
    }
    %scan3A_6 = arith.constant 128 : i32
    %mul3A_7 = arith.constant 640 : i32
    %mul3A_8 = arith.muli %arg1, %mul3A_7 : i32
    %add3A_9 = arith.constant 0 : i32
    %add3A_10 = arith.addi %mul3A_8, %add3A_9 : i32
    "tpu.region"() ({
      %run_scoped3A = tpu.sem_alloc : memref<!tpu.dma_semaphore, #tpu.memory_space<semaphore_mem>>
      %dma_start3A = arith.constant 0 : i32
      %dma_start3A_57 = tpu.memref_slice %arg12[%add3A_10, %dma_start3A] : memref<10240x128xf32, #tpu.memory_space<vmem_shared>> -> memref<128x128xf32, #tpu.memory_space<vmem_shared>>
      %dma_start3A_58 = arith.constant 0 : i32
      %dma_start3A_59 = tpu.memref_slice %arg12[%add3A_10, %dma_start3A_58] : memref<10240x128xf32, #tpu.memory_space<vmem_shared>> -> memref<128x128xf32, #tpu.memory_space<vmem_shared>>
      tpu.enqueue_dma source(%arg11 : memref<128x128xf32, #tpu.memory_space<vmem>>) target(%dma_start3A_59 : memref<128x128xf32, #tpu.memory_space<vmem_shared>>) target_semaphore(%run_scoped3A : memref<!tpu.dma_semaphore, #tpu.memory_space<semaphore_mem>>)
      %dma_wait3A = arith.constant 0 : i32
      %dma_wait3A_60 = tpu.memref_slice %arg12[%add3A_10, %dma_wait3A] : memref<10240x128xf32, #tpu.memory_space<vmem_shared>> -> memref<128x128xf32, #tpu.memory_space<vmem_shared>>
      %dma_wait3A_61 = arith.constant 0 : i32
      %dma_wait3A_62 = tpu.memref_slice %arg12[%add3A_10, %dma_wait3A_61] : memref<10240x128xf32, #tpu.memory_space<vmem_shared>> -> memref<128x128xf32, #tpu.memory_space<vmem_shared>>
      tpu.wait_dma2 semaphore(%run_scoped3A : memref<!tpu.dma_semaphore, #tpu.memory_space<semaphore_mem>>) src(%arg11 : memref<128x128xf32, #tpu.memory_space<vmem>>) dst(%dma_wait3A_62 : memref<128x128xf32, #tpu.memory_space<vmem_shared>>)
      tpu.yield
    }) : () -> ()
    %mul3A_11 = arith.constant 640 : i32
    %mul3A_12 = arith.muli %arg1, %mul3A_11 : i32
    %add3A_13 = arith.constant 128 : i32
    %add3A_14 = arith.addi %mul3A_12, %add3A_13 : i32
    "tpu.region"() ({
      %run_scoped3A = tpu.sem_alloc : memref<!tpu.dma_semaphore, #tpu.memory_space<semaphore_mem>>
      %dma_start3A = arith.constant 0 : i32
      %dma_start3A_57 = tpu.memref_slice %arg12[%add3A_14, %dma_start3A] : memref<10240x128xf32, #tpu.memory_space<vmem_shared>> -> memref<128x128xf32, #tpu.memory_space<vmem_shared>>
      %dma_start3A_58 = arith.constant 0 : i32
      %dma_start3A_59 = tpu.memref_slice %arg12[%add3A_14, %dma_start3A_58] : memref<10240x128xf32, #tpu.memory_space<vmem_shared>> -> memref<128x128xf32, #tpu.memory_space<vmem_shared>>
      tpu.enqueue_dma source(%arg11 : memref<128x128xf32, #tpu.memory_space<vmem>>) target(%dma_start3A_59 : memref<128x128xf32, #tpu.memory_space<vmem_shared>>) target_semaphore(%run_scoped3A : memref<!tpu.dma_semaphore, #tpu.memory_space<semaphore_mem>>)
      %dma_wait3A = arith.constant 0 : i32
      %dma_wait3A_60 = tpu.memref_slice %arg12[%add3A_14, %dma_wait3A] : memref<10240x128xf32, #tpu.memory_space<vmem_shared>> -> memref<128x128xf32, #tpu.memory_space<vmem_shared>>
      %dma_wait3A_61 = arith.constant 0 : i32
      %dma_wait3A_62 = tpu.memref_slice %arg12[%add3A_14, %dma_wait3A_61] : memref<10240x128xf32, #tpu.memory_space<vmem_shared>> -> memref<128x128xf32, #tpu.memory_space<vmem_shared>>
      tpu.wait_dma2 semaphore(%run_scoped3A : memref<!tpu.dma_semaphore, #tpu.memory_space<semaphore_mem>>) src(%arg11 : memref<128x128xf32, #tpu.memory_space<vmem>>) dst(%dma_wait3A_62 : memref<128x128xf32, #tpu.memory_space<vmem_shared>>)
      tpu.yield
    }) : () -> ()
    %mul3A_15 = arith.constant 640 : i32
    %mul3A_16 = arith.muli %arg1, %mul3A_15 : i32
    %add3A_17 = arith.constant 256 : i32
    %add3A_18 = arith.addi %mul3A_16, %add3A_17 : i32
    "tpu.region"() ({
      %run_scoped3A = tpu.sem_alloc : memref<!tpu.dma_semaphore, #tpu.memory_space<semaphore_mem>>
      %dma_start3A = arith.constant 0 : i32
      %dma_start3A_57 = tpu.memref_slice %arg12[%add3A_18, %dma_start3A] : memref<10240x128xf32, #tpu.memory_space<vmem_shared>> -> memref<128x128xf32, #tpu.memory_space<vmem_shared>>
      %dma_start3A_58 = arith.constant 0 : i32
      %dma_start3A_59 = tpu.memref_slice %arg12[%add3A_18, %dma_start3A_58] : memref<10240x128xf32, #tpu.memory_space<vmem_shared>> -> memref<128x128xf32, #tpu.memory_space<vmem_shared>>
      tpu.enqueue_dma source(%arg11 : memref<128x128xf32, #tpu.memory_space<vmem>>) target(%dma_start3A_59 : memref<128x128xf32, #tpu.memory_space<vmem_shared>>) target_semaphore(%run_scoped3A : memref<!tpu.dma_semaphore, #tpu.memory_space<semaphore_mem>>)
      %dma_wait3A = arith.constant 0 : i32
      %dma_wait3A_60 = tpu.memref_slice %arg12[%add3A_18, %dma_wait3A] : memref<10240x128xf32, #tpu.memory_space<vmem_shared>> -> memref<128x128xf32, #tpu.memory_space<vmem_shared>>
      %dma_wait3A_61 = arith.constant 0 : i32
      %dma_wait3A_62 = tpu.memref_slice %arg12[%add3A_18, %dma_wait3A_61] : memref<10240x128xf32, #tpu.memory_space<vmem_shared>> -> memref<128x128xf32, #tpu.memory_space<vmem_shared>>
      tpu.wait_dma2 semaphore(%run_scoped3A : memref<!tpu.dma_semaphore, #tpu.memory_space<semaphore_mem>>) src(%arg11 : memref<128x128xf32, #tpu.memory_space<vmem>>) dst(%dma_wait3A_62 : memref<128x128xf32, #tpu.memory_space<vmem_shared>>)
      tpu.yield
    }) : () -> ()
    %mul3A_19 = arith.constant 640 : i32
    %mul3A_20 = arith.muli %arg1, %mul3A_19 : i32
    %add3A_21 = arith.constant 384 : i32
    %add3A_22 = arith.addi %mul3A_20, %add3A_21 : i32
    "tpu.region"() ({
      %run_scoped3A = tpu.sem_alloc : memref<!tpu.dma_semaphore, #tpu.memory_space<semaphore_mem>>
      %dma_start3A = arith.constant 0 : i32
      %dma_start3A_57 = tpu.memref_slice %arg12[%add3A_22, %dma_start3A] : memref<10240x128xf32, #tpu.memory_space<vmem_shared>> -> memref<128x128xf32, #tpu.memory_space<vmem_shared>>
      %dma_start3A_58 = arith.constant 0 : i32
      %dma_start3A_59 = tpu.memref_slice %arg12[%add3A_22, %dma_start3A_58] : memref<10240x128xf32, #tpu.memory_space<vmem_shared>> -> memref<128x128xf32, #tpu.memory_space<vmem_shared>>
      tpu.enqueue_dma source(%arg11 : memref<128x128xf32, #tpu.memory_space<vmem>>) target(%dma_start3A_59 : memref<128x128xf32, #tpu.memory_space<vmem_shared>>) target_semaphore(%run_scoped3A : memref<!tpu.dma_semaphore, #tpu.memory_space<semaphore_mem>>)
      %dma_wait3A = arith.constant 0 : i32
      %dma_wait3A_60 = tpu.memref_slice %arg12[%add3A_22, %dma_wait3A] : memref<10240x128xf32, #tpu.memory_space<vmem_shared>> -> memref<128x128xf32, #tpu.memory_space<vmem_shared>>
      %dma_wait3A_61 = arith.constant 0 : i32
      %dma_wait3A_62 = tpu.memref_slice %arg12[%add3A_22, %dma_wait3A_61] : memref<10240x128xf32, #tpu.memory_space<vmem_shared>> -> memref<128x128xf32, #tpu.memory_space<vmem_shared>>
      tpu.wait_dma2 semaphore(%run_scoped3A : memref<!tpu.dma_semaphore, #tpu.memory_space<semaphore_mem>>) src(%arg11 : memref<128x128xf32, #tpu.memory_space<vmem>>) dst(%dma_wait3A_62 : memref<128x128xf32, #tpu.memory_space<vmem_shared>>)
      tpu.yield
    }) : () -> ()
    %mul3A_23 = arith.constant 640 : i32
    %mul3A_24 = arith.muli %arg1, %mul3A_23 : i32
    %add3A_25 = arith.constant 512 : i32
    %add3A_26 = arith.addi %mul3A_24, %add3A_25 : i32
    "tpu.region"() ({
      %run_scoped3A = tpu.sem_alloc : memref<!tpu.dma_semaphore, #tpu.memory_space<semaphore_mem>>
      %dma_start3A = arith.constant 0 : i32
      %dma_start3A_57 = tpu.memref_slice %arg12[%add3A_26, %dma_start3A] : memref<10240x128xf32, #tpu.memory_space<vmem_shared>> -> memref<128x128xf32, #tpu.memory_space<vmem_shared>>
      %dma_start3A_58 = arith.constant 0 : i32
      %dma_start3A_59 = tpu.memref_slice %arg12[%add3A_26, %dma_start3A_58] : memref<10240x128xf32, #tpu.memory_space<vmem_shared>> -> memref<128x128xf32, #tpu.memory_space<vmem_shared>>
      tpu.enqueue_dma source(%arg11 : memref<128x128xf32, #tpu.memory_space<vmem>>) target(%dma_start3A_59 : memref<128x128xf32, #tpu.memory_space<vmem_shared>>) target_semaphore(%run_scoped3A : memref<!tpu.dma_semaphore, #tpu.memory_space<semaphore_mem>>)
      %dma_wait3A = arith.constant 0 : i32
      %dma_wait3A_60 = tpu.memref_slice %arg12[%add3A_26, %dma_wait3A] : memref<10240x128xf32, #tpu.memory_space<vmem_shared>> -> memref<128x128xf32, #tpu.memory_space<vmem_shared>>
      %dma_wait3A_61 = arith.constant 0 : i32
      %dma_wait3A_62 = tpu.memref_slice %arg12[%add3A_26, %dma_wait3A_61] : memref<10240x128xf32, #tpu.memory_space<vmem_shared>> -> memref<128x128xf32, #tpu.memory_space<vmem_shared>>
      tpu.wait_dma2 semaphore(%run_scoped3A : memref<!tpu.dma_semaphore, #tpu.memory_space<semaphore_mem>>) src(%arg11 : memref<128x128xf32, #tpu.memory_space<vmem>>) dst(%dma_wait3A_62 : memref<128x128xf32, #tpu.memory_space<vmem_shared>>)
      tpu.yield
    }) : () -> ()
    %barrier3A = arith.constant 0 : index
    tpu.barrier barrier_id(%barrier3A)
    %mul3A_27 = arith.constant 10000 : i32
    %mul3A_28 = arith.muli %add3A, %mul3A_27 : i32
    %scan3A_29 = arith.constant 0 : i32
    %scan3A_30 = arith.constant 0 : i32
    %scan3A_31 = arith.constant 125 : i32
    %scan3A_32 = arith.addi %scan3A_30, %scan3A_31 : i32
    %scan3A_33 = arith.constant 1 : i32
    %scan3A_34 = scf.for %scan3A_57 = %scan3A_30 to %scan3A_32 step %scan3A_33 iter_args(%scan3A_58 = %scan3A_29) -> (i32)  : i32 {
      %mul3A_59 = arith.constant 80 : i32
      %mul3A_60 = arith.muli %scan3A_57, %mul3A_59 : i32
      %add3A_61 = arith.addi %mul3A_28, %mul3A_60 : i32
      "tpu.region"() ({
        %run_scoped3A = tpu.sem_alloc : memref<!tpu.dma_semaphore, #tpu.memory_space<semaphore_mem>>
        %dma_start3A_74 = tpu.memref_slice %arg3[%add3A_61] : memref<320000xi32, #tpu.memory_space<hbm>> -> memref<80xi32, #tpu.memory_space<hbm>>
        %dma_start3A_75 = tpu.memref_slice %arg3[%add3A_61] : memref<320000xi32, #tpu.memory_space<hbm>> -> memref<80xi32, #tpu.memory_space<hbm>>
        tpu.enqueue_dma source(%dma_start3A_75 : memref<80xi32, #tpu.memory_space<hbm>>) target(%arg7 : memref<80xi32, #tpu.memory_space<vmem>>) target_semaphore(%run_scoped3A : memref<!tpu.dma_semaphore, #tpu.memory_space<semaphore_mem>>)
        %dma_wait3A_76 = tpu.memref_slice %arg3[%add3A_61] : memref<320000xi32, #tpu.memory_space<hbm>> -> memref<80xi32, #tpu.memory_space<hbm>>
        %dma_wait3A_77 = tpu.memref_slice %arg3[%add3A_61] : memref<320000xi32, #tpu.memory_space<hbm>> -> memref<80xi32, #tpu.memory_space<hbm>>
        tpu.wait_dma2 semaphore(%run_scoped3A : memref<!tpu.dma_semaphore, #tpu.memory_space<semaphore_mem>>) src(%dma_wait3A_77 : memref<80xi32, #tpu.memory_space<hbm>>) dst(%arg7 : memref<80xi32, #tpu.memory_space<vmem>>)
        tpu.yield
      }) : () -> ()
      "tpu.region"() ({
        %run_scoped3A = tpu.sem_alloc : memref<!tpu.dma_semaphore, #tpu.memory_space<semaphore_mem>>
        %dma_start3A_74 = tpu.memref_slice %arg5[%add3A_61] : memref<320000xi32, #tpu.memory_space<hbm>> -> memref<80xi32, #tpu.memory_space<hbm>>
        %dma_start3A_75 = tpu.memref_slice %arg5[%add3A_61] : memref<320000xi32, #tpu.memory_space<hbm>> -> memref<80xi32, #tpu.memory_space<hbm>>
        tpu.enqueue_dma source(%dma_start3A_75 : memref<80xi32, #tpu.memory_space<hbm>>) target(%arg8 : memref<80xi32, #tpu.memory_space<vmem>>) target_semaphore(%run_scoped3A : memref<!tpu.dma_semaphore, #tpu.memory_space<semaphore_mem>>)
        %dma_wait3A_76 = tpu.memref_slice %arg5[%add3A_61] : memref<320000xi32, #tpu.memory_space<hbm>> -> memref<80xi32, #tpu.memory_space<hbm>>
        %dma_wait3A_77 = tpu.memref_slice %arg5[%add3A_61] : memref<320000xi32, #tpu.memory_space<hbm>> -> memref<80xi32, #tpu.memory_space<hbm>>
        tpu.wait_dma2 semaphore(%run_scoped3A : memref<!tpu.dma_semaphore, #tpu.memory_space<semaphore_mem>>) src(%dma_wait3A_77 : memref<80xi32, #tpu.memory_space<hbm>>) dst(%arg8 : memref<80xi32, #tpu.memory_space<vmem>>)
        tpu.yield
      }) : () -> ()
      "tpu.region"() ({
        %run_scoped3A = tpu.sem_alloc : memref<!tpu.dma_semaphore, #tpu.memory_space<semaphore_mem>>
        %dma_start3A_74 = arith.constant 0 : i32
        %dma_start3A_75 = tpu.memref_slice %arg9[%dma_start3A_74] : memref<96xf32, #tpu.memory_space<vmem>> -> memref<80xf32, #tpu.memory_space<vmem>>
        %dma_start3A_76 = tpu.memref_slice %arg4[%add3A_61] : memref<320000xf32, #tpu.memory_space<hbm>> -> memref<80xf32, #tpu.memory_space<hbm>>
        %dma_start3A_77 = arith.constant 0 : i32
        %dma_start3A_78 = tpu.memref_slice %arg9[%dma_start3A_77] : memref<96xf32, #tpu.memory_space<vmem>> -> memref<80xf32, #tpu.memory_space<vmem>>
        %dma_start3A_79 = tpu.memref_slice %arg4[%add3A_61] : memref<320000xf32, #tpu.memory_space<hbm>> -> memref<80xf32, #tpu.memory_space<hbm>>
        tpu.enqueue_dma source(%dma_start3A_79 : memref<80xf32, #tpu.memory_space<hbm>>) target(%dma_start3A_78 : memref<80xf32, #tpu.memory_space<vmem>>) target_semaphore(%run_scoped3A : memref<!tpu.dma_semaphore, #tpu.memory_space<semaphore_mem>>)
        %dma_wait3A_80 = arith.constant 0 : i32
        %dma_wait3A_81 = tpu.memref_slice %arg9[%dma_wait3A_80] : memref<96xf32, #tpu.memory_space<vmem>> -> memref<80xf32, #tpu.memory_space<vmem>>
        %dma_wait3A_82 = tpu.memref_slice %arg4[%add3A_61] : memref<320000xf32, #tpu.memory_space<hbm>> -> memref<80xf32, #tpu.memory_space<hbm>>
        %dma_wait3A_83 = arith.constant 0 : i32
        %dma_wait3A_84 = tpu.memref_slice %arg9[%dma_wait3A_83] : memref<96xf32, #tpu.memory_space<vmem>> -> memref<80xf32, #tpu.memory_space<vmem>>
        %dma_wait3A_85 = tpu.memref_slice %arg4[%add3A_61] : memref<320000xf32, #tpu.memory_space<hbm>> -> memref<80xf32, #tpu.memory_space<hbm>>
        tpu.wait_dma2 semaphore(%run_scoped3A : memref<!tpu.dma_semaphore, #tpu.memory_space<semaphore_mem>>) src(%dma_wait3A_85 : memref<80xf32, #tpu.memory_space<hbm>>) dst(%dma_wait3A_84 : memref<80xf32, #tpu.memory_space<vmem>>)
        tpu.yield
      }) : () -> ()
      %dma_start3A = arith.constant 0 : i32
      %dma_start3A_62 = arith.constant 0 : i32
      %dma_start3A_63 = tpu.memref_slice %arg2[%dma_start3A, %dma_start3A_62] : memref<160000x128xf32, #tpu.memory_space<hbm>> -> memref<160000x128xf32, #tpu.memory_space<hbm>>
      tpu.enqueue_indirect_dma source(%dma_start3A_63 : memref<160000x128xf32, #tpu.memory_space<hbm>>) target(%arg10 : memref<80x128xf32, #tpu.memory_space<vmem>>) offsets(%arg7 : memref<80xi32, #tpu.memory_space<vmem>>) semaphore(%arg13 : memref<!tpu.dma_semaphore, #tpu.memory_space<semaphore_mem>>)
      %dma_wait3A = arith.constant 0 : i32
      %dma_wait3A_64 = arith.constant 0 : i32
      %dma_wait3A_65 = tpu.memref_slice %arg2[%dma_wait3A, %dma_wait3A_64] : memref<160000x128xf32, #tpu.memory_space<hbm>> -> memref<160000x128xf32, #tpu.memory_space<hbm>>
      tpu.wait_indirect_dma semaphore(%arg13 : memref<!tpu.dma_semaphore, #tpu.memory_space<semaphore_mem>>) src(%dma_wait3A_65 : memref<160000x128xf32, #tpu.memory_space<hbm>>) dst(%arg10 : memref<80x128xf32, #tpu.memory_space<vmem>>)
      %scan3A_66 = arith.constant 0 : i32
      %scan3A_67 = arith.constant 0 : i32
      %scan3A_68 = arith.constant 80 : i32
      %scan3A_69 = arith.addi %scan3A_67, %scan3A_68 : i32
      %scan3A_70 = arith.constant 1 : i32
      %scan3A_71 = scf.for %scan3A_74 = %scan3A_67 to %scan3A_69 step %scan3A_70 iter_args(%scan3A_75 = %scan3A_66) -> (i32)  : i32 {
        %get3A = arith.index_cast %scan3A_74 : i32 to index
        %get3A_76 = tpu.vector_load %arg9[%get3A] {strides = array<i32>} : memref<96xf32, #tpu.memory_space<vmem>>, vector<16xf32>,
        %slice3A = vector.extract_strided_slice %get3A_76 {offsets = [0], sizes = [1], strides = [1]} : vector<16xf32> to vector<1xf32>
        %squeeze3A = vector.extract %slice3A[0] : f32 from vector<1xf32>
        %get3A_77 = arith.index_cast %scan3A_74 : i32 to index
        %get3A_78 = arith.constant 0 : index
        %get3A_79 = tpu.vector_load %arg10[%get3A_77, %get3A_78] {strides = array<i32>} : memref<80x128xf32, #tpu.memory_space<vmem>>, vector<16xf32>,
        %mul3A_80 = vector.broadcast %squeeze3A : f32 to vector<16xf32>
        %mul3A_81 = arith.mulf %get3A_79, %mul3A_80 : vector<16xf32>
        %swap3A = arith.index_cast %scan3A_74 : i32 to index
        %swap3A_82 = arith.constant 0 : index
        %swap3A_83 = tpu.vector_load %arg10[%swap3A, %swap3A_82] {strides = array<i32>} : memref<80x128xf32, #tpu.memory_space<vmem>>, vector<16xf32>,
        tpu.vector_store %arg10[%swap3A, %swap3A_82], %mul3A_81 {strides = array<i32>} : memref<80x128xf32, #tpu.memory_space<vmem>>, vector<16xf32>,
        %get3A_84 = arith.index_cast %scan3A_74 : i32 to index
        %get3A_85 = arith.constant 16 : index
        %get3A_86 = tpu.vector_load %arg10[%get3A_84, %get3A_85] {strides = array<i32>} : memref<80x128xf32, #tpu.memory_space<vmem>>, vector<16xf32>,
        %mul3A_87 = vector.broadcast %squeeze3A : f32 to vector<16xf32>
        %mul3A_88 = arith.mulf %get3A_86, %mul3A_87 : vector<16xf32>
        %swap3A_89 = arith.index_cast %scan3A_74 : i32 to index
        %swap3A_90 = arith.constant 16 : index
        %swap3A_91 = tpu.vector_load %arg10[%swap3A_89, %swap3A_90] {strides = array<i32>} : memref<80x128xf32, #tpu.memory_space<vmem>>, vector<16xf32>,
        tpu.vector_store %arg10[%swap3A_89, %swap3A_90], %mul3A_88 {strides = array<i32>} : memref<80x128xf32, #tpu.memory_space<vmem>>, vector<16xf32>,
        %get3A_92 = arith.index_cast %scan3A_74 : i32 to index
        %get3A_93 = arith.constant 32 : index
        %get3A_94 = tpu.vector_load %arg10[%get3A_92, %get3A_93] {strides = array<i32>} : memref<80x128xf32, #tpu.memory_space<vmem>>, vector<16xf32>,
        %mul3A_95 = vector.broadcast %squeeze3A : f32 to vector<16xf32>
        %mul3A_96 = arith.mulf %get3A_94, %mul3A_95 : vector<16xf32>
        %swap3A_97 = arith.index_cast %scan3A_74 : i32 to index
        %swap3A_98 = arith.constant 32 : index
        %swap3A_99 = tpu.vector_load %arg10[%swap3A_97, %swap3A_98] {strides = array<i32>} : memref<80x128xf32, #tpu.memory_space<vmem>>, vector<16xf32>,
        tpu.vector_store %arg10[%swap3A_97, %swap3A_98], %mul3A_96 {strides = array<i32>} : memref<80x128xf32, #tpu.memory_space<vmem>>, vector<16xf32>,
        %get3A_100 = arith.index_cast %scan3A_74 : i32 to index
        %get3A_101 = arith.constant 48 : index
        %get3A_102 = tpu.vector_load %arg10[%get3A_100, %get3A_101] {strides = array<i32>} : memref<80x128xf32, #tpu.memory_space<vmem>>, vector<16xf32>,
        %mul3A_103 = vector.broadcast %squeeze3A : f32 to vector<16xf32>
        %mul3A_104 = arith.mulf %get3A_102, %mul3A_103 : vector<16xf32>
        %swap3A_105 = arith.index_cast %scan3A_74 : i32 to index
        %swap3A_106 = arith.constant 48 : index
        %swap3A_107 = tpu.vector_load %arg10[%swap3A_105, %swap3A_106] {strides = array<i32>} : memref<80x128xf32, #tpu.memory_space<vmem>>, vector<16xf32>,
        tpu.vector_store %arg10[%swap3A_105, %swap3A_106], %mul3A_104 {strides = array<i32>} : memref<80x128xf32, #tpu.memory_space<vmem>>, vector<16xf32>,
        %get3A_108 = arith.index_cast %scan3A_74 : i32 to index
        %get3A_109 = arith.constant 64 : index
        %get3A_110 = tpu.vector_load %arg10[%get3A_108, %get3A_109] {strides = array<i32>} : memref<80x128xf32, #tpu.memory_space<vmem>>, vector<16xf32>,
        %mul3A_111 = vector.broadcast %squeeze3A : f32 to vector<16xf32>
        %mul3A_112 = arith.mulf %get3A_110, %mul3A_111 : vector<16xf32>
        %swap3A_113 = arith.index_cast %scan3A_74 : i32 to index
        %swap3A_114 = arith.constant 64 : index
        %swap3A_115 = tpu.vector_load %arg10[%swap3A_113, %swap3A_114] {strides = array<i32>} : memref<80x128xf32, #tpu.memory_space<vmem>>, vector<16xf32>,
        tpu.vector_store %arg10[%swap3A_113, %swap3A_114], %mul3A_112 {strides = array<i32>} : memref<80x128xf32, #tpu.memory_space<vmem>>, vector<16xf32>,
        %get3A_116 = arith.index_cast %scan3A_74 : i32 to index
        %get3A_117 = arith.constant 80 : index
        %get3A_118 = tpu.vector_load %arg10[%get3A_116, %get3A_117] {strides = array<i32>} : memref<80x128xf32, #tpu.memory_space<vmem>>, vector<16xf32>,
        %mul3A_119 = vector.broadcast %squeeze3A : f32 to vector<16xf32>
        %mul3A_120 = arith.mulf %get3A_118, %mul3A_119 : vector<16xf32>
        %swap3A_121 = arith.index_cast %scan3A_74 : i32 to index
        %swap3A_122 = arith.constant 80 : index
        %swap3A_123 = tpu.vector_load %arg10[%swap3A_121, %swap3A_122] {strides = array<i32>} : memref<80x128xf32, #tpu.memory_space<vmem>>, vector<16xf32>,
        tpu.vector_store %arg10[%swap3A_121, %swap3A_122], %mul3A_120 {strides = array<i32>} : memref<80x128xf32, #tpu.memory_space<vmem>>, vector<16xf32>,
        %get3A_124 = arith.index_cast %scan3A_74 : i32 to index
        %get3A_125 = arith.constant 96 : index
        %get3A_126 = tpu.vector_load %arg10[%get3A_124, %get3A_125] {strides = array<i32>} : memref<80x128xf32, #tpu.memory_space<vmem>>, vector<16xf32>,
        %mul3A_127 = vector.broadcast %squeeze3A : f32 to vector<16xf32>
        %mul3A_128 = arith.mulf %get3A_126, %mul3A_127 : vector<16xf32>
        %swap3A_129 = arith.index_cast %scan3A_74 : i32 to index
        %swap3A_130 = arith.constant 96 : index
        %swap3A_131 = tpu.vector_load %arg10[%swap3A_129, %swap3A_130] {strides = array<i32>} : memref<80x128xf32, #tpu.memory_space<vmem>>, vector<16xf32>,
        tpu.vector_store %arg10[%swap3A_129, %swap3A_130], %mul3A_128 {strides = array<i32>} : memref<80x128xf32, #tpu.memory_space<vmem>>, vector<16xf32>,
        %get3A_132 = arith.index_cast %scan3A_74 : i32 to index
        %get3A_133 = arith.constant 112 : index
        %get3A_134 = tpu.vector_load %arg10[%get3A_132, %get3A_133] {strides = array<i32>} : memref<80x128xf32, #tpu.memory_space<vmem>>, vector<16xf32>,
        %mul3A_135 = vector.broadcast %squeeze3A : f32 to vector<16xf32>
        %mul3A_136 = arith.mulf %get3A_134, %mul3A_135 : vector<16xf32>
        %swap3A_137 = arith.index_cast %scan3A_74 : i32 to index
        %swap3A_138 = arith.constant 112 : index
        %swap3A_139 = tpu.vector_load %arg10[%swap3A_137, %swap3A_138] {strides = array<i32>} : memref<80x128xf32, #tpu.memory_space<vmem>>, vector<16xf32>,
        tpu.vector_store %arg10[%swap3A_137, %swap3A_138], %mul3A_136 {strides = array<i32>} : memref<80x128xf32, #tpu.memory_space<vmem>>, vector<16xf32>,
        %scan3A_140 = arith.constant 0 : i32
        scf.yield %scan3A_140 : i32
      }
      %scan3A_72 = arith.constant 80 : i32
      "tpu.region"() ({
        %run_scoped3A = tpu.sem_alloc : memref<!tpu.dma_semaphore, #tpu.memory_space<semaphore_mem>>
        %dma_start3A_74 = arith.constant 0 : i32
        %dma_start3A_75 = arith.constant 0 : i32
        %dma_start3A_76 = tpu.memref_slice %arg12[%dma_start3A_74, %dma_start3A_75] : memref<10240x128xf32, #tpu.memory_space<vmem_shared>> -> memref<10240x128xf32, #tpu.memory_space<vmem_shared>>
        tpu.enqueue_indirect_dma source(%arg10 : memref<80x128xf32, #tpu.memory_space<vmem>>) target(%dma_start3A_76 : memref<10240x128xf32, #tpu.memory_space<vmem_shared>>) offsets(%arg8 : memref<80xi32, #tpu.memory_space<vmem>>) semaphore(%run_scoped3A : memref<!tpu.dma_semaphore, #tpu.memory_space<semaphore_mem>>) {add = true}
        %dma_wait3A_77 = arith.constant 0 : i32
        %dma_wait3A_78 = arith.constant 0 : i32
        %dma_wait3A_79 = tpu.memref_slice %arg12[%dma_wait3A_77, %dma_wait3A_78] : memref<10240x128xf32, #tpu.memory_space<vmem_shared>> -> memref<10240x128xf32, #tpu.memory_space<vmem_shared>>
        tpu.wait_indirect_dma semaphore(%run_scoped3A : memref<!tpu.dma_semaphore, #tpu.memory_space<semaphore_mem>>) src(%arg10 : memref<80x128xf32, #tpu.memory_space<vmem>>) dst(%dma_wait3A_79 : memref<10240x128xf32, #tpu.memory_space<vmem_shared>>)
        tpu.yield
      }) : () -> ()
      %scan3A_73 = arith.constant 0 : i32
      scf.yield %scan3A_73 : i32
    }
    %scan3A_35 = arith.constant 125 : i32
    %barrier3A_36 = arith.constant 0 : index
    tpu.barrier barrier_id(%barrier3A_36)
    %mul3A_37 = arith.constant 640 : i32
    %mul3A_38 = arith.muli %arg1, %mul3A_37 : i32
    %add3A_39 = arith.constant 0 : i32
    %add3A_40 = arith.addi %mul3A_38, %add3A_39 : i32
    "tpu.region"() ({
      %run_scoped3A = tpu.sem_alloc : memref<!tpu.dma_semaphore, #tpu.memory_space<semaphore_mem>>
      %dma_start3A = arith.constant 0 : i32
      %dma_start3A_57 = tpu.memref_slice %arg12[%add3A_40, %dma_start3A] : memref<10240x128xf32, #tpu.memory_space<vmem_shared>> -> memref<128x128xf32, #tpu.memory_space<vmem_shared>>
      %dma_start3A_58 = arith.constant 0 : i32
      %dma_start3A_59 = tpu.memref_slice %arg12[%add3A_40, %dma_start3A_58] : memref<10240x128xf32, #tpu.memory_space<vmem_shared>> -> memref<128x128xf32, #tpu.memory_space<vmem_shared>>
      tpu.enqueue_dma source(%dma_start3A_59 : memref<128x128xf32, #tpu.memory_space<vmem_shared>>) target(%arg11 : memref<128x128xf32, #tpu.memory_space<vmem>>) target_semaphore(%run_scoped3A : memref<!tpu.dma_semaphore, #tpu.memory_space<semaphore_mem>>)
      %dma_wait3A = arith.constant 0 : i32
      %dma_wait3A_60 = tpu.memref_slice %arg12[%add3A_40, %dma_wait3A] : memref<10240x128xf32, #tpu.memory_space<vmem_shared>> -> memref<128x128xf32, #tpu.memory_space<vmem_shared>>
      %dma_wait3A_61 = arith.constant 0 : i32
      %dma_wait3A_62 = tpu.memref_slice %arg12[%add3A_40, %dma_wait3A_61] : memref<10240x128xf32, #tpu.memory_space<vmem_shared>> -> memref<128x128xf32, #tpu.memory_space<vmem_shared>>
      tpu.wait_dma2 semaphore(%run_scoped3A : memref<!tpu.dma_semaphore, #tpu.memory_space<semaphore_mem>>) src(%dma_wait3A_62 : memref<128x128xf32, #tpu.memory_space<vmem_shared>>) dst(%arg11 : memref<128x128xf32, #tpu.memory_space<vmem>>)
      tpu.yield
    }) : () -> ()
    "tpu.region"() ({
      %run_scoped3A = tpu.sem_alloc : memref<!tpu.dma_semaphore, #tpu.memory_space<semaphore_mem>>
      %dma_start3A = arith.constant 0 : i32
      %dma_start3A_57 = tpu.memref_slice %arg6[%arg0, %add3A_40, %dma_start3A] : memref<2x10240x128xf32, #tpu.memory_space<hbm>> -> memref<1x128x128xf32, #tpu.memory_space<hbm>>
      %dma_start3A_58 = tpu.memref_squeeze %dma_start3A_57 : memref<1x128x128xf32, #tpu.memory_space<hbm>> -> memref<128x128xf32, #tpu.memory_space<hbm>>
      %dma_start3A_59 = arith.constant 0 : i32
      %dma_start3A_60 = tpu.memref_slice %arg6[%arg0, %add3A_40, %dma_start3A_59] : memref<2x10240x128xf32, #tpu.memory_space<hbm>> -> memref<1x128x128xf32, #tpu.memory_space<hbm>>
      %dma_start3A_61 = tpu.memref_squeeze %dma_start3A_60 : memref<1x128x128xf32, #tpu.memory_space<hbm>> -> memref<128x128xf32, #tpu.memory_space<hbm>>
      tpu.enqueue_dma source(%arg11 : memref<128x128xf32, #tpu.memory_space<vmem>>) target(%dma_start3A_61 : memref<128x128xf32, #tpu.memory_space<hbm>>) target_semaphore(%run_scoped3A : memref<!tpu.dma_semaphore, #tpu.memory_space<semaphore_mem>>)
      %dma_wait3A = arith.constant 0 : i32
      %dma_wait3A_62 = tpu.memref_slice %arg6[%arg0, %add3A_40, %dma_wait3A] : memref<2x10240x128xf32, #tpu.memory_space<hbm>> -> memref<1x128x128xf32, #tpu.memory_space<hbm>>
      %dma_wait3A_63 = tpu.memref_squeeze %dma_wait3A_62 : memref<1x128x128xf32, #tpu.memory_space<hbm>> -> memref<128x128xf32, #tpu.memory_space<hbm>>
      %dma_wait3A_64 = arith.constant 0 : i32
      %dma_wait3A_65 = tpu.memref_slice %arg6[%arg0, %add3A_40, %dma_wait3A_64] : memref<2x10240x128xf32, #tpu.memory_space<hbm>> -> memref<1x128x128xf32, #tpu.memory_space<hbm>>
      %dma_wait3A_66 = tpu.memref_squeeze %dma_wait3A_65 : memref<1x128x128xf32, #tpu.memory_space<hbm>> -> memref<128x128xf32, #tpu.memory_space<hbm>>
      tpu.wait_dma2 semaphore(%run_scoped3A : memref<!tpu.dma_semaphore, #tpu.memory_space<semaphore_mem>>) src(%arg11 : memref<128x128xf32, #tpu.memory_space<vmem>>) dst(%dma_wait3A_66 : memref<128x128xf32, #tpu.memory_space<hbm>>)
      tpu.yield
    }) : () -> ()
    %mul3A_41 = arith.constant 640 : i32
    %mul3A_42 = arith.muli %arg1, %mul3A_41 : i32
    %add3A_43 = arith.constant 128 : i32
    %add3A_44 = arith.addi %mul3A_42, %add3A_43 : i32
    "tpu.region"() ({
      %run_scoped3A = tpu.sem_alloc : memref<!tpu.dma_semaphore, #tpu.memory_space<semaphore_mem>>
      %dma_start3A = arith.constant 0 : i32
      %dma_start3A_57 = tpu.memref_slice %arg12[%add3A_44, %dma_start3A] : memref<10240x128xf32, #tpu.memory_space<vmem_shared>> -> memref<128x128xf32, #tpu.memory_space<vmem_shared>>
      %dma_start3A_58 = arith.constant 0 : i32
      %dma_start3A_59 = tpu.memref_slice %arg12[%add3A_44, %dma_start3A_58] : memref<10240x128xf32, #tpu.memory_space<vmem_shared>> -> memref<128x128xf32, #tpu.memory_space<vmem_shared>>
      tpu.enqueue_dma source(%dma_start3A_59 : memref<128x128xf32, #tpu.memory_space<vmem_shared>>) target(%arg11 : memref<128x128xf32, #tpu.memory_space<vmem>>) target_semaphore(%run_scoped3A : memref<!tpu.dma_semaphore, #tpu.memory_space<semaphore_mem>>)
      %dma_wait3A = arith.constant 0 : i32
      %dma_wait3A_60 = tpu.memref_slice %arg12[%add3A_44, %dma_wait3A] : memref<10240x128xf32, #tpu.memory_space<vmem_shared>> -> memref<128x128xf32, #tpu.memory_space<vmem_shared>>
      %dma_wait3A_61 = arith.constant 0 : i32
      %dma_wait3A_62 = tpu.memref_slice %arg12[%add3A_44, %dma_wait3A_61] : memref<10240x128xf32, #tpu.memory_space<vmem_shared>> -> memref<128x128xf32, #tpu.memory_space<vmem_shared>>
      tpu.wait_dma2 semaphore(%run_scoped3A : memref<!tpu.dma_semaphore, #tpu.memory_space<semaphore_mem>>) src(%dma_wait3A_62 : memref<128x128xf32, #tpu.memory_space<vmem_shared>>) dst(%arg11 : memref<128x128xf32, #tpu.memory_space<vmem>>)
      tpu.yield
    }) : () -> ()
    "tpu.region"() ({
      %run_scoped3A = tpu.sem_alloc : memref<!tpu.dma_semaphore, #tpu.memory_space<semaphore_mem>>
      %dma_start3A = arith.constant 0 : i32
      %dma_start3A_57 = tpu.memref_slice %arg6[%arg0, %add3A_44, %dma_start3A] : memref<2x10240x128xf32, #tpu.memory_space<hbm>> -> memref<1x128x128xf32, #tpu.memory_space<hbm>>
      %dma_start3A_58 = tpu.memref_squeeze %dma_start3A_57 : memref<1x128x128xf32, #tpu.memory_space<hbm>> -> memref<128x128xf32, #tpu.memory_space<hbm>>
      %dma_start3A_59 = arith.constant 0 : i32
      %dma_start3A_60 = tpu.memref_slice %arg6[%arg0, %add3A_44, %dma_start3A_59] : memref<2x10240x128xf32, #tpu.memory_space<hbm>> -> memref<1x128x128xf32, #tpu.memory_space<hbm>>
      %dma_start3A_61 = tpu.memref_squeeze %dma_start3A_60 : memref<1x128x128xf32, #tpu.memory_space<hbm>> -> memref<128x128xf32, #tpu.memory_space<hbm>>
      tpu.enqueue_dma source(%arg11 : memref<128x128xf32, #tpu.memory_space<vmem>>) target(%dma_start3A_61 : memref<128x128xf32, #tpu.memory_space<hbm>>) target_semaphore(%run_scoped3A : memref<!tpu.dma_semaphore, #tpu.memory_space<semaphore_mem>>)
      %dma_wait3A = arith.constant 0 : i32
      %dma_wait3A_62 = tpu.memref_slice %arg6[%arg0, %add3A_44, %dma_wait3A] : memref<2x10240x128xf32, #tpu.memory_space<hbm>> -> memref<1x128x128xf32, #tpu.memory_space<hbm>>
      %dma_wait3A_63 = tpu.memref_squeeze %dma_wait3A_62 : memref<1x128x128xf32, #tpu.memory_space<hbm>> -> memref<128x128xf32, #tpu.memory_space<hbm>>
      %dma_wait3A_64 = arith.constant 0 : i32
      %dma_wait3A_65 = tpu.memref_slice %arg6[%arg0, %add3A_44, %dma_wait3A_64] : memref<2x10240x128xf32, #tpu.memory_space<hbm>> -> memref<1x128x128xf32, #tpu.memory_space<hbm>>
      %dma_wait3A_66 = tpu.memref_squeeze %dma_wait3A_65 : memref<1x128x128xf32, #tpu.memory_space<hbm>> -> memref<128x128xf32, #tpu.memory_space<hbm>>
      tpu.wait_dma2 semaphore(%run_scoped3A : memref<!tpu.dma_semaphore, #tpu.memory_space<semaphore_mem>>) src(%arg11 : memref<128x128xf32, #tpu.memory_space<vmem>>) dst(%dma_wait3A_66 : memref<128x128xf32, #tpu.memory_space<hbm>>)
      tpu.yield
    }) : () -> ()
    %mul3A_45 = arith.constant 640 : i32
    %mul3A_46 = arith.muli %arg1, %mul3A_45 : i32
    %add3A_47 = arith.constant 256 : i32
    %add3A_48 = arith.addi %mul3A_46, %add3A_47 : i32
    "tpu.region"() ({
      %run_scoped3A = tpu.sem_alloc : memref<!tpu.dma_semaphore, #tpu.memory_space<semaphore_mem>>
      %dma_start3A = arith.constant 0 : i32
      %dma_start3A_57 = tpu.memref_slice %arg12[%add3A_48, %dma_start3A] : memref<10240x128xf32, #tpu.memory_space<vmem_shared>> -> memref<128x128xf32, #tpu.memory_space<vmem_shared>>
      %dma_start3A_58 = arith.constant 0 : i32
      %dma_start3A_59 = tpu.memref_slice %arg12[%add3A_48, %dma_start3A_58] : memref<10240x128xf32, #tpu.memory_space<vmem_shared>> -> memref<128x128xf32, #tpu.memory_space<vmem_shared>>
      tpu.enqueue_dma source(%dma_start3A_59 : memref<128x128xf32, #tpu.memory_space<vmem_shared>>) target(%arg11 : memref<128x128xf32, #tpu.memory_space<vmem>>) target_semaphore(%run_scoped3A : memref<!tpu.dma_semaphore, #tpu.memory_space<semaphore_mem>>)
      %dma_wait3A = arith.constant 0 : i32
      %dma_wait3A_60 = tpu.memref_slice %arg12[%add3A_48, %dma_wait3A] : memref<10240x128xf32, #tpu.memory_space<vmem_shared>> -> memref<128x128xf32, #tpu.memory_space<vmem_shared>>
      %dma_wait3A_61 = arith.constant 0 : i32
      %dma_wait3A_62 = tpu.memref_slice %arg12[%add3A_48, %dma_wait3A_61] : memref<10240x128xf32, #tpu.memory_space<vmem_shared>> -> memref<128x128xf32, #tpu.memory_space<vmem_shared>>
      tpu.wait_dma2 semaphore(%run_scoped3A : memref<!tpu.dma_semaphore, #tpu.memory_space<semaphore_mem>>) src(%dma_wait3A_62 : memref<128x128xf32, #tpu.memory_space<vmem_shared>>) dst(%arg11 : memref<128x128xf32, #tpu.memory_space<vmem>>)
      tpu.yield
    }) : () -> ()
    "tpu.region"() ({
      %run_scoped3A = tpu.sem_alloc : memref<!tpu.dma_semaphore, #tpu.memory_space<semaphore_mem>>
      %dma_start3A = arith.constant 0 : i32
      %dma_start3A_57 = tpu.memref_slice %arg6[%arg0, %add3A_48, %dma_start3A] : memref<2x10240x128xf32, #tpu.memory_space<hbm>> -> memref<1x128x128xf32, #tpu.memory_space<hbm>>
      %dma_start3A_58 = tpu.memref_squeeze %dma_start3A_57 : memref<1x128x128xf32, #tpu.memory_space<hbm>> -> memref<128x128xf32, #tpu.memory_space<hbm>>
      %dma_start3A_59 = arith.constant 0 : i32
      %dma_start3A_60 = tpu.memref_slice %arg6[%arg0, %add3A_48, %dma_start3A_59] : memref<2x10240x128xf32, #tpu.memory_space<hbm>> -> memref<1x128x128xf32, #tpu.memory_space<hbm>>
      %dma_start3A_61 = tpu.memref_squeeze %dma_start3A_60 : memref<1x128x128xf32, #tpu.memory_space<hbm>> -> memref<128x128xf32, #tpu.memory_space<hbm>>
      tpu.enqueue_dma source(%arg11 : memref<128x128xf32, #tpu.memory_space<vmem>>) target(%dma_start3A_61 : memref<128x128xf32, #tpu.memory_space<hbm>>) target_semaphore(%run_scoped3A : memref<!tpu.dma_semaphore, #tpu.memory_space<semaphore_mem>>)
      %dma_wait3A = arith.constant 0 : i32
      %dma_wait3A_62 = tpu.memref_slice %arg6[%arg0, %add3A_48, %dma_wait3A] : memref<2x10240x128xf32, #tpu.memory_space<hbm>> -> memref<1x128x128xf32, #tpu.memory_space<hbm>>
      %dma_wait3A_63 = tpu.memref_squeeze %dma_wait3A_62 : memref<1x128x128xf32, #tpu.memory_space<hbm>> -> memref<128x128xf32, #tpu.memory_space<hbm>>
      %dma_wait3A_64 = arith.constant 0 : i32
      %dma_wait3A_65 = tpu.memref_slice %arg6[%arg0, %add3A_48, %dma_wait3A_64] : memref<2x10240x128xf32, #tpu.memory_space<hbm>> -> memref<1x128x128xf32, #tpu.memory_space<hbm>>
      %dma_wait3A_66 = tpu.memref_squeeze %dma_wait3A_65 : memref<1x128x128xf32, #tpu.memory_space<hbm>> -> memref<128x128xf32, #tpu.memory_space<hbm>>
      tpu.wait_dma2 semaphore(%run_scoped3A : memref<!tpu.dma_semaphore, #tpu.memory_space<semaphore_mem>>) src(%arg11 : memref<128x128xf32, #tpu.memory_space<vmem>>) dst(%dma_wait3A_66 : memref<128x128xf32, #tpu.memory_space<hbm>>)
      tpu.yield
    }) : () -> ()
    %mul3A_49 = arith.constant 640 : i32
    %mul3A_50 = arith.muli %arg1, %mul3A_49 : i32
    %add3A_51 = arith.constant 384 : i32
    %add3A_52 = arith.addi %mul3A_50, %add3A_51 : i32
    "tpu.region"() ({
      %run_scoped3A = tpu.sem_alloc : memref<!tpu.dma_semaphore, #tpu.memory_space<semaphore_mem>>
      %dma_start3A = arith.constant 0 : i32
      %dma_start3A_57 = tpu.memref_slice %arg12[%add3A_52, %dma_start3A] : memref<10240x128xf32, #tpu.memory_space<vmem_shared>> -> memref<128x128xf32, #tpu.memory_space<vmem_shared>>
      %dma_start3A_58 = arith.constant 0 : i32
      %dma_start3A_59 = tpu.memref_slice %arg12[%add3A_52, %dma_start3A_58] : memref<10240x128xf32, #tpu.memory_space<vmem_shared>> -> memref<128x128xf32, #tpu.memory_space<vmem_shared>>
      tpu.enqueue_dma source(%dma_start3A_59 : memref<128x128xf32, #tpu.memory_space<vmem_shared>>) target(%arg11 : memref<128x128xf32, #tpu.memory_space<vmem>>) target_semaphore(%run_scoped3A : memref<!tpu.dma_semaphore, #tpu.memory_space<semaphore_mem>>)
      %dma_wait3A = arith.constant 0 : i32
      %dma_wait3A_60 = tpu.memref_slice %arg12[%add3A_52, %dma_wait3A] : memref<10240x128xf32, #tpu.memory_space<vmem_shared>> -> memref<128x128xf32, #tpu.memory_space<vmem_shared>>
      %dma_wait3A_61 = arith.constant 0 : i32
      %dma_wait3A_62 = tpu.memref_slice %arg12[%add3A_52, %dma_wait3A_61] : memref<10240x128xf32, #tpu.memory_space<vmem_shared>> -> memref<128x128xf32, #tpu.memory_space<vmem_shared>>
      tpu.wait_dma2 semaphore(%run_scoped3A : memref<!tpu.dma_semaphore, #tpu.memory_space<semaphore_mem>>) src(%dma_wait3A_62 : memref<128x128xf32, #tpu.memory_space<vmem_shared>>) dst(%arg11 : memref<128x128xf32, #tpu.memory_space<vmem>>)
      tpu.yield
    }) : () -> ()
    "tpu.region"() ({
      %run_scoped3A = tpu.sem_alloc : memref<!tpu.dma_semaphore, #tpu.memory_space<semaphore_mem>>
      %dma_start3A = arith.constant 0 : i32
      %dma_start3A_57 = tpu.memref_slice %arg6[%arg0, %add3A_52, %dma_start3A] : memref<2x10240x128xf32, #tpu.memory_space<hbm>> -> memref<1x128x128xf32, #tpu.memory_space<hbm>>
      %dma_start3A_58 = tpu.memref_squeeze %dma_start3A_57 : memref<1x128x128xf32, #tpu.memory_space<hbm>> -> memref<128x128xf32, #tpu.memory_space<hbm>>
      %dma_start3A_59 = arith.constant 0 : i32
      %dma_start3A_60 = tpu.memref_slice %arg6[%arg0, %add3A_52, %dma_start3A_59] : memref<2x10240x128xf32, #tpu.memory_space<hbm>> -> memref<1x128x128xf32, #tpu.memory_space<hbm>>
      %dma_start3A_61 = tpu.memref_squeeze %dma_start3A_60 : memref<1x128x128xf32, #tpu.memory_space<hbm>> -> memref<128x128xf32, #tpu.memory_space<hbm>>
      tpu.enqueue_dma source(%arg11 : memref<128x128xf32, #tpu.memory_space<vmem>>) target(%dma_start3A_61 : memref<128x128xf32, #tpu.memory_space<hbm>>) target_semaphore(%run_scoped3A : memref<!tpu.dma_semaphore, #tpu.memory_space<semaphore_mem>>)
      %dma_wait3A = arith.constant 0 : i32
      %dma_wait3A_62 = tpu.memref_slice %arg6[%arg0, %add3A_52, %dma_wait3A] : memref<2x10240x128xf32, #tpu.memory_space<hbm>> -> memref<1x128x128xf32, #tpu.memory_space<hbm>>
      %dma_wait3A_63 = tpu.memref_squeeze %dma_wait3A_62 : memref<1x128x128xf32, #tpu.memory_space<hbm>> -> memref<128x128xf32, #tpu.memory_space<hbm>>
      %dma_wait3A_64 = arith.constant 0 : i32
      %dma_wait3A_65 = tpu.memref_slice %arg6[%arg0, %add3A_52, %dma_wait3A_64] : memref<2x10240x128xf32, #tpu.memory_space<hbm>> -> memref<1x128x128xf32, #tpu.memory_space<hbm>>
      %dma_wait3A_66 = tpu.memref_squeeze %dma_wait3A_65 : memref<1x128x128xf32, #tpu.memory_space<hbm>> -> memref<128x128xf32, #tpu.memory_space<hbm>>
      tpu.wait_dma2 semaphore(%run_scoped3A : memref<!tpu.dma_semaphore, #tpu.memory_space<semaphore_mem>>) src(%arg11 : memref<128x128xf32, #tpu.memory_space<vmem>>) dst(%dma_wait3A_66 : memref<128x128xf32, #tpu.memory_space<hbm>>)
      tpu.yield
    }) : () -> ()
    %mul3A_53 = arith.constant 640 : i32
    %mul3A_54 = arith.muli %arg1, %mul3A_53 : i32
    %add3A_55 = arith.constant 512 : i32
    %add3A_56 = arith.addi %mul3A_54, %add3A_55 : i32
    "tpu.region"() ({
      %run_scoped3A = tpu.sem_alloc : memref<!tpu.dma_semaphore, #tpu.memory_space<semaphore_mem>>
      %dma_start3A = arith.constant 0 : i32
      %dma_start3A_57 = tpu.memref_slice %arg12[%add3A_56, %dma_start3A] : memref<10240x128xf32, #tpu.memory_space<vmem_shared>> -> memref<128x128xf32, #tpu.memory_space<vmem_shared>>
      %dma_start3A_58 = arith.constant 0 : i32
      %dma_start3A_59 = tpu.memref_slice %arg12[%add3A_56, %dma_start3A_58] : memref<10240x128xf32, #tpu.memory_space<vmem_shared>> -> memref<128x128xf32, #tpu.memory_space<vmem_shared>>
      tpu.enqueue_dma source(%dma_start3A_59 : memref<128x128xf32, #tpu.memory_space<vmem_shared>>) target(%arg11 : memref<128x128xf32, #tpu.memory_space<vmem>>) target_semaphore(%run_scoped3A : memref<!tpu.dma_semaphore, #tpu.memory_space<semaphore_mem>>)
      %dma_wait3A = arith.constant 0 : i32
      %dma_wait3A_60 = tpu.memref_slice %arg12[%add3A_56, %dma_wait3A] : memref<10240x128xf32, #tpu.memory_space<vmem_shared>> -> memref<128x128xf32, #tpu.memory_space<vmem_shared>>
      %dma_wait3A_61 = arith.constant 0 : i32
      %dma_wait3A_62 = tpu.memref_slice %arg12[%add3A_56, %dma_wait3A_61] : memref<10240x128xf32, #tpu.memory_space<vmem_shared>> -> memref<128x128xf32, #tpu.memory_space<vmem_shared>>
      tpu.wait_dma2 semaphore(%run_scoped3A : memref<!tpu.dma_semaphore, #tpu.memory_space<semaphore_mem>>) src(%dma_wait3A_62 : memref<128x128xf32, #tpu.memory_space<vmem_shared>>) dst(%arg11 : memref<128x128xf32, #tpu.memory_space<vmem>>)
      tpu.yield
    }) : () -> ()
    "tpu.region"() ({
      %run_scoped3A = tpu.sem_alloc : memref<!tpu.dma_semaphore, #tpu.memory_space<semaphore_mem>>
      %dma_start3A = arith.constant 0 : i32
      %dma_start3A_57 = tpu.memref_slice %arg6[%arg0, %add3A_56, %dma_start3A] : memref<2x10240x128xf32, #tpu.memory_space<hbm>> -> memref<1x128x128xf32, #tpu.memory_space<hbm>>
      %dma_start3A_58 = tpu.memref_squeeze %dma_start3A_57 : memref<1x128x128xf32, #tpu.memory_space<hbm>> -> memref<128x128xf32, #tpu.memory_space<hbm>>
      %dma_start3A_59 = arith.constant 0 : i32
      %dma_start3A_60 = tpu.memref_slice %arg6[%arg0, %add3A_56, %dma_start3A_59] : memref<2x10240x128xf32, #tpu.memory_space<hbm>> -> memref<1x128x128xf32, #tpu.memory_space<hbm>>
      %dma_start3A_61 = tpu.memref_squeeze %dma_start3A_60 : memref<1x128x128xf32, #tpu.memory_space<hbm>> -> memref<128x128xf32, #tpu.memory_space<hbm>>
      tpu.enqueue_dma source(%arg11 : memref<128x128xf32, #tpu.memory_space<vmem>>) target(%dma_start3A_61 : memref<128x128xf32, #tpu.memory_space<hbm>>) target_semaphore(%run_scoped3A : memref<!tpu.dma_semaphore, #tpu.memory_space<semaphore_mem>>)
      %dma_wait3A = arith.constant 0 : i32
      %dma_wait3A_62 = tpu.memref_slice %arg6[%arg0, %add3A_56, %dma_wait3A] : memref<2x10240x128xf32, #tpu.memory_space<hbm>> -> memref<1x128x128xf32, #tpu.memory_space<hbm>>
      %dma_wait3A_63 = tpu.memref_squeeze %dma_wait3A_62 : memref<1x128x128xf32, #tpu.memory_space<hbm>> -> memref<128x128xf32, #tpu.memory_space<hbm>>
      %dma_wait3A_64 = arith.constant 0 : i32
      %dma_wait3A_65 = tpu.memref_slice %arg6[%arg0, %add3A_56, %dma_wait3A_64] : memref<2x10240x128xf32, #tpu.memory_space<hbm>> -> memref<1x128x128xf32, #tpu.memory_space<hbm>>
      %dma_wait3A_66 = tpu.memref_squeeze %dma_wait3A_65 : memref<1x128x128xf32, #tpu.memory_space<hbm>> -> memref<128x128xf32, #tpu.memory_space<hbm>>
      tpu.wait_dma2 semaphore(%run_scoped3A : memref<!tpu.dma_semaphore, #tpu.memory_space<semaphore_mem>>) src(%arg11 : memref<128x128xf32, #tpu.memory_space<vmem>>) dst(%dma_wait3A_66 : memref<128x128xf32, #tpu.memory_space<hbm>>)
      tpu.yield
    }) : () -> ()
    return
  }
}

#map = affine_map<(d0, d1) -> (0, 0)>
#map1 = affine_map<(d0, d1) -> (0)>
#map2 = affine_map<(d0, d1) -> (0, 0, 0)>
module attributes {stable_mosaic.version = 14 : i64} {
  func.func @_agg_kernel(%arg0: i32, %arg1: i32, %arg2: memref<160000x128xf32, #tpu.memory_space<hbm>>, %arg3: memref<320000xi32, #tpu.memory_space<hbm>>, %arg4: memref<320000xf32, #tpu.memory_space<hbm>>, %arg5: memref<320000xi32, #tpu.memory_space<hbm>>, %arg6: memref<2x10240x128xf32, #tpu.memory_space<hbm>>, %arg7: memref<80xi32, #tpu.memory_space<vmem>>, %arg8: memref<80xi32, #tpu.memory_space<vmem>>, %arg9: memref<96xf32, #tpu.memory_space<vmem>>, %arg10: memref<80x128xf32, #tpu.memory_space<vmem>>, %arg11: memref<128x128xf32, #tpu.memory_space<vmem>>, %arg12: memref<10240x128xf32, #tpu.memory_space<vmem_shared>>, %arg13: memref<!tpu.dma_semaphore, #tpu.memory_space<semaphore_mem>>) attributes {dimension_semantics = [#tpu.dimension_semantics<core_parallel>, #tpu.dimension_semantics<subcore_parallel>], iteration_bounds = array<i64: 2, 16>, scalar_prefetch = 0 : i64, scratch_operands = 7 : i64, tpu.core_type = #tpu.core_type<sc_vector_subcore>, window_params = [{transform_indices = #map}, {transform_indices = #map1}, {transform_indices = #map1}, {transform_indices = #map1}, {transform_indices = #map2}]} {
    %mul3A = arith.constant 16 : i32
    %mul3A_0 = arith.muli %arg0, %mul3A : i32
    %add3A = arith.addi %mul3A_0, %arg1 : i32
    %scan3A = arith.constant 0 : i32
    %scan3A_1 = arith.constant 0 : i32
    %scan3A_2 = arith.constant 128 : i32
    %scan3A_3 = arith.addi %scan3A_1, %scan3A_2 : i32
    %scan3A_4 = arith.constant 1 : i32
    %scan3A_5 = scf.for %scan3A_57 = %scan3A_1 to %scan3A_3 step %scan3A_4 iter_args(%scan3A_58 = %scan3A) -> (i32)  : i32 {
      %broadcast_in_dim3A = arith.constant 0.000000e+00 : f32
      %broadcast_in_dim3A_59 = vector.broadcast %broadcast_in_dim3A : f32 to vector<16xf32>
      %swap3A = arith.index_cast %scan3A_57 : i32 to index
      %swap3A_60 = arith.constant 0 : index
      %swap3A_61 = tpu.vector_load %arg11[%swap3A, %swap3A_60] {strides = array<i32>} : memref<128x128xf32, #tpu.memory_space<vmem>>, vector<16xf32>,
      tpu.vector_store %arg11[%swap3A, %swap3A_60], %broadcast_in_dim3A_59 {strides = array<i32>} : memref<128x128xf32, #tpu.memory_space<vmem>>, vector<16xf32>,
      %broadcast_in_dim3A_62 = arith.constant 0.000000e+00 : f32
      %broadcast_in_dim3A_63 = vector.broadcast %broadcast_in_dim3A_62 : f32 to vector<16xf32>
      %swap3A_64 = arith.index_cast %scan3A_57 : i32 to index
      %swap3A_65 = arith.constant 16 : index
      %swap3A_66 = tpu.vector_load %arg11[%swap3A_64, %swap3A_65] {strides = array<i32>} : memref<128x128xf32, #tpu.memory_space<vmem>>, vector<16xf32>,
      tpu.vector_store %arg11[%swap3A_64, %swap3A_65], %broadcast_in_dim3A_63 {strides = array<i32>} : memref<128x128xf32, #tpu.memory_space<vmem>>, vector<16xf32>,
      %broadcast_in_dim3A_67 = arith.constant 0.000000e+00 : f32
      %broadcast_in_dim3A_68 = vector.broadcast %broadcast_in_dim3A_67 : f32 to vector<16xf32>
      %swap3A_69 = arith.index_cast %scan3A_57 : i32 to index
      %swap3A_70 = arith.constant 32 : index
      %swap3A_71 = tpu.vector_load %arg11[%swap3A_69, %swap3A_70] {strides = array<i32>} : memref<128x128xf32, #tpu.memory_space<vmem>>, vector<16xf32>,
      tpu.vector_store %arg11[%swap3A_69, %swap3A_70], %broadcast_in_dim3A_68 {strides = array<i32>} : memref<128x128xf32, #tpu.memory_space<vmem>>, vector<16xf32>,
      %broadcast_in_dim3A_72 = arith.constant 0.000000e+00 : f32
      %broadcast_in_dim3A_73 = vector.broadcast %broadcast_in_dim3A_72 : f32 to vector<16xf32>
      %swap3A_74 = arith.index_cast %scan3A_57 : i32 to index
      %swap3A_75 = arith.constant 48 : index
      %swap3A_76 = tpu.vector_load %arg11[%swap3A_74, %swap3A_75] {strides = array<i32>} : memref<128x128xf32, #tpu.memory_space<vmem>>, vector<16xf32>,
      tpu.vector_store %arg11[%swap3A_74, %swap3A_75], %broadcast_in_dim3A_73 {strides = array<i32>} : memref<128x128xf32, #tpu.memory_space<vmem>>, vector<16xf32>,
      %broadcast_in_dim3A_77 = arith.constant 0.000000e+00 : f32
      %broadcast_in_dim3A_78 = vector.broadcast %broadcast_in_dim3A_77 : f32 to vector<16xf32>
      %swap3A_79 = arith.index_cast %scan3A_57 : i32 to index
      %swap3A_80 = arith.constant 64 : index
      %swap3A_81 = tpu.vector_load %arg11[%swap3A_79, %swap3A_80] {strides = array<i32>} : memref<128x128xf32, #tpu.memory_space<vmem>>, vector<16xf32>,
      tpu.vector_store %arg11[%swap3A_79, %swap3A_80], %broadcast_in_dim3A_78 {strides = array<i32>} : memref<128x128xf32, #tpu.memory_space<vmem>>, vector<16xf32>,
      %broadcast_in_dim3A_82 = arith.constant 0.000000e+00 : f32
      %broadcast_in_dim3A_83 = vector.broadcast %broadcast_in_dim3A_82 : f32 to vector<16xf32>
      %swap3A_84 = arith.index_cast %scan3A_57 : i32 to index
      %swap3A_85 = arith.constant 80 : index
      %swap3A_86 = tpu.vector_load %arg11[%swap3A_84, %swap3A_85] {strides = array<i32>} : memref<128x128xf32, #tpu.memory_space<vmem>>, vector<16xf32>,
      tpu.vector_store %arg11[%swap3A_84, %swap3A_85], %broadcast_in_dim3A_83 {strides = array<i32>} : memref<128x128xf32, #tpu.memory_space<vmem>>, vector<16xf32>,
      %broadcast_in_dim3A_87 = arith.constant 0.000000e+00 : f32
      %broadcast_in_dim3A_88 = vector.broadcast %broadcast_in_dim3A_87 : f32 to vector<16xf32>
      %swap3A_89 = arith.index_cast %scan3A_57 : i32 to index
      %swap3A_90 = arith.constant 96 : index
      %swap3A_91 = tpu.vector_load %arg11[%swap3A_89, %swap3A_90] {strides = array<i32>} : memref<128x128xf32, #tpu.memory_space<vmem>>, vector<16xf32>,
      tpu.vector_store %arg11[%swap3A_89, %swap3A_90], %broadcast_in_dim3A_88 {strides = array<i32>} : memref<128x128xf32, #tpu.memory_space<vmem>>, vector<16xf32>,
      %broadcast_in_dim3A_92 = arith.constant 0.000000e+00 : f32
      %broadcast_in_dim3A_93 = vector.broadcast %broadcast_in_dim3A_92 : f32 to vector<16xf32>
      %swap3A_94 = arith.index_cast %scan3A_57 : i32 to index
      %swap3A_95 = arith.constant 112 : index
      %swap3A_96 = tpu.vector_load %arg11[%swap3A_94, %swap3A_95] {strides = array<i32>} : memref<128x128xf32, #tpu.memory_space<vmem>>, vector<16xf32>,
      tpu.vector_store %arg11[%swap3A_94, %swap3A_95], %broadcast_in_dim3A_93 {strides = array<i32>} : memref<128x128xf32, #tpu.memory_space<vmem>>, vector<16xf32>,
      %scan3A_97 = arith.constant 0 : i32
      scf.yield %scan3A_97 : i32
    }
    %scan3A_6 = arith.constant 128 : i32
    %mul3A_7 = arith.constant 640 : i32
    %mul3A_8 = arith.muli %arg1, %mul3A_7 : i32
    %add3A_9 = arith.constant 0 : i32
    %add3A_10 = arith.addi %mul3A_8, %add3A_9 : i32
    "tpu.region"() ({
      %run_scoped3A = tpu.sem_alloc : memref<!tpu.dma_semaphore, #tpu.memory_space<semaphore_mem>>
      %dma_start3A = arith.constant 0 : i32
      %dma_start3A_57 = tpu.memref_slice %arg12[%add3A_10, %dma_start3A] : memref<10240x128xf32, #tpu.memory_space<vmem_shared>> -> memref<128x128xf32, #tpu.memory_space<vmem_shared>>
      %dma_start3A_58 = arith.constant 0 : i32
      %dma_start3A_59 = tpu.memref_slice %arg12[%add3A_10, %dma_start3A_58] : memref<10240x128xf32, #tpu.memory_space<vmem_shared>> -> memref<128x128xf32, #tpu.memory_space<vmem_shared>>
      tpu.enqueue_dma source(%arg11 : memref<128x128xf32, #tpu.memory_space<vmem>>) target(%dma_start3A_59 : memref<128x128xf32, #tpu.memory_space<vmem_shared>>) target_semaphore(%run_scoped3A : memref<!tpu.dma_semaphore, #tpu.memory_space<semaphore_mem>>)
      %dma_wait3A = arith.constant 0 : i32
      %dma_wait3A_60 = tpu.memref_slice %arg12[%add3A_10, %dma_wait3A] : memref<10240x128xf32, #tpu.memory_space<vmem_shared>> -> memref<128x128xf32, #tpu.memory_space<vmem_shared>>
      %dma_wait3A_61 = arith.constant 0 : i32
      %dma_wait3A_62 = tpu.memref_slice %arg12[%add3A_10, %dma_wait3A_61] : memref<10240x128xf32, #tpu.memory_space<vmem_shared>> -> memref<128x128xf32, #tpu.memory_space<vmem_shared>>
      tpu.wait_dma2 semaphore(%run_scoped3A : memref<!tpu.dma_semaphore, #tpu.memory_space<semaphore_mem>>) src(%arg11 : memref<128x128xf32, #tpu.memory_space<vmem>>) dst(%dma_wait3A_62 : memref<128x128xf32, #tpu.memory_space<vmem_shared>>)
      tpu.yield
    }) : () -> ()
    %mul3A_11 = arith.constant 640 : i32
    %mul3A_12 = arith.muli %arg1, %mul3A_11 : i32
    %add3A_13 = arith.constant 128 : i32
    %add3A_14 = arith.addi %mul3A_12, %add3A_13 : i32
    "tpu.region"() ({
      %run_scoped3A = tpu.sem_alloc : memref<!tpu.dma_semaphore, #tpu.memory_space<semaphore_mem>>
      %dma_start3A = arith.constant 0 : i32
      %dma_start3A_57 = tpu.memref_slice %arg12[%add3A_14, %dma_start3A] : memref<10240x128xf32, #tpu.memory_space<vmem_shared>> -> memref<128x128xf32, #tpu.memory_space<vmem_shared>>
      %dma_start3A_58 = arith.constant 0 : i32
      %dma_start3A_59 = tpu.memref_slice %arg12[%add3A_14, %dma_start3A_58] : memref<10240x128xf32, #tpu.memory_space<vmem_shared>> -> memref<128x128xf32, #tpu.memory_space<vmem_shared>>
      tpu.enqueue_dma source(%arg11 : memref<128x128xf32, #tpu.memory_space<vmem>>) target(%dma_start3A_59 : memref<128x128xf32, #tpu.memory_space<vmem_shared>>) target_semaphore(%run_scoped3A : memref<!tpu.dma_semaphore, #tpu.memory_space<semaphore_mem>>)
      %dma_wait3A = arith.constant 0 : i32
      %dma_wait3A_60 = tpu.memref_slice %arg12[%add3A_14, %dma_wait3A] : memref<10240x128xf32, #tpu.memory_space<vmem_shared>> -> memref<128x128xf32, #tpu.memory_space<vmem_shared>>
      %dma_wait3A_61 = arith.constant 0 : i32
      %dma_wait3A_62 = tpu.memref_slice %arg12[%add3A_14, %dma_wait3A_61] : memref<10240x128xf32, #tpu.memory_space<vmem_shared>> -> memref<128x128xf32, #tpu.memory_space<vmem_shared>>
      tpu.wait_dma2 semaphore(%run_scoped3A : memref<!tpu.dma_semaphore, #tpu.memory_space<semaphore_mem>>) src(%arg11 : memref<128x128xf32, #tpu.memory_space<vmem>>) dst(%dma_wait3A_62 : memref<128x128xf32, #tpu.memory_space<vmem_shared>>)
      tpu.yield
    }) : () -> ()
    %mul3A_15 = arith.constant 640 : i32
    %mul3A_16 = arith.muli %arg1, %mul3A_15 : i32
    %add3A_17 = arith.constant 256 : i32
    %add3A_18 = arith.addi %mul3A_16, %add3A_17 : i32
    "tpu.region"() ({
      %run_scoped3A = tpu.sem_alloc : memref<!tpu.dma_semaphore, #tpu.memory_space<semaphore_mem>>
      %dma_start3A = arith.constant 0 : i32
      %dma_start3A_57 = tpu.memref_slice %arg12[%add3A_18, %dma_start3A] : memref<10240x128xf32, #tpu.memory_space<vmem_shared>> -> memref<128x128xf32, #tpu.memory_space<vmem_shared>>
      %dma_start3A_58 = arith.constant 0 : i32
      %dma_start3A_59 = tpu.memref_slice %arg12[%add3A_18, %dma_start3A_58] : memref<10240x128xf32, #tpu.memory_space<vmem_shared>> -> memref<128x128xf32, #tpu.memory_space<vmem_shared>>
      tpu.enqueue_dma source(%arg11 : memref<128x128xf32, #tpu.memory_space<vmem>>) target(%dma_start3A_59 : memref<128x128xf32, #tpu.memory_space<vmem_shared>>) target_semaphore(%run_scoped3A : memref<!tpu.dma_semaphore, #tpu.memory_space<semaphore_mem>>)
      %dma_wait3A = arith.constant 0 : i32
      %dma_wait3A_60 = tpu.memref_slice %arg12[%add3A_18, %dma_wait3A] : memref<10240x128xf32, #tpu.memory_space<vmem_shared>> -> memref<128x128xf32, #tpu.memory_space<vmem_shared>>
      %dma_wait3A_61 = arith.constant 0 : i32
      %dma_wait3A_62 = tpu.memref_slice %arg12[%add3A_18, %dma_wait3A_61] : memref<10240x128xf32, #tpu.memory_space<vmem_shared>> -> memref<128x128xf32, #tpu.memory_space<vmem_shared>>
      tpu.wait_dma2 semaphore(%run_scoped3A : memref<!tpu.dma_semaphore, #tpu.memory_space<semaphore_mem>>) src(%arg11 : memref<128x128xf32, #tpu.memory_space<vmem>>) dst(%dma_wait3A_62 : memref<128x128xf32, #tpu.memory_space<vmem_shared>>)
      tpu.yield
    }) : () -> ()
    %mul3A_19 = arith.constant 640 : i32
    %mul3A_20 = arith.muli %arg1, %mul3A_19 : i32
    %add3A_21 = arith.constant 384 : i32
    %add3A_22 = arith.addi %mul3A_20, %add3A_21 : i32
    "tpu.region"() ({
      %run_scoped3A = tpu.sem_alloc : memref<!tpu.dma_semaphore, #tpu.memory_space<semaphore_mem>>
      %dma_start3A = arith.constant 0 : i32
      %dma_start3A_57 = tpu.memref_slice %arg12[%add3A_22, %dma_start3A] : memref<10240x128xf32, #tpu.memory_space<vmem_shared>> -> memref<128x128xf32, #tpu.memory_space<vmem_shared>>
      %dma_start3A_58 = arith.constant 0 : i32
      %dma_start3A_59 = tpu.memref_slice %arg12[%add3A_22, %dma_start3A_58] : memref<10240x128xf32, #tpu.memory_space<vmem_shared>> -> memref<128x128xf32, #tpu.memory_space<vmem_shared>>
      tpu.enqueue_dma source(%arg11 : memref<128x128xf32, #tpu.memory_space<vmem>>) target(%dma_start3A_59 : memref<128x128xf32, #tpu.memory_space<vmem_shared>>) target_semaphore(%run_scoped3A : memref<!tpu.dma_semaphore, #tpu.memory_space<semaphore_mem>>)
      %dma_wait3A = arith.constant 0 : i32
      %dma_wait3A_60 = tpu.memref_slice %arg12[%add3A_22, %dma_wait3A] : memref<10240x128xf32, #tpu.memory_space<vmem_shared>> -> memref<128x128xf32, #tpu.memory_space<vmem_shared>>
      %dma_wait3A_61 = arith.constant 0 : i32
      %dma_wait3A_62 = tpu.memref_slice %arg12[%add3A_22, %dma_wait3A_61] : memref<10240x128xf32, #tpu.memory_space<vmem_shared>> -> memref<128x128xf32, #tpu.memory_space<vmem_shared>>
      tpu.wait_dma2 semaphore(%run_scoped3A : memref<!tpu.dma_semaphore, #tpu.memory_space<semaphore_mem>>) src(%arg11 : memref<128x128xf32, #tpu.memory_space<vmem>>) dst(%dma_wait3A_62 : memref<128x128xf32, #tpu.memory_space<vmem_shared>>)
      tpu.yield
    }) : () -> ()
    %mul3A_23 = arith.constant 640 : i32
    %mul3A_24 = arith.muli %arg1, %mul3A_23 : i32
    %add3A_25 = arith.constant 512 : i32
    %add3A_26 = arith.addi %mul3A_24, %add3A_25 : i32
    "tpu.region"() ({
      %run_scoped3A = tpu.sem_alloc : memref<!tpu.dma_semaphore, #tpu.memory_space<semaphore_mem>>
      %dma_start3A = arith.constant 0 : i32
      %dma_start3A_57 = tpu.memref_slice %arg12[%add3A_26, %dma_start3A] : memref<10240x128xf32, #tpu.memory_space<vmem_shared>> -> memref<128x128xf32, #tpu.memory_space<vmem_shared>>
      %dma_start3A_58 = arith.constant 0 : i32
      %dma_start3A_59 = tpu.memref_slice %arg12[%add3A_26, %dma_start3A_58] : memref<10240x128xf32, #tpu.memory_space<vmem_shared>> -> memref<128x128xf32, #tpu.memory_space<vmem_shared>>
      tpu.enqueue_dma source(%arg11 : memref<128x128xf32, #tpu.memory_space<vmem>>) target(%dma_start3A_59 : memref<128x128xf32, #tpu.memory_space<vmem_shared>>) target_semaphore(%run_scoped3A : memref<!tpu.dma_semaphore, #tpu.memory_space<semaphore_mem>>)
      %dma_wait3A = arith.constant 0 : i32
      %dma_wait3A_60 = tpu.memref_slice %arg12[%add3A_26, %dma_wait3A] : memref<10240x128xf32, #tpu.memory_space<vmem_shared>> -> memref<128x128xf32, #tpu.memory_space<vmem_shared>>
      %dma_wait3A_61 = arith.constant 0 : i32
      %dma_wait3A_62 = tpu.memref_slice %arg12[%add3A_26, %dma_wait3A_61] : memref<10240x128xf32, #tpu.memory_space<vmem_shared>> -> memref<128x128xf32, #tpu.memory_space<vmem_shared>>
      tpu.wait_dma2 semaphore(%run_scoped3A : memref<!tpu.dma_semaphore, #tpu.memory_space<semaphore_mem>>) src(%arg11 : memref<128x128xf32, #tpu.memory_space<vmem>>) dst(%dma_wait3A_62 : memref<128x128xf32, #tpu.memory_space<vmem_shared>>)
      tpu.yield
    }) : () -> ()
    %barrier3A = arith.constant 0 : index
    tpu.barrier barrier_id(%barrier3A)
    %mul3A_27 = arith.constant 10000 : i32
    %mul3A_28 = arith.muli %add3A, %mul3A_27 : i32
    %scan3A_29 = arith.constant 0 : i32
    %scan3A_30 = arith.constant 0 : i32
    %scan3A_31 = arith.constant 125 : i32
    %scan3A_32 = arith.addi %scan3A_30, %scan3A_31 : i32
    %scan3A_33 = arith.constant 1 : i32
    %scan3A_34 = scf.for %scan3A_57 = %scan3A_30 to %scan3A_32 step %scan3A_33 iter_args(%scan3A_58 = %scan3A_29) -> (i32)  : i32 {
      %mul3A_59 = arith.constant 80 : i32
      %mul3A_60 = arith.muli %scan3A_57, %mul3A_59 : i32
      %add3A_61 = arith.addi %mul3A_28, %mul3A_60 : i32
      "tpu.region"() ({
        %run_scoped3A = tpu.sem_alloc : memref<!tpu.dma_semaphore, #tpu.memory_space<semaphore_mem>>
        %dma_start3A_74 = tpu.memref_slice %arg3[%add3A_61] : memref<320000xi32, #tpu.memory_space<hbm>> -> memref<80xi32, #tpu.memory_space<hbm>>
        %dma_start3A_75 = tpu.memref_slice %arg3[%add3A_61] : memref<320000xi32, #tpu.memory_space<hbm>> -> memref<80xi32, #tpu.memory_space<hbm>>
        tpu.enqueue_dma source(%dma_start3A_75 : memref<80xi32, #tpu.memory_space<hbm>>) target(%arg7 : memref<80xi32, #tpu.memory_space<vmem>>) target_semaphore(%run_scoped3A : memref<!tpu.dma_semaphore, #tpu.memory_space<semaphore_mem>>)
        %dma_wait3A_76 = tpu.memref_slice %arg3[%add3A_61] : memref<320000xi32, #tpu.memory_space<hbm>> -> memref<80xi32, #tpu.memory_space<hbm>>
        %dma_wait3A_77 = tpu.memref_slice %arg3[%add3A_61] : memref<320000xi32, #tpu.memory_space<hbm>> -> memref<80xi32, #tpu.memory_space<hbm>>
        tpu.wait_dma2 semaphore(%run_scoped3A : memref<!tpu.dma_semaphore, #tpu.memory_space<semaphore_mem>>) src(%dma_wait3A_77 : memref<80xi32, #tpu.memory_space<hbm>>) dst(%arg7 : memref<80xi32, #tpu.memory_space<vmem>>)
        tpu.yield
      }) : () -> ()
      "tpu.region"() ({
        %run_scoped3A = tpu.sem_alloc : memref<!tpu.dma_semaphore, #tpu.memory_space<semaphore_mem>>
        %dma_start3A_74 = tpu.memref_slice %arg5[%add3A_61] : memref<320000xi32, #tpu.memory_space<hbm>> -> memref<80xi32, #tpu.memory_space<hbm>>
        %dma_start3A_75 = tpu.memref_slice %arg5[%add3A_61] : memref<320000xi32, #tpu.memory_space<hbm>> -> memref<80xi32, #tpu.memory_space<hbm>>
        tpu.enqueue_dma source(%dma_start3A_75 : memref<80xi32, #tpu.memory_space<hbm>>) target(%arg8 : memref<80xi32, #tpu.memory_space<vmem>>) target_semaphore(%run_scoped3A : memref<!tpu.dma_semaphore, #tpu.memory_space<semaphore_mem>>)
        %dma_wait3A_76 = tpu.memref_slice %arg5[%add3A_61] : memref<320000xi32, #tpu.memory_space<hbm>> -> memref<80xi32, #tpu.memory_space<hbm>>
        %dma_wait3A_77 = tpu.memref_slice %arg5[%add3A_61] : memref<320000xi32, #tpu.memory_space<hbm>> -> memref<80xi32, #tpu.memory_space<hbm>>
        tpu.wait_dma2 semaphore(%run_scoped3A : memref<!tpu.dma_semaphore, #tpu.memory_space<semaphore_mem>>) src(%dma_wait3A_77 : memref<80xi32, #tpu.memory_space<hbm>>) dst(%arg8 : memref<80xi32, #tpu.memory_space<vmem>>)
        tpu.yield
      }) : () -> ()
      "tpu.region"() ({
        %run_scoped3A = tpu.sem_alloc : memref<!tpu.dma_semaphore, #tpu.memory_space<semaphore_mem>>
        %dma_start3A_74 = arith.constant 0 : i32
        %dma_start3A_75 = tpu.memref_slice %arg9[%dma_start3A_74] : memref<96xf32, #tpu.memory_space<vmem>> -> memref<80xf32, #tpu.memory_space<vmem>>
        %dma_start3A_76 = tpu.memref_slice %arg4[%add3A_61] : memref<320000xf32, #tpu.memory_space<hbm>> -> memref<80xf32, #tpu.memory_space<hbm>>
        %dma_start3A_77 = arith.constant 0 : i32
        %dma_start3A_78 = tpu.memref_slice %arg9[%dma_start3A_77] : memref<96xf32, #tpu.memory_space<vmem>> -> memref<80xf32, #tpu.memory_space<vmem>>
        %dma_start3A_79 = tpu.memref_slice %arg4[%add3A_61] : memref<320000xf32, #tpu.memory_space<hbm>> -> memref<80xf32, #tpu.memory_space<hbm>>
        tpu.enqueue_dma source(%dma_start3A_79 : memref<80xf32, #tpu.memory_space<hbm>>) target(%dma_start3A_78 : memref<80xf32, #tpu.memory_space<vmem>>) target_semaphore(%run_scoped3A : memref<!tpu.dma_semaphore, #tpu.memory_space<semaphore_mem>>)
        %dma_wait3A_80 = arith.constant 0 : i32
        %dma_wait3A_81 = tpu.memref_slice %arg9[%dma_wait3A_80] : memref<96xf32, #tpu.memory_space<vmem>> -> memref<80xf32, #tpu.memory_space<vmem>>
        %dma_wait3A_82 = tpu.memref_slice %arg4[%add3A_61] : memref<320000xf32, #tpu.memory_space<hbm>> -> memref<80xf32, #tpu.memory_space<hbm>>
        %dma_wait3A_83 = arith.constant 0 : i32
        %dma_wait3A_84 = tpu.memref_slice %arg9[%dma_wait3A_83] : memref<96xf32, #tpu.memory_space<vmem>> -> memref<80xf32, #tpu.memory_space<vmem>>
        %dma_wait3A_85 = tpu.memref_slice %arg4[%add3A_61] : memref<320000xf32, #tpu.memory_space<hbm>> -> memref<80xf32, #tpu.memory_space<hbm>>
        tpu.wait_dma2 semaphore(%run_scoped3A : memref<!tpu.dma_semaphore, #tpu.memory_space<semaphore_mem>>) src(%dma_wait3A_85 : memref<80xf32, #tpu.memory_space<hbm>>) dst(%dma_wait3A_84 : memref<80xf32, #tpu.memory_space<vmem>>)
        tpu.yield
      }) : () -> ()
      %dma_start3A = arith.constant 0 : i32
      %dma_start3A_62 = arith.constant 0 : i32
      %dma_start3A_63 = tpu.memref_slice %arg2[%dma_start3A, %dma_start3A_62] : memref<160000x128xf32, #tpu.memory_space<hbm>> -> memref<160000x128xf32, #tpu.memory_space<hbm>>
      tpu.enqueue_indirect_dma source(%dma_start3A_63 : memref<160000x128xf32, #tpu.memory_space<hbm>>) target(%arg10 : memref<80x128xf32, #tpu.memory_space<vmem>>) offsets(%arg7 : memref<80xi32, #tpu.memory_space<vmem>>) semaphore(%arg13 : memref<!tpu.dma_semaphore, #tpu.memory_space<semaphore_mem>>)
      %dma_wait3A = arith.constant 0 : i32
      %dma_wait3A_64 = arith.constant 0 : i32
      %dma_wait3A_65 = tpu.memref_slice %arg2[%dma_wait3A, %dma_wait3A_64] : memref<160000x128xf32, #tpu.memory_space<hbm>> -> memref<160000x128xf32, #tpu.memory_space<hbm>>
      tpu.wait_indirect_dma semaphore(%arg13 : memref<!tpu.dma_semaphore, #tpu.memory_space<semaphore_mem>>) src(%dma_wait3A_65 : memref<160000x128xf32, #tpu.memory_space<hbm>>) dst(%arg10 : memref<80x128xf32, #tpu.memory_space<vmem>>)
      %scan3A_66 = arith.constant 0 : i32
      %scan3A_67 = arith.constant 0 : i32
      %scan3A_68 = arith.constant 80 : i32
      %scan3A_69 = arith.addi %scan3A_67, %scan3A_68 : i32
      %scan3A_70 = arith.constant 1 : i32
      %scan3A_71 = scf.for %scan3A_74 = %scan3A_67 to %scan3A_69 step %scan3A_70 iter_args(%scan3A_75 = %scan3A_66) -> (i32)  : i32 {
        %get3A = arith.index_cast %scan3A_74 : i32 to index
        %get3A_76 = tpu.vector_load %arg9[%get3A] {strides = array<i32>} : memref<96xf32, #tpu.memory_space<vmem>>, vector<16xf32>,
        %slice3A = vector.extract_strided_slice %get3A_76 {offsets = [0], sizes = [1], strides = [1]} : vector<16xf32> to vector<1xf32>
        %squeeze3A = vector.extract %slice3A[0] : f32 from vector<1xf32>
        %get3A_77 = arith.index_cast %scan3A_74 : i32 to index
        %get3A_78 = arith.constant 0 : index
        %get3A_79 = tpu.vector_load %arg10[%get3A_77, %get3A_78] {strides = array<i32>} : memref<80x128xf32, #tpu.memory_space<vmem>>, vector<16xf32>,
        %mul3A_80 = vector.broadcast %squeeze3A : f32 to vector<16xf32>
        %mul3A_81 = arith.mulf %get3A_79, %mul3A_80 : vector<16xf32>
        %swap3A = arith.index_cast %scan3A_74 : i32 to index
        %swap3A_82 = arith.constant 0 : index
        %swap3A_83 = tpu.vector_load %arg10[%swap3A, %swap3A_82] {strides = array<i32>} : memref<80x128xf32, #tpu.memory_space<vmem>>, vector<16xf32>,
        tpu.vector_store %arg10[%swap3A, %swap3A_82], %mul3A_81 {strides = array<i32>} : memref<80x128xf32, #tpu.memory_space<vmem>>, vector<16xf32>,
        %get3A_84 = arith.index_cast %scan3A_74 : i32 to index
        %get3A_85 = arith.constant 16 : index
        %get3A_86 = tpu.vector_load %arg10[%get3A_84, %get3A_85] {strides = array<i32>} : memref<80x128xf32, #tpu.memory_space<vmem>>, vector<16xf32>,
        %mul3A_87 = vector.broadcast %squeeze3A : f32 to vector<16xf32>
        %mul3A_88 = arith.mulf %get3A_86, %mul3A_87 : vector<16xf32>
        %swap3A_89 = arith.index_cast %scan3A_74 : i32 to index
        %swap3A_90 = arith.constant 16 : index
        %swap3A_91 = tpu.vector_load %arg10[%swap3A_89, %swap3A_90] {strides = array<i32>} : memref<80x128xf32, #tpu.memory_space<vmem>>, vector<16xf32>,
        tpu.vector_store %arg10[%swap3A_89, %swap3A_90], %mul3A_88 {strides = array<i32>} : memref<80x128xf32, #tpu.memory_space<vmem>>, vector<16xf32>,
        %get3A_92 = arith.index_cast %scan3A_74 : i32 to index
        %get3A_93 = arith.constant 32 : index
        %get3A_94 = tpu.vector_load %arg10[%get3A_92, %get3A_93] {strides = array<i32>} : memref<80x128xf32, #tpu.memory_space<vmem>>, vector<16xf32>,
        %mul3A_95 = vector.broadcast %squeeze3A : f32 to vector<16xf32>
        %mul3A_96 = arith.mulf %get3A_94, %mul3A_95 : vector<16xf32>
        %swap3A_97 = arith.index_cast %scan3A_74 : i32 to index
        %swap3A_98 = arith.constant 32 : index
        %swap3A_99 = tpu.vector_load %arg10[%swap3A_97, %swap3A_98] {strides = array<i32>} : memref<80x128xf32, #tpu.memory_space<vmem>>, vector<16xf32>,
        tpu.vector_store %arg10[%swap3A_97, %swap3A_98], %mul3A_96 {strides = array<i32>} : memref<80x128xf32, #tpu.memory_space<vmem>>, vector<16xf32>,
        %get3A_100 = arith.index_cast %scan3A_74 : i32 to index
        %get3A_101 = arith.constant 48 : index
        %get3A_102 = tpu.vector_load %arg10[%get3A_100, %get3A_101] {strides = array<i32>} : memref<80x128xf32, #tpu.memory_space<vmem>>, vector<16xf32>,
        %mul3A_103 = vector.broadcast %squeeze3A : f32 to vector<16xf32>
        %mul3A_104 = arith.mulf %get3A_102, %mul3A_103 : vector<16xf32>
        %swap3A_105 = arith.index_cast %scan3A_74 : i32 to index
        %swap3A_106 = arith.constant 48 : index
        %swap3A_107 = tpu.vector_load %arg10[%swap3A_105, %swap3A_106] {strides = array<i32>} : memref<80x128xf32, #tpu.memory_space<vmem>>, vector<16xf32>,
        tpu.vector_store %arg10[%swap3A_105, %swap3A_106], %mul3A_104 {strides = array<i32>} : memref<80x128xf32, #tpu.memory_space<vmem>>, vector<16xf32>,
        %get3A_108 = arith.index_cast %scan3A_74 : i32 to index
        %get3A_109 = arith.constant 64 : index
        %get3A_110 = tpu.vector_load %arg10[%get3A_108, %get3A_109] {strides = array<i32>} : memref<80x128xf32, #tpu.memory_space<vmem>>, vector<16xf32>,
        %mul3A_111 = vector.broadcast %squeeze3A : f32 to vector<16xf32>
        %mul3A_112 = arith.mulf %get3A_110, %mul3A_111 : vector<16xf32>
        %swap3A_113 = arith.index_cast %scan3A_74 : i32 to index
        %swap3A_114 = arith.constant 64 : index
        %swap3A_115 = tpu.vector_load %arg10[%swap3A_113, %swap3A_114] {strides = array<i32>} : memref<80x128xf32, #tpu.memory_space<vmem>>, vector<16xf32>,
        tpu.vector_store %arg10[%swap3A_113, %swap3A_114], %mul3A_112 {strides = array<i32>} : memref<80x128xf32, #tpu.memory_space<vmem>>, vector<16xf32>,
        %get3A_116 = arith.index_cast %scan3A_74 : i32 to index
        %get3A_117 = arith.constant 80 : index
        %get3A_118 = tpu.vector_load %arg10[%get3A_116, %get3A_117] {strides = array<i32>} : memref<80x128xf32, #tpu.memory_space<vmem>>, vector<16xf32>,
        %mul3A_119 = vector.broadcast %squeeze3A : f32 to vector<16xf32>
        %mul3A_120 = arith.mulf %get3A_118, %mul3A_119 : vector<16xf32>
        %swap3A_121 = arith.index_cast %scan3A_74 : i32 to index
        %swap3A_122 = arith.constant 80 : index
        %swap3A_123 = tpu.vector_load %arg10[%swap3A_121, %swap3A_122] {strides = array<i32>} : memref<80x128xf32, #tpu.memory_space<vmem>>, vector<16xf32>,
        tpu.vector_store %arg10[%swap3A_121, %swap3A_122], %mul3A_120 {strides = array<i32>} : memref<80x128xf32, #tpu.memory_space<vmem>>, vector<16xf32>,
        %get3A_124 = arith.index_cast %scan3A_74 : i32 to index
        %get3A_125 = arith.constant 96 : index
        %get3A_126 = tpu.vector_load %arg10[%get3A_124, %get3A_125] {strides = array<i32>} : memref<80x128xf32, #tpu.memory_space<vmem>>, vector<16xf32>,
        %mul3A_127 = vector.broadcast %squeeze3A : f32 to vector<16xf32>
        %mul3A_128 = arith.mulf %get3A_126, %mul3A_127 : vector<16xf32>
        %swap3A_129 = arith.index_cast %scan3A_74 : i32 to index
        %swap3A_130 = arith.constant 96 : index
        %swap3A_131 = tpu.vector_load %arg10[%swap3A_129, %swap3A_130] {strides = array<i32>} : memref<80x128xf32, #tpu.memory_space<vmem>>, vector<16xf32>,
        tpu.vector_store %arg10[%swap3A_129, %swap3A_130], %mul3A_128 {strides = array<i32>} : memref<80x128xf32, #tpu.memory_space<vmem>>, vector<16xf32>,
        %get3A_132 = arith.index_cast %scan3A_74 : i32 to index
        %get3A_133 = arith.constant 112 : index
        %get3A_134 = tpu.vector_load %arg10[%get3A_132, %get3A_133] {strides = array<i32>} : memref<80x128xf32, #tpu.memory_space<vmem>>, vector<16xf32>,
        %mul3A_135 = vector.broadcast %squeeze3A : f32 to vector<16xf32>
        %mul3A_136 = arith.mulf %get3A_134, %mul3A_135 : vector<16xf32>
        %swap3A_137 = arith.index_cast %scan3A_74 : i32 to index
        %swap3A_138 = arith.constant 112 : index
        %swap3A_139 = tpu.vector_load %arg10[%swap3A_137, %swap3A_138] {strides = array<i32>} : memref<80x128xf32, #tpu.memory_space<vmem>>, vector<16xf32>,
        tpu.vector_store %arg10[%swap3A_137, %swap3A_138], %mul3A_136 {strides = array<i32>} : memref<80x128xf32, #tpu.memory_space<vmem>>, vector<16xf32>,
        %scan3A_140 = arith.constant 0 : i32
        scf.yield %scan3A_140 : i32
      }
      %scan3A_72 = arith.constant 80 : i32
      "tpu.region"() ({
        %run_scoped3A = tpu.sem_alloc : memref<!tpu.dma_semaphore, #tpu.memory_space<semaphore_mem>>
        %dma_start3A_74 = arith.constant 0 : i32
        %dma_start3A_75 = arith.constant 0 : i32
        %dma_start3A_76 = tpu.memref_slice %arg12[%dma_start3A_74, %dma_start3A_75] : memref<10240x128xf32, #tpu.memory_space<vmem_shared>> -> memref<10240x128xf32, #tpu.memory_space<vmem_shared>>
        tpu.enqueue_indirect_dma source(%arg10 : memref<80x128xf32, #tpu.memory_space<vmem>>) target(%dma_start3A_76 : memref<10240x128xf32, #tpu.memory_space<vmem_shared>>) offsets(%arg8 : memref<80xi32, #tpu.memory_space<vmem>>) semaphore(%run_scoped3A : memref<!tpu.dma_semaphore, #tpu.memory_space<semaphore_mem>>) {add = true}
        %dma_wait3A_77 = arith.constant 0 : i32
        %dma_wait3A_78 = arith.constant 0 : i32
        %dma_wait3A_79 = tpu.memref_slice %arg12[%dma_wait3A_77, %dma_wait3A_78] : memref<10240x128xf32, #tpu.memory_space<vmem_shared>> -> memref<10240x128xf32, #tpu.memory_space<vmem_shared>>
        tpu.wait_indirect_dma semaphore(%run_scoped3A : memref<!tpu.dma_semaphore, #tpu.memory_space<semaphore_mem>>) src(%arg10 : memref<80x128xf32, #tpu.memory_space<vmem>>) dst(%dma_wait3A_79 : memref<10240x128xf32, #tpu.memory_space<vmem_shared>>)
        tpu.yield
      }) : () -> ()
      %scan3A_73 = arith.constant 0 : i32
      scf.yield %scan3A_73 : i32
    }
    %scan3A_35 = arith.constant 125 : i32
    %barrier3A_36 = arith.constant 0 : index
    tpu.barrier barrier_id(%barrier3A_36)
    %mul3A_37 = arith.constant 640 : i32
    %mul3A_38 = arith.muli %arg1, %mul3A_37 : i32
    %add3A_39 = arith.constant 0 : i32
    %add3A_40 = arith.addi %mul3A_38, %add3A_39 : i32
    "tpu.region"() ({
      %run_scoped3A = tpu.sem_alloc : memref<!tpu.dma_semaphore, #tpu.memory_space<semaphore_mem>>
      %dma_start3A = arith.constant 0 : i32
      %dma_start3A_57 = tpu.memref_slice %arg12[%add3A_40, %dma_start3A] : memref<10240x128xf32, #tpu.memory_space<vmem_shared>> -> memref<128x128xf32, #tpu.memory_space<vmem_shared>>
      %dma_start3A_58 = arith.constant 0 : i32
      %dma_start3A_59 = tpu.memref_slice %arg12[%add3A_40, %dma_start3A_58] : memref<10240x128xf32, #tpu.memory_space<vmem_shared>> -> memref<128x128xf32, #tpu.memory_space<vmem_shared>>
      tpu.enqueue_dma source(%dma_start3A_59 : memref<128x128xf32, #tpu.memory_space<vmem_shared>>) target(%arg11 : memref<128x128xf32, #tpu.memory_space<vmem>>) target_semaphore(%run_scoped3A : memref<!tpu.dma_semaphore, #tpu.memory_space<semaphore_mem>>)
      %dma_wait3A = arith.constant 0 : i32
      %dma_wait3A_60 = tpu.memref_slice %arg12[%add3A_40, %dma_wait3A] : memref<10240x128xf32, #tpu.memory_space<vmem_shared>> -> memref<128x128xf32, #tpu.memory_space<vmem_shared>>
      %dma_wait3A_61 = arith.constant 0 : i32
      %dma_wait3A_62 = tpu.memref_slice %arg12[%add3A_40, %dma_wait3A_61] : memref<10240x128xf32, #tpu.memory_space<vmem_shared>> -> memref<128x128xf32, #tpu.memory_space<vmem_shared>>
      tpu.wait_dma2 semaphore(%run_scoped3A : memref<!tpu.dma_semaphore, #tpu.memory_space<semaphore_mem>>) src(%dma_wait3A_62 : memref<128x128xf32, #tpu.memory_space<vmem_shared>>) dst(%arg11 : memref<128x128xf32, #tpu.memory_space<vmem>>)
      tpu.yield
    }) : () -> ()
    "tpu.region"() ({
      %run_scoped3A = tpu.sem_alloc : memref<!tpu.dma_semaphore, #tpu.memory_space<semaphore_mem>>
      %dma_start3A = arith.constant 0 : i32
      %dma_start3A_57 = tpu.memref_slice %arg6[%arg0, %add3A_40, %dma_start3A] : memref<2x10240x128xf32, #tpu.memory_space<hbm>> -> memref<1x128x128xf32, #tpu.memory_space<hbm>>
      %dma_start3A_58 = tpu.memref_squeeze %dma_start3A_57 : memref<1x128x128xf32, #tpu.memory_space<hbm>> -> memref<128x128xf32, #tpu.memory_space<hbm>>
      %dma_start3A_59 = arith.constant 0 : i32
      %dma_start3A_60 = tpu.memref_slice %arg6[%arg0, %add3A_40, %dma_start3A_59] : memref<2x10240x128xf32, #tpu.memory_space<hbm>> -> memref<1x128x128xf32, #tpu.memory_space<hbm>>
      %dma_start3A_61 = tpu.memref_squeeze %dma_start3A_60 : memref<1x128x128xf32, #tpu.memory_space<hbm>> -> memref<128x128xf32, #tpu.memory_space<hbm>>
      tpu.enqueue_dma source(%arg11 : memref<128x128xf32, #tpu.memory_space<vmem>>) target(%dma_start3A_61 : memref<128x128xf32, #tpu.memory_space<hbm>>) target_semaphore(%run_scoped3A : memref<!tpu.dma_semaphore, #tpu.memory_space<semaphore_mem>>)
      %dma_wait3A = arith.constant 0 : i32
      %dma_wait3A_62 = tpu.memref_slice %arg6[%arg0, %add3A_40, %dma_wait3A] : memref<2x10240x128xf32, #tpu.memory_space<hbm>> -> memref<1x128x128xf32, #tpu.memory_space<hbm>>
      %dma_wait3A_63 = tpu.memref_squeeze %dma_wait3A_62 : memref<1x128x128xf32, #tpu.memory_space<hbm>> -> memref<128x128xf32, #tpu.memory_space<hbm>>
      %dma_wait3A_64 = arith.constant 0 : i32
      %dma_wait3A_65 = tpu.memref_slice %arg6[%arg0, %add3A_40, %dma_wait3A_64] : memref<2x10240x128xf32, #tpu.memory_space<hbm>> -> memref<1x128x128xf32, #tpu.memory_space<hbm>>
      %dma_wait3A_66 = tpu.memref_squeeze %dma_wait3A_65 : memref<1x128x128xf32, #tpu.memory_space<hbm>> -> memref<128x128xf32, #tpu.memory_space<hbm>>
      tpu.wait_dma2 semaphore(%run_scoped3A : memref<!tpu.dma_semaphore, #tpu.memory_space<semaphore_mem>>) src(%arg11 : memref<128x128xf32, #tpu.memory_space<vmem>>) dst(%dma_wait3A_66 : memref<128x128xf32, #tpu.memory_space<hbm>>)
      tpu.yield
    }) : () -> ()
    %mul3A_41 = arith.constant 640 : i32
    %mul3A_42 = arith.muli %arg1, %mul3A_41 : i32
    %add3A_43 = arith.constant 128 : i32
    %add3A_44 = arith.addi %mul3A_42, %add3A_43 : i32
    "tpu.region"() ({
      %run_scoped3A = tpu.sem_alloc : memref<!tpu.dma_semaphore, #tpu.memory_space<semaphore_mem>>
      %dma_start3A = arith.constant 0 : i32
      %dma_start3A_57 = tpu.memref_slice %arg12[%add3A_44, %dma_start3A] : memref<10240x128xf32, #tpu.memory_space<vmem_shared>> -> memref<128x128xf32, #tpu.memory_space<vmem_shared>>
      %dma_start3A_58 = arith.constant 0 : i32
      %dma_start3A_59 = tpu.memref_slice %arg12[%add3A_44, %dma_start3A_58] : memref<10240x128xf32, #tpu.memory_space<vmem_shared>> -> memref<128x128xf32, #tpu.memory_space<vmem_shared>>
      tpu.enqueue_dma source(%dma_start3A_59 : memref<128x128xf32, #tpu.memory_space<vmem_shared>>) target(%arg11 : memref<128x128xf32, #tpu.memory_space<vmem>>) target_semaphore(%run_scoped3A : memref<!tpu.dma_semaphore, #tpu.memory_space<semaphore_mem>>)
      %dma_wait3A = arith.constant 0 : i32
      %dma_wait3A_60 = tpu.memref_slice %arg12[%add3A_44, %dma_wait3A] : memref<10240x128xf32, #tpu.memory_space<vmem_shared>> -> memref<128x128xf32, #tpu.memory_space<vmem_shared>>
      %dma_wait3A_61 = arith.constant 0 : i32
      %dma_wait3A_62 = tpu.memref_slice %arg12[%add3A_44, %dma_wait3A_61] : memref<10240x128xf32, #tpu.memory_space<vmem_shared>> -> memref<128x128xf32, #tpu.memory_space<vmem_shared>>
      tpu.wait_dma2 semaphore(%run_scoped3A : memref<!tpu.dma_semaphore, #tpu.memory_space<semaphore_mem>>) src(%dma_wait3A_62 : memref<128x128xf32, #tpu.memory_space<vmem_shared>>) dst(%arg11 : memref<128x128xf32, #tpu.memory_space<vmem>>)
      tpu.yield
    }) : () -> ()
    "tpu.region"() ({
      %run_scoped3A = tpu.sem_alloc : memref<!tpu.dma_semaphore, #tpu.memory_space<semaphore_mem>>
      %dma_start3A = arith.constant 0 : i32
      %dma_start3A_57 = tpu.memref_slice %arg6[%arg0, %add3A_44, %dma_start3A] : memref<2x10240x128xf32, #tpu.memory_space<hbm>> -> memref<1x128x128xf32, #tpu.memory_space<hbm>>
      %dma_start3A_58 = tpu.memref_squeeze %dma_start3A_57 : memref<1x128x128xf32, #tpu.memory_space<hbm>> -> memref<128x128xf32, #tpu.memory_space<hbm>>
      %dma_start3A_59 = arith.constant 0 : i32
      %dma_start3A_60 = tpu.memref_slice %arg6[%arg0, %add3A_44, %dma_start3A_59] : memref<2x10240x128xf32, #tpu.memory_space<hbm>> -> memref<1x128x128xf32, #tpu.memory_space<hbm>>
      %dma_start3A_61 = tpu.memref_squeeze %dma_start3A_60 : memref<1x128x128xf32, #tpu.memory_space<hbm>> -> memref<128x128xf32, #tpu.memory_space<hbm>>
      tpu.enqueue_dma source(%arg11 : memref<128x128xf32, #tpu.memory_space<vmem>>) target(%dma_start3A_61 : memref<128x128xf32, #tpu.memory_space<hbm>>) target_semaphore(%run_scoped3A : memref<!tpu.dma_semaphore, #tpu.memory_space<semaphore_mem>>)
      %dma_wait3A = arith.constant 0 : i32
      %dma_wait3A_62 = tpu.memref_slice %arg6[%arg0, %add3A_44, %dma_wait3A] : memref<2x10240x128xf32, #tpu.memory_space<hbm>> -> memref<1x128x128xf32, #tpu.memory_space<hbm>>
      %dma_wait3A_63 = tpu.memref_squeeze %dma_wait3A_62 : memref<1x128x128xf32, #tpu.memory_space<hbm>> -> memref<128x128xf32, #tpu.memory_space<hbm>>
      %dma_wait3A_64 = arith.constant 0 : i32
      %dma_wait3A_65 = tpu.memref_slice %arg6[%arg0, %add3A_44, %dma_wait3A_64] : memref<2x10240x128xf32, #tpu.memory_space<hbm>> -> memref<1x128x128xf32, #tpu.memory_space<hbm>>
      %dma_wait3A_66 = tpu.memref_squeeze %dma_wait3A_65 : memref<1x128x128xf32, #tpu.memory_space<hbm>> -> memref<128x128xf32, #tpu.memory_space<hbm>>
      tpu.wait_dma2 semaphore(%run_scoped3A : memref<!tpu.dma_semaphore, #tpu.memory_space<semaphore_mem>>) src(%arg11 : memref<128x128xf32, #tpu.memory_space<vmem>>) dst(%dma_wait3A_66 : memref<128x128xf32, #tpu.memory_space<hbm>>)
      tpu.yield
    }) : () -> ()
    %mul3A_45 = arith.constant 640 : i32
    %mul3A_46 = arith.muli %arg1, %mul3A_45 : i32
    %add3A_47 = arith.constant 256 : i32
    %add3A_48 = arith.addi %mul3A_46, %add3A_47 : i32
    "tpu.region"() ({
      %run_scoped3A = tpu.sem_alloc : memref<!tpu.dma_semaphore, #tpu.memory_space<semaphore_mem>>
      %dma_start3A = arith.constant 0 : i32
      %dma_start3A_57 = tpu.memref_slice %arg12[%add3A_48, %dma_start3A] : memref<10240x128xf32, #tpu.memory_space<vmem_shared>> -> memref<128x128xf32, #tpu.memory_space<vmem_shared>>
      %dma_start3A_58 = arith.constant 0 : i32
      %dma_start3A_59 = tpu.memref_slice %arg12[%add3A_48, %dma_start3A_58] : memref<10240x128xf32, #tpu.memory_space<vmem_shared>> -> memref<128x128xf32, #tpu.memory_space<vmem_shared>>
      tpu.enqueue_dma source(%dma_start3A_59 : memref<128x128xf32, #tpu.memory_space<vmem_shared>>) target(%arg11 : memref<128x128xf32, #tpu.memory_space<vmem>>) target_semaphore(%run_scoped3A : memref<!tpu.dma_semaphore, #tpu.memory_space<semaphore_mem>>)
      %dma_wait3A = arith.constant 0 : i32
      %dma_wait3A_60 = tpu.memref_slice %arg12[%add3A_48, %dma_wait3A] : memref<10240x128xf32, #tpu.memory_space<vmem_shared>> -> memref<128x128xf32, #tpu.memory_space<vmem_shared>>
      %dma_wait3A_61 = arith.constant 0 : i32
      %dma_wait3A_62 = tpu.memref_slice %arg12[%add3A_48, %dma_wait3A_61] : memref<10240x128xf32, #tpu.memory_space<vmem_shared>> -> memref<128x128xf32, #tpu.memory_space<vmem_shared>>
      tpu.wait_dma2 semaphore(%run_scoped3A : memref<!tpu.dma_semaphore, #tpu.memory_space<semaphore_mem>>) src(%dma_wait3A_62 : memref<128x128xf32, #tpu.memory_space<vmem_shared>>) dst(%arg11 : memref<128x128xf32, #tpu.memory_space<vmem>>)
      tpu.yield
    }) : () -> ()
    "tpu.region"() ({
      %run_scoped3A = tpu.sem_alloc : memref<!tpu.dma_semaphore, #tpu.memory_space<semaphore_mem>>
      %dma_start3A = arith.constant 0 : i32
      %dma_start3A_57 = tpu.memref_slice %arg6[%arg0, %add3A_48, %dma_start3A] : memref<2x10240x128xf32, #tpu.memory_space<hbm>> -> memref<1x128x128xf32, #tpu.memory_space<hbm>>
      %dma_start3A_58 = tpu.memref_squeeze %dma_start3A_57 : memref<1x128x128xf32, #tpu.memory_space<hbm>> -> memref<128x128xf32, #tpu.memory_space<hbm>>
      %dma_start3A_59 = arith.constant 0 : i32
      %dma_start3A_60 = tpu.memref_slice %arg6[%arg0, %add3A_48, %dma_start3A_59] : memref<2x10240x128xf32, #tpu.memory_space<hbm>> -> memref<1x128x128xf32, #tpu.memory_space<hbm>>
      %dma_start3A_61 = tpu.memref_squeeze %dma_start3A_60 : memref<1x128x128xf32, #tpu.memory_space<hbm>> -> memref<128x128xf32, #tpu.memory_space<hbm>>
      tpu.enqueue_dma source(%arg11 : memref<128x128xf32, #tpu.memory_space<vmem>>) target(%dma_start3A_61 : memref<128x128xf32, #tpu.memory_space<hbm>>) target_semaphore(%run_scoped3A : memref<!tpu.dma_semaphore, #tpu.memory_space<semaphore_mem>>)
      %dma_wait3A = arith.constant 0 : i32
      %dma_wait3A_62 = tpu.memref_slice %arg6[%arg0, %add3A_48, %dma_wait3A] : memref<2x10240x128xf32, #tpu.memory_space<hbm>> -> memref<1x128x128xf32, #tpu.memory_space<hbm>>
      %dma_wait3A_63 = tpu.memref_squeeze %dma_wait3A_62 : memref<1x128x128xf32, #tpu.memory_space<hbm>> -> memref<128x128xf32, #tpu.memory_space<hbm>>
      %dma_wait3A_64 = arith.constant 0 : i32
      %dma_wait3A_65 = tpu.memref_slice %arg6[%arg0, %add3A_48, %dma_wait3A_64] : memref<2x10240x128xf32, #tpu.memory_space<hbm>> -> memref<1x128x128xf32, #tpu.memory_space<hbm>>
      %dma_wait3A_66 = tpu.memref_squeeze %dma_wait3A_65 : memref<1x128x128xf32, #tpu.memory_space<hbm>> -> memref<128x128xf32, #tpu.memory_space<hbm>>
      tpu.wait_dma2 semaphore(%run_scoped3A : memref<!tpu.dma_semaphore, #tpu.memory_space<semaphore_mem>>) src(%arg11 : memref<128x128xf32, #tpu.memory_space<vmem>>) dst(%dma_wait3A_66 : memref<128x128xf32, #tpu.memory_space<hbm>>)
      tpu.yield
    }) : () -> ()
    %mul3A_49 = arith.constant 640 : i32
    %mul3A_50 = arith.muli %arg1, %mul3A_49 : i32
    %add3A_51 = arith.constant 384 : i32
    %add3A_52 = arith.addi %mul3A_50, %add3A_51 : i32
    "tpu.region"() ({
      %run_scoped3A = tpu.sem_alloc : memref<!tpu.dma_semaphore, #tpu.memory_space<semaphore_mem>>
      %dma_start3A = arith.constant 0 : i32
      %dma_start3A_57 = tpu.memref_slice %arg12[%add3A_52, %dma_start3A] : memref<10240x128xf32, #tpu.memory_space<vmem_shared>> -> memref<128x128xf32, #tpu.memory_space<vmem_shared>>
      %dma_start3A_58 = arith.constant 0 : i32
      %dma_start3A_59 = tpu.memref_slice %arg12[%add3A_52, %dma_start3A_58] : memref<10240x128xf32, #tpu.memory_space<vmem_shared>> -> memref<128x128xf32, #tpu.memory_space<vmem_shared>>
      tpu.enqueue_dma source(%dma_start3A_59 : memref<128x128xf32, #tpu.memory_space<vmem_shared>>) target(%arg11 : memref<128x128xf32, #tpu.memory_space<vmem>>) target_semaphore(%run_scoped3A : memref<!tpu.dma_semaphore, #tpu.memory_space<semaphore_mem>>)
      %dma_wait3A = arith.constant 0 : i32
      %dma_wait3A_60 = tpu.memref_slice %arg12[%add3A_52, %dma_wait3A] : memref<10240x128xf32, #tpu.memory_space<vmem_shared>> -> memref<128x128xf32, #tpu.memory_space<vmem_shared>>
      %dma_wait3A_61 = arith.constant 0 : i32
      %dma_wait3A_62 = tpu.memref_slice %arg12[%add3A_52, %dma_wait3A_61] : memref<10240x128xf32, #tpu.memory_space<vmem_shared>> -> memref<128x128xf32, #tpu.memory_space<vmem_shared>>
      tpu.wait_dma2 semaphore(%run_scoped3A : memref<!tpu.dma_semaphore, #tpu.memory_space<semaphore_mem>>) src(%dma_wait3A_62 : memref<128x128xf32, #tpu.memory_space<vmem_shared>>) dst(%arg11 : memref<128x128xf32, #tpu.memory_space<vmem>>)
      tpu.yield
    }) : () -> ()
    "tpu.region"() ({
      %run_scoped3A = tpu.sem_alloc : memref<!tpu.dma_semaphore, #tpu.memory_space<semaphore_mem>>
      %dma_start3A = arith.constant 0 : i32
      %dma_start3A_57 = tpu.memref_slice %arg6[%arg0, %add3A_52, %dma_start3A] : memref<2x10240x128xf32, #tpu.memory_space<hbm>> -> memref<1x128x128xf32, #tpu.memory_space<hbm>>
      %dma_start3A_58 = tpu.memref_squeeze %dma_start3A_57 : memref<1x128x128xf32, #tpu.memory_space<hbm>> -> memref<128x128xf32, #tpu.memory_space<hbm>>
      %dma_start3A_59 = arith.constant 0 : i32
      %dma_start3A_60 = tpu.memref_slice %arg6[%arg0, %add3A_52, %dma_start3A_59] : memref<2x10240x128xf32, #tpu.memory_space<hbm>> -> memref<1x128x128xf32, #tpu.memory_space<hbm>>
      %dma_start3A_61 = tpu.memref_squeeze %dma_start3A_60 : memref<1x128x128xf32, #tpu.memory_space<hbm>> -> memref<128x128xf32, #tpu.memory_space<hbm>>
      tpu.enqueue_dma source(%arg11 : memref<128x128xf32, #tpu.memory_space<vmem>>) target(%dma_start3A_61 : memref<128x128xf32, #tpu.memory_space<hbm>>) target_semaphore(%run_scoped3A : memref<!tpu.dma_semaphore, #tpu.memory_space<semaphore_mem>>)
      %dma_wait3A = arith.constant 0 : i32
      %dma_wait3A_62 = tpu.memref_slice %arg6[%arg0, %add3A_52, %dma_wait3A] : memref<2x10240x128xf32, #tpu.memory_space<hbm>> -> memref<1x128x128xf32, #tpu.memory_space<hbm>>
      %dma_wait3A_63 = tpu.memref_squeeze %dma_wait3A_62 : memref<1x128x128xf32, #tpu.memory_space<hbm>> -> memref<128x128xf32, #tpu.memory_space<hbm>>
      %dma_wait3A_64 = arith.constant 0 : i32
      %dma_wait3A_65 = tpu.memref_slice %arg6[%arg0, %add3A_52, %dma_wait3A_64] : memref<2x10240x128xf32, #tpu.memory_space<hbm>> -> memref<1x128x128xf32, #tpu.memory_space<hbm>>
      %dma_wait3A_66 = tpu.memref_squeeze %dma_wait3A_65 : memref<1x128x128xf32, #tpu.memory_space<hbm>> -> memref<128x128xf32, #tpu.memory_space<hbm>>
      tpu.wait_dma2 semaphore(%run_scoped3A : memref<!tpu.dma_semaphore, #tpu.memory_space<semaphore_mem>>) src(%arg11 : memref<128x128xf32, #tpu.memory_space<vmem>>) dst(%dma_wait3A_66 : memref<128x128xf32, #tpu.memory_space<hbm>>)
      tpu.yield
    }) : () -> ()
    %mul3A_53 = arith.constant 640 : i32
    %mul3A_54 = arith.muli %arg1, %mul3A_53 : i32
    %add3A_55 = arith.constant 512 : i32
    %add3A_56 = arith.addi %mul3A_54, %add3A_55 : i32
    "tpu.region"() ({
      %run_scoped3A = tpu.sem_alloc : memref<!tpu.dma_semaphore, #tpu.memory_space<semaphore_mem>>
      %dma_start3A = arith.constant 0 : i32
      %dma_start3A_57 = tpu.memref_slice %arg12[%add3A_56, %dma_start3A] : memref<10240x128xf32, #tpu.memory_space<vmem_shared>> -> memref<128x128xf32, #tpu.memory_space<vmem_shared>>
      %dma_start3A_58 = arith.constant 0 : i32
      %dma_start3A_59 = tpu.memref_slice %arg12[%add3A_56, %dma_start3A_58] : memref<10240x128xf32, #tpu.memory_space<vmem_shared>> -> memref<128x128xf32, #tpu.memory_space<vmem_shared>>
      tpu.enqueue_dma source(%dma_start3A_59 : memref<128x128xf32, #tpu.memory_space<vmem_shared>>) target(%arg11 : memref<128x128xf32, #tpu.memory_space<vmem>>) target_semaphore(%run_scoped3A : memref<!tpu.dma_semaphore, #tpu.memory_space<semaphore_mem>>)
      %dma_wait3A = arith.constant 0 : i32
      %dma_wait3A_60 = tpu.memref_slice %arg12[%add3A_56, %dma_wait3A] : memref<10240x128xf32, #tpu.memory_space<vmem_shared>> -> memref<128x128xf32, #tpu.memory_space<vmem_shared>>
      %dma_wait3A_61 = arith.constant 0 : i32
      %dma_wait3A_62 = tpu.memref_slice %arg12[%add3A_56, %dma_wait3A_61] : memref<10240x128xf32, #tpu.memory_space<vmem_shared>> -> memref<128x128xf32, #tpu.memory_space<vmem_shared>>
      tpu.wait_dma2 semaphore(%run_scoped3A : memref<!tpu.dma_semaphore, #tpu.memory_space<semaphore_mem>>) src(%dma_wait3A_62 : memref<128x128xf32, #tpu.memory_space<vmem_shared>>) dst(%arg11 : memref<128x128xf32, #tpu.memory_space<vmem>>)
      tpu.yield
    }) : () -> ()
    "tpu.region"() ({
      %run_scoped3A = tpu.sem_alloc : memref<!tpu.dma_semaphore, #tpu.memory_space<semaphore_mem>>
      %dma_start3A = arith.constant 0 : i32
      %dma_start3A_57 = tpu.memref_slice %arg6[%arg0, %add3A_56, %dma_start3A] : memref<2x10240x128xf32, #tpu.memory_space<hbm>> -> memref<1x128x128xf32, #tpu.memory_space<hbm>>
      %dma_start3A_58 = tpu.memref_squeeze %dma_start3A_57 : memref<1x128x128xf32, #tpu.memory_space<hbm>> -> memref<128x128xf32, #tpu.memory_space<hbm>>
      %dma_start3A_59 = arith.constant 0 : i32
      %dma_start3A_60 = tpu.memref_slice %arg6[%arg0, %add3A_56, %dma_start3A_59] : memref<2x10240x128xf32, #tpu.memory_space<hbm>> -> memref<1x128x128xf32, #tpu.memory_space<hbm>>
      %dma_start3A_61 = tpu.memref_squeeze %dma_start3A_60 : memref<1x128x128xf32, #tpu.memory_space<hbm>> -> memref<128x128xf32, #tpu.memory_space<hbm>>
      tpu.enqueue_dma source(%arg11 : memref<128x128xf32, #tpu.memory_space<vmem>>) target(%dma_start3A_61 : memref<128x128xf32, #tpu.memory_space<hbm>>) target_semaphore(%run_scoped3A : memref<!tpu.dma_semaphore, #tpu.memory_space<semaphore_mem>>)
      %dma_wait3A = arith.constant 0 : i32
      %dma_wait3A_62 = tpu.memref_slice %arg6[%arg0, %add3A_56, %dma_wait3A] : memref<2x10240x128xf32, #tpu.memory_space<hbm>> -> memref<1x128x128xf32, #tpu.memory_space<hbm>>
      %dma_wait3A_63 = tpu.memref_squeeze %dma_wait3A_62 : memref<1x128x128xf32, #tpu.memory_space<hbm>> -> memref<128x128xf32, #tpu.memory_space<hbm>>
      %dma_wait3A_64 = arith.constant 0 : i32
      %dma_wait3A_65 = tpu.memref_slice %arg6[%arg0, %add3A_56, %dma_wait3A_64] : memref<2x10240x128xf32, #tpu.memory_space<hbm>> -> memref<1x128x128xf32, #tpu.memory_space<hbm>>
      %dma_wait3A_66 = tpu.memref_squeeze %dma_wait3A_65 : memref<1x128x128xf32, #tpu.memory_space<hbm>> -> memref<128x128xf32, #tpu.memory_space<hbm>>
      tpu.wait_dma2 semaphore(%run_scoped3A : memref<!tpu.dma_semaphore, #tpu.memory_space<semaphore_mem>>) src(%arg11 : memref<128x128xf32, #tpu.memory_space<vmem>>) dst(%dma_wait3A_66 : memref<128x128xf32, #tpu.memory_space<hbm>>)
      tpu.yield
    }) : () -> ()
    return
  }
}

#map = affine_map<(d0, d1) -> (0)>
module attributes {stable_mosaic.version = 14 : i64} {
  func.func @_prep_kernel(%arg0: i32, %arg1: i32, %arg2: memref<320000xi32, #tpu.memory_space<hbm>>, %arg3: memref<320000xi32, #tpu.memory_space<hbm>>, %arg4: memref<320000xi32, #tpu.memory_space<hbm>>, %arg5: memref<160000xf32, #tpu.memory_space<hbm>>, %arg6: memref<320000xi32, #tpu.memory_space<hbm>>, %arg7: memref<320000xf32, #tpu.memory_space<hbm>>, %arg8: memref<80xi32, #tpu.memory_space<vmem>>, %arg9: memref<80xi32, #tpu.memory_space<vmem>>, %arg10: memref<80xi32, #tpu.memory_space<vmem>>, %arg11: memref<80xi32, #tpu.memory_space<vmem>>, %arg12: memref<80xi32, #tpu.memory_space<vmem>>, %arg13: memref<80xf32, #tpu.memory_space<vmem>>, %arg14: memref<!tpu.dma_semaphore, #tpu.memory_space<semaphore_mem>>) attributes {dimension_semantics = [#tpu.dimension_semantics<core_parallel>, #tpu.dimension_semantics<subcore_parallel>], iteration_bounds = array<i64: 2, 16>, scalar_prefetch = 0 : i64, scratch_operands = 7 : i64, tpu.core_type = #tpu.core_type<sc_vector_subcore>, window_params = [{transform_indices = #map}, {transform_indices = #map}, {transform_indices = #map}, {transform_indices = #map}, {transform_indices = #map}, {transform_indices = #map}]} {
    %mul3A = arith.constant 16 : i32
    %mul3A_0 = arith.muli %arg0, %mul3A : i32
    %add3A = arith.addi %mul3A_0, %arg1 : i32
    %mul3A_1 = arith.constant 10000 : i32
    %mul3A_2 = arith.muli %add3A, %mul3A_1 : i32
    %scan3A = arith.constant 0 : i32
    %scan3A_3 = arith.constant 0 : i32
    %scan3A_4 = arith.constant 125 : i32
    %scan3A_5 = arith.addi %scan3A_3, %scan3A_4 : i32
    %scan3A_6 = arith.constant 1 : i32
    %scan3A_7 = scf.for %scan3A_9 = %scan3A_3 to %scan3A_5 step %scan3A_6 iter_args(%scan3A_10 = %scan3A) -> (i32)  : i32 {
      %mul3A_11 = arith.constant 80 : i32
      %mul3A_12 = arith.muli %scan3A_9, %mul3A_11 : i32
      %add3A_13 = arith.addi %mul3A_2, %mul3A_12 : i32
      "tpu.region"() ({
        %run_scoped3A = tpu.sem_alloc : memref<!tpu.dma_semaphore, #tpu.memory_space<semaphore_mem>>
        %dma_start3A_105 = tpu.memref_slice %arg2[%add3A_13] : memref<320000xi32, #tpu.memory_space<hbm>> -> memref<80xi32, #tpu.memory_space<hbm>>
        %dma_start3A_106 = tpu.memref_slice %arg2[%add3A_13] : memref<320000xi32, #tpu.memory_space<hbm>> -> memref<80xi32, #tpu.memory_space<hbm>>
        tpu.enqueue_dma source(%dma_start3A_106 : memref<80xi32, #tpu.memory_space<hbm>>) target(%arg8 : memref<80xi32, #tpu.memory_space<vmem>>) target_semaphore(%run_scoped3A : memref<!tpu.dma_semaphore, #tpu.memory_space<semaphore_mem>>)
        %dma_wait3A_107 = tpu.memref_slice %arg2[%add3A_13] : memref<320000xi32, #tpu.memory_space<hbm>> -> memref<80xi32, #tpu.memory_space<hbm>>
        %dma_wait3A_108 = tpu.memref_slice %arg2[%add3A_13] : memref<320000xi32, #tpu.memory_space<hbm>> -> memref<80xi32, #tpu.memory_space<hbm>>
        tpu.wait_dma2 semaphore(%run_scoped3A : memref<!tpu.dma_semaphore, #tpu.memory_space<semaphore_mem>>) src(%dma_wait3A_108 : memref<80xi32, #tpu.memory_space<hbm>>) dst(%arg8 : memref<80xi32, #tpu.memory_space<vmem>>)
        tpu.yield
      }) : () -> ()
      "tpu.region"() ({
        %run_scoped3A = tpu.sem_alloc : memref<!tpu.dma_semaphore, #tpu.memory_space<semaphore_mem>>
        %dma_start3A_105 = tpu.memref_slice %arg3[%add3A_13] : memref<320000xi32, #tpu.memory_space<hbm>> -> memref<80xi32, #tpu.memory_space<hbm>>
        %dma_start3A_106 = tpu.memref_slice %arg3[%add3A_13] : memref<320000xi32, #tpu.memory_space<hbm>> -> memref<80xi32, #tpu.memory_space<hbm>>
        tpu.enqueue_dma source(%dma_start3A_106 : memref<80xi32, #tpu.memory_space<hbm>>) target(%arg9 : memref<80xi32, #tpu.memory_space<vmem>>) target_semaphore(%run_scoped3A : memref<!tpu.dma_semaphore, #tpu.memory_space<semaphore_mem>>)
        %dma_wait3A_107 = tpu.memref_slice %arg3[%add3A_13] : memref<320000xi32, #tpu.memory_space<hbm>> -> memref<80xi32, #tpu.memory_space<hbm>>
        %dma_wait3A_108 = tpu.memref_slice %arg3[%add3A_13] : memref<320000xi32, #tpu.memory_space<hbm>> -> memref<80xi32, #tpu.memory_space<hbm>>
        tpu.wait_dma2 semaphore(%run_scoped3A : memref<!tpu.dma_semaphore, #tpu.memory_space<semaphore_mem>>) src(%dma_wait3A_108 : memref<80xi32, #tpu.memory_space<hbm>>) dst(%arg9 : memref<80xi32, #tpu.memory_space<vmem>>)
        tpu.yield
      }) : () -> ()
      "tpu.region"() ({
        %run_scoped3A = tpu.sem_alloc : memref<!tpu.dma_semaphore, #tpu.memory_space<semaphore_mem>>
        %dma_start3A_105 = tpu.memref_slice %arg4[%add3A_13] : memref<320000xi32, #tpu.memory_space<hbm>> -> memref<80xi32, #tpu.memory_space<hbm>>
        %dma_start3A_106 = tpu.memref_slice %arg4[%add3A_13] : memref<320000xi32, #tpu.memory_space<hbm>> -> memref<80xi32, #tpu.memory_space<hbm>>
        tpu.enqueue_dma source(%dma_start3A_106 : memref<80xi32, #tpu.memory_space<hbm>>) target(%arg10 : memref<80xi32, #tpu.memory_space<vmem>>) target_semaphore(%run_scoped3A : memref<!tpu.dma_semaphore, #tpu.memory_space<semaphore_mem>>)
        %dma_wait3A_107 = tpu.memref_slice %arg4[%add3A_13] : memref<320000xi32, #tpu.memory_space<hbm>> -> memref<80xi32, #tpu.memory_space<hbm>>
        %dma_wait3A_108 = tpu.memref_slice %arg4[%add3A_13] : memref<320000xi32, #tpu.memory_space<hbm>> -> memref<80xi32, #tpu.memory_space<hbm>>
        tpu.wait_dma2 semaphore(%run_scoped3A : memref<!tpu.dma_semaphore, #tpu.memory_space<semaphore_mem>>) src(%dma_wait3A_108 : memref<80xi32, #tpu.memory_space<hbm>>) dst(%arg10 : memref<80xi32, #tpu.memory_space<vmem>>)
        tpu.yield
      }) : () -> ()
      %get3A = arith.constant 0 : index
      %get3A_14 = tpu.vector_load %arg10[%get3A] {strides = array<i32>} : memref<80xi32, #tpu.memory_space<vmem>>, vector<16xi32>,
      %get3A_15 = arith.constant 0 : index
      %get3A_16 = tpu.vector_load %arg8[%get3A_15] {strides = array<i32>} : memref<80xi32, #tpu.memory_space<vmem>>, vector<16xi32>,
      %mul3A_17 = arith.constant 16 : i32
      %mul3A_18 = vector.broadcast %mul3A_17 : i32 to vector<16xi32>
      %mul3A_19 = arith.muli %get3A_16, %mul3A_18 : vector<16xi32>
      %add3A_20 = arith.addi %mul3A_19, %get3A_14 : vector<16xi32>
      %swap3A = arith.constant 0 : index
      %swap3A_21 = tpu.vector_load %arg11[%swap3A] {strides = array<i32>} : memref<80xi32, #tpu.memory_space<vmem>>, vector<16xi32>,
      tpu.vector_store %arg11[%swap3A], %add3A_20 {strides = array<i32>} : memref<80xi32, #tpu.memory_space<vmem>>, vector<16xi32>,
      %get3A_22 = arith.constant 0 : index
      %get3A_23 = tpu.vector_load %arg9[%get3A_22] {strides = array<i32>} : memref<80xi32, #tpu.memory_space<vmem>>, vector<16xi32>,
      %mul3A_24 = arith.constant 16 : i32
      %mul3A_25 = vector.broadcast %mul3A_24 : i32 to vector<16xi32>
      %mul3A_26 = arith.muli %get3A_23, %mul3A_25 : vector<16xi32>
      %add3A_27 = arith.addi %mul3A_26, %get3A_14 : vector<16xi32>
      %swap3A_28 = arith.constant 0 : index
      %swap3A_29 = tpu.vector_load %arg12[%swap3A_28] {strides = array<i32>} : memref<80xi32, #tpu.memory_space<vmem>>, vector<16xi32>,
      tpu.vector_store %arg12[%swap3A_28], %add3A_27 {strides = array<i32>} : memref<80xi32, #tpu.memory_space<vmem>>, vector<16xi32>,
      %get3A_30 = arith.constant 16 : index
      %get3A_31 = tpu.vector_load %arg10[%get3A_30] {strides = array<i32>} : memref<80xi32, #tpu.memory_space<vmem>>, vector<16xi32>,
      %get3A_32 = arith.constant 16 : index
      %get3A_33 = tpu.vector_load %arg8[%get3A_32] {strides = array<i32>} : memref<80xi32, #tpu.memory_space<vmem>>, vector<16xi32>,
      %mul3A_34 = arith.constant 16 : i32
      %mul3A_35 = vector.broadcast %mul3A_34 : i32 to vector<16xi32>
      %mul3A_36 = arith.muli %get3A_33, %mul3A_35 : vector<16xi32>
      %add3A_37 = arith.addi %mul3A_36, %get3A_31 : vector<16xi32>
      %swap3A_38 = arith.constant 16 : index
      %swap3A_39 = tpu.vector_load %arg11[%swap3A_38] {strides = array<i32>} : memref<80xi32, #tpu.memory_space<vmem>>, vector<16xi32>,
      tpu.vector_store %arg11[%swap3A_38], %add3A_37 {strides = array<i32>} : memref<80xi32, #tpu.memory_space<vmem>>, vector<16xi32>,
      %get3A_40 = arith.constant 16 : index
      %get3A_41 = tpu.vector_load %arg9[%get3A_40] {strides = array<i32>} : memref<80xi32, #tpu.memory_space<vmem>>, vector<16xi32>,
      %mul3A_42 = arith.constant 16 : i32
      %mul3A_43 = vector.broadcast %mul3A_42 : i32 to vector<16xi32>
      %mul3A_44 = arith.muli %get3A_41, %mul3A_43 : vector<16xi32>
      %add3A_45 = arith.addi %mul3A_44, %get3A_31 : vector<16xi32>
      %swap3A_46 = arith.constant 16 : index
      %swap3A_47 = tpu.vector_load %arg12[%swap3A_46] {strides = array<i32>} : memref<80xi32, #tpu.memory_space<vmem>>, vector<16xi32>,
      tpu.vector_store %arg12[%swap3A_46], %add3A_45 {strides = array<i32>} : memref<80xi32, #tpu.memory_space<vmem>>, vector<16xi32>,
      %get3A_48 = arith.constant 32 : index
      %get3A_49 = tpu.vector_load %arg10[%get3A_48] {strides = array<i32>} : memref<80xi32, #tpu.memory_space<vmem>>, vector<16xi32>,
      %get3A_50 = arith.constant 32 : index
      %get3A_51 = tpu.vector_load %arg8[%get3A_50] {strides = array<i32>} : memref<80xi32, #tpu.memory_space<vmem>>, vector<16xi32>,
      %mul3A_52 = arith.constant 16 : i32
      %mul3A_53 = vector.broadcast %mul3A_52 : i32 to vector<16xi32>
      %mul3A_54 = arith.muli %get3A_51, %mul3A_53 : vector<16xi32>
      %add3A_55 = arith.addi %mul3A_54, %get3A_49 : vector<16xi32>
      %swap3A_56 = arith.constant 32 : index
      %swap3A_57 = tpu.vector_load %arg11[%swap3A_56] {strides = array<i32>} : memref<80xi32, #tpu.memory_space<vmem>>, vector<16xi32>,
      tpu.vector_store %arg11[%swap3A_56], %add3A_55 {strides = array<i32>} : memref<80xi32, #tpu.memory_space<vmem>>, vector<16xi32>,
      %get3A_58 = arith.constant 32 : index
      %get3A_59 = tpu.vector_load %arg9[%get3A_58] {strides = array<i32>} : memref<80xi32, #tpu.memory_space<vmem>>, vector<16xi32>,
      %mul3A_60 = arith.constant 16 : i32
      %mul3A_61 = vector.broadcast %mul3A_60 : i32 to vector<16xi32>
      %mul3A_62 = arith.muli %get3A_59, %mul3A_61 : vector<16xi32>
      %add3A_63 = arith.addi %mul3A_62, %get3A_49 : vector<16xi32>
      %swap3A_64 = arith.constant 32 : index
      %swap3A_65 = tpu.vector_load %arg12[%swap3A_64] {strides = array<i32>} : memref<80xi32, #tpu.memory_space<vmem>>, vector<16xi32>,
      tpu.vector_store %arg12[%swap3A_64], %add3A_63 {strides = array<i32>} : memref<80xi32, #tpu.memory_space<vmem>>, vector<16xi32>,
      %get3A_66 = arith.constant 48 : index
      %get3A_67 = tpu.vector_load %arg10[%get3A_66] {strides = array<i32>} : memref<80xi32, #tpu.memory_space<vmem>>, vector<16xi32>,
      %get3A_68 = arith.constant 48 : index
      %get3A_69 = tpu.vector_load %arg8[%get3A_68] {strides = array<i32>} : memref<80xi32, #tpu.memory_space<vmem>>, vector<16xi32>,
      %mul3A_70 = arith.constant 16 : i32
      %mul3A_71 = vector.broadcast %mul3A_70 : i32 to vector<16xi32>
      %mul3A_72 = arith.muli %get3A_69, %mul3A_71 : vector<16xi32>
      %add3A_73 = arith.addi %mul3A_72, %get3A_67 : vector<16xi32>
      %swap3A_74 = arith.constant 48 : index
      %swap3A_75 = tpu.vector_load %arg11[%swap3A_74] {strides = array<i32>} : memref<80xi32, #tpu.memory_space<vmem>>, vector<16xi32>,
      tpu.vector_store %arg11[%swap3A_74], %add3A_73 {strides = array<i32>} : memref<80xi32, #tpu.memory_space<vmem>>, vector<16xi32>,
      %get3A_76 = arith.constant 48 : index
      %get3A_77 = tpu.vector_load %arg9[%get3A_76] {strides = array<i32>} : memref<80xi32, #tpu.memory_space<vmem>>, vector<16xi32>,
      %mul3A_78 = arith.constant 16 : i32
      %mul3A_79 = vector.broadcast %mul3A_78 : i32 to vector<16xi32>
      %mul3A_80 = arith.muli %get3A_77, %mul3A_79 : vector<16xi32>
      %add3A_81 = arith.addi %mul3A_80, %get3A_67 : vector<16xi32>
      %swap3A_82 = arith.constant 48 : index
      %swap3A_83 = tpu.vector_load %arg12[%swap3A_82] {strides = array<i32>} : memref<80xi32, #tpu.memory_space<vmem>>, vector<16xi32>,
      tpu.vector_store %arg12[%swap3A_82], %add3A_81 {strides = array<i32>} : memref<80xi32, #tpu.memory_space<vmem>>, vector<16xi32>,
      %get3A_84 = arith.constant 64 : index
      %get3A_85 = tpu.vector_load %arg10[%get3A_84] {strides = array<i32>} : memref<80xi32, #tpu.memory_space<vmem>>, vector<16xi32>,
      %get3A_86 = arith.constant 64 : index
      %get3A_87 = tpu.vector_load %arg8[%get3A_86] {strides = array<i32>} : memref<80xi32, #tpu.memory_space<vmem>>, vector<16xi32>,
      %mul3A_88 = arith.constant 16 : i32
      %mul3A_89 = vector.broadcast %mul3A_88 : i32 to vector<16xi32>
      %mul3A_90 = arith.muli %get3A_87, %mul3A_89 : vector<16xi32>
      %add3A_91 = arith.addi %mul3A_90, %get3A_85 : vector<16xi32>
      %swap3A_92 = arith.constant 64 : index
      %swap3A_93 = tpu.vector_load %arg11[%swap3A_92] {strides = array<i32>} : memref<80xi32, #tpu.memory_space<vmem>>, vector<16xi32>,
      tpu.vector_store %arg11[%swap3A_92], %add3A_91 {strides = array<i32>} : memref<80xi32, #tpu.memory_space<vmem>>, vector<16xi32>,
      %get3A_94 = arith.constant 64 : index
      %get3A_95 = tpu.vector_load %arg9[%get3A_94] {strides = array<i32>} : memref<80xi32, #tpu.memory_space<vmem>>, vector<16xi32>,
      %mul3A_96 = arith.constant 16 : i32
      %mul3A_97 = vector.broadcast %mul3A_96 : i32 to vector<16xi32>
      %mul3A_98 = arith.muli %get3A_95, %mul3A_97 : vector<16xi32>
      %add3A_99 = arith.addi %mul3A_98, %get3A_85 : vector<16xi32>
      %swap3A_100 = arith.constant 64 : index
      %swap3A_101 = tpu.vector_load %arg12[%swap3A_100] {strides = array<i32>} : memref<80xi32, #tpu.memory_space<vmem>>, vector<16xi32>,
      tpu.vector_store %arg12[%swap3A_100], %add3A_99 {strides = array<i32>} : memref<80xi32, #tpu.memory_space<vmem>>, vector<16xi32>,
      %dma_start3A = arith.constant 0 : i32
      %dma_start3A_102 = tpu.memref_slice %arg5[%dma_start3A] : memref<160000xf32, #tpu.memory_space<hbm>> -> memref<160000xf32, #tpu.memory_space<hbm>>
      tpu.enqueue_indirect_dma source(%dma_start3A_102 : memref<160000xf32, #tpu.memory_space<hbm>>) target(%arg13 : memref<80xf32, #tpu.memory_space<vmem>>) offsets(%arg12 : memref<80xi32, #tpu.memory_space<vmem>>) semaphore(%arg14 : memref<!tpu.dma_semaphore, #tpu.memory_space<semaphore_mem>>)
      %dma_wait3A = arith.constant 0 : i32
      %dma_wait3A_103 = tpu.memref_slice %arg5[%dma_wait3A] : memref<160000xf32, #tpu.memory_space<hbm>> -> memref<160000xf32, #tpu.memory_space<hbm>>
      tpu.wait_indirect_dma semaphore(%arg14 : memref<!tpu.dma_semaphore, #tpu.memory_space<semaphore_mem>>) src(%dma_wait3A_103 : memref<160000xf32, #tpu.memory_space<hbm>>) dst(%arg13 : memref<80xf32, #tpu.memory_space<vmem>>)
      "tpu.region"() ({
        %run_scoped3A = tpu.sem_alloc : memref<!tpu.dma_semaphore, #tpu.memory_space<semaphore_mem>>
        %dma_start3A_105 = tpu.memref_slice %arg6[%add3A_13] : memref<320000xi32, #tpu.memory_space<hbm>> -> memref<80xi32, #tpu.memory_space<hbm>>
        %dma_start3A_106 = tpu.memref_slice %arg6[%add3A_13] : memref<320000xi32, #tpu.memory_space<hbm>> -> memref<80xi32, #tpu.memory_space<hbm>>
        tpu.enqueue_dma source(%arg11 : memref<80xi32, #tpu.memory_space<vmem>>) target(%dma_start3A_106 : memref<80xi32, #tpu.memory_space<hbm>>) target_semaphore(%run_scoped3A : memref<!tpu.dma_semaphore, #tpu.memory_space<semaphore_mem>>)
        %dma_wait3A_107 = tpu.memref_slice %arg6[%add3A_13] : memref<320000xi32, #tpu.memory_space<hbm>> -> memref<80xi32, #tpu.memory_space<hbm>>
        %dma_wait3A_108 = tpu.memref_slice %arg6[%add3A_13] : memref<320000xi32, #tpu.memory_space<hbm>> -> memref<80xi32, #tpu.memory_space<hbm>>
        tpu.wait_dma2 semaphore(%run_scoped3A : memref<!tpu.dma_semaphore, #tpu.memory_space<semaphore_mem>>) src(%arg11 : memref<80xi32, #tpu.memory_space<vmem>>) dst(%dma_wait3A_108 : memref<80xi32, #tpu.memory_space<hbm>>)
        tpu.yield
      }) : () -> ()
      "tpu.region"() ({
        %run_scoped3A = tpu.sem_alloc : memref<!tpu.dma_semaphore, #tpu.memory_space<semaphore_mem>>
        %dma_start3A_105 = tpu.memref_slice %arg7[%add3A_13] : memref<320000xf32, #tpu.memory_space<hbm>> -> memref<80xf32, #tpu.memory_space<hbm>>
        %dma_start3A_106 = tpu.memref_slice %arg7[%add3A_13] : memref<320000xf32, #tpu.memory_space<hbm>> -> memref<80xf32, #tpu.memory_space<hbm>>
        tpu.enqueue_dma source(%arg13 : memref<80xf32, #tpu.memory_space<vmem>>) target(%dma_start3A_106 : memref<80xf32, #tpu.memory_space<hbm>>) target_semaphore(%run_scoped3A : memref<!tpu.dma_semaphore, #tpu.memory_space<semaphore_mem>>)
        %dma_wait3A_107 = tpu.memref_slice %arg7[%add3A_13] : memref<320000xf32, #tpu.memory_space<hbm>> -> memref<80xf32, #tpu.memory_space<hbm>>
        %dma_wait3A_108 = tpu.memref_slice %arg7[%add3A_13] : memref<320000xf32, #tpu.memory_space<hbm>> -> memref<80xf32, #tpu.memory_space<hbm>>
        tpu.wait_dma2 semaphore(%run_scoped3A : memref<!tpu.dma_semaphore, #tpu.memory_space<semaphore_mem>>) src(%arg13 : memref<80xf32, #tpu.memory_space<vmem>>) dst(%dma_wait3A_108 : memref<80xf32, #tpu.memory_space<hbm>>)
        tpu.yield
      }) : () -> ()
      %scan3A_104 = arith.constant 0 : i32
      scf.yield %scan3A_104 : i32
    }
    %scan3A_8 = arith.constant 125 : i32
    return
  }
}

#map = affine_map<(d0, d1) -> (0)>
module attributes {stable_mosaic.version = 14 : i64} {
  func.func @_count_kernel(%arg0: i32, %arg1: i32, %arg2: memref<320000xi32, #tpu.memory_space<hbm>>, %arg3: memref<320000xi32, #tpu.memory_space<hbm>>, %arg4: memref<320000xf32, #tpu.memory_space<hbm>>, %arg5: memref<80xi32, #tpu.memory_space<vmem>>, %arg6: memref<80xi32, #tpu.memory_space<vmem>>, %arg7: memref<80xi32, #tpu.memory_space<vmem>>, %arg8: memref<80xf32, #tpu.memory_space<vmem>>, %arg9: memref<10000xf32, #tpu.memory_space<vmem>>, %arg10: memref<160000xf32, #tpu.memory_space<vmem_shared>>) attributes {dimension_semantics = [#tpu.dimension_semantics<core_parallel>, #tpu.dimension_semantics<subcore_parallel>], iteration_bounds = array<i64: 2, 16>, scalar_prefetch = 0 : i64, scratch_operands = 6 : i64, tpu.core_type = #tpu.core_type<sc_vector_subcore>, window_params = [{transform_indices = #map}, {transform_indices = #map}, {transform_indices = #map}]} {
    %mul3A = arith.constant 16 : i32
    %mul3A_0 = arith.muli %arg0, %mul3A : i32
    %add3A = arith.addi %mul3A_0, %arg1 : i32
    %scan3A = arith.constant 0 : i32
    %scan3A_1 = arith.constant 0 : i32
    %scan3A_2 = arith.constant 625 : i32
    %scan3A_3 = arith.addi %scan3A_1, %scan3A_2 : i32
    %scan3A_4 = arith.constant 1 : i32
    %scan3A_5 = scf.for %scan3A_44 = %scan3A_1 to %scan3A_3 step %scan3A_4 iter_args(%scan3A_45 = %scan3A) -> (i32)  : i32 {
      %broadcast_in_dim3A_46 = arith.constant 0.000000e+00 : f32
      %broadcast_in_dim3A_47 = vector.broadcast %broadcast_in_dim3A_46 : f32 to vector<16xf32>
      %mul3A_48 = arith.constant 16 : i32
      %mul3A_49 = arith.muli %scan3A_44, %mul3A_48 : i32
      %swap3A_50 = arith.index_cast %mul3A_49 : i32 to index
      %swap3A_51 = tpu.vector_load %arg9[%swap3A_50] {strides = array<i32>} : memref<10000xf32, #tpu.memory_space<vmem>>, vector<16xf32>,
      tpu.vector_store %arg9[%swap3A_50], %broadcast_in_dim3A_47 {strides = array<i32>} : memref<10000xf32, #tpu.memory_space<vmem>>, vector<16xf32>,
      %scan3A_52 = arith.constant 0 : i32
      scf.yield %scan3A_52 : i32
    }
    %scan3A_6 = arith.constant 625 : i32
    %broadcast_in_dim3A = arith.constant 1.000000e+00 : f32
    %broadcast_in_dim3A_7 = vector.broadcast %broadcast_in_dim3A : f32 to vector<16xf32>
    %swap3A = arith.constant 0 : index
    %swap3A_8 = tpu.vector_load %arg8[%swap3A] {strides = array<i32>} : memref<80xf32, #tpu.memory_space<vmem>>, vector<16xf32>,
    tpu.vector_store %arg8[%swap3A], %broadcast_in_dim3A_7 {strides = array<i32>} : memref<80xf32, #tpu.memory_space<vmem>>, vector<16xf32>,
    %broadcast_in_dim3A_9 = arith.constant 1.000000e+00 : f32
    %broadcast_in_dim3A_10 = vector.broadcast %broadcast_in_dim3A_9 : f32 to vector<16xf32>
    %swap3A_11 = arith.constant 16 : index
    %swap3A_12 = tpu.vector_load %arg8[%swap3A_11] {strides = array<i32>} : memref<80xf32, #tpu.memory_space<vmem>>, vector<16xf32>,
    tpu.vector_store %arg8[%swap3A_11], %broadcast_in_dim3A_10 {strides = array<i32>} : memref<80xf32, #tpu.memory_space<vmem>>, vector<16xf32>,
    %broadcast_in_dim3A_13 = arith.constant 1.000000e+00 : f32
    %broadcast_in_dim3A_14 = vector.broadcast %broadcast_in_dim3A_13 : f32 to vector<16xf32>
    %swap3A_15 = arith.constant 32 : index
    %swap3A_16 = tpu.vector_load %arg8[%swap3A_15] {strides = array<i32>} : memref<80xf32, #tpu.memory_space<vmem>>, vector<16xf32>,
    tpu.vector_store %arg8[%swap3A_15], %broadcast_in_dim3A_14 {strides = array<i32>} : memref<80xf32, #tpu.memory_space<vmem>>, vector<16xf32>,
    %broadcast_in_dim3A_17 = arith.constant 1.000000e+00 : f32
    %broadcast_in_dim3A_18 = vector.broadcast %broadcast_in_dim3A_17 : f32 to vector<16xf32>
    %swap3A_19 = arith.constant 48 : index
    %swap3A_20 = tpu.vector_load %arg8[%swap3A_19] {strides = array<i32>} : memref<80xf32, #tpu.memory_space<vmem>>, vector<16xf32>,
    tpu.vector_store %arg8[%swap3A_19], %broadcast_in_dim3A_18 {strides = array<i32>} : memref<80xf32, #tpu.memory_space<vmem>>, vector<16xf32>,
    %broadcast_in_dim3A_21 = arith.constant 1.000000e+00 : f32
    %broadcast_in_dim3A_22 = vector.broadcast %broadcast_in_dim3A_21 : f32 to vector<16xf32>
    %swap3A_23 = arith.constant 64 : index
    %swap3A_24 = tpu.vector_load %arg8[%swap3A_23] {strides = array<i32>} : memref<80xf32, #tpu.memory_space<vmem>>, vector<16xf32>,
    tpu.vector_store %arg8[%swap3A_23], %broadcast_in_dim3A_22 {strides = array<i32>} : memref<80xf32, #tpu.memory_space<vmem>>, vector<16xf32>,
    %mul3A_25 = arith.constant 10000 : i32
    %mul3A_26 = arith.muli %arg1, %mul3A_25 : i32
    "tpu.region"() ({
      %run_scoped3A = tpu.sem_alloc : memref<!tpu.dma_semaphore, #tpu.memory_space<semaphore_mem>>
      %dma_start3A = tpu.memref_slice %arg10[%mul3A_26] : memref<160000xf32, #tpu.memory_space<vmem_shared>> -> memref<10000xf32, #tpu.memory_space<vmem_shared>>
      %dma_start3A_44 = tpu.memref_slice %arg10[%mul3A_26] : memref<160000xf32, #tpu.memory_space<vmem_shared>> -> memref<10000xf32, #tpu.memory_space<vmem_shared>>
      tpu.enqueue_dma source(%arg9 : memref<10000xf32, #tpu.memory_space<vmem>>) target(%dma_start3A_44 : memref<10000xf32, #tpu.memory_space<vmem_shared>>) target_semaphore(%run_scoped3A : memref<!tpu.dma_semaphore, #tpu.memory_space<semaphore_mem>>)
      %dma_wait3A = tpu.memref_slice %arg10[%mul3A_26] : memref<160000xf32, #tpu.memory_space<vmem_shared>> -> memref<10000xf32, #tpu.memory_space<vmem_shared>>
      %dma_wait3A_45 = tpu.memref_slice %arg10[%mul3A_26] : memref<160000xf32, #tpu.memory_space<vmem_shared>> -> memref<10000xf32, #tpu.memory_space<vmem_shared>>
      tpu.wait_dma2 semaphore(%run_scoped3A : memref<!tpu.dma_semaphore, #tpu.memory_space<semaphore_mem>>) src(%arg9 : memref<10000xf32, #tpu.memory_space<vmem>>) dst(%dma_wait3A_45 : memref<10000xf32, #tpu.memory_space<vmem_shared>>)
      tpu.yield
    }) : () -> ()
    %barrier3A = arith.constant 0 : index
    tpu.barrier barrier_id(%barrier3A)
    %mul3A_27 = arith.constant 10000 : i32
    %mul3A_28 = arith.muli %add3A, %mul3A_27 : i32
    %scan3A_29 = arith.constant 0 : i32
    %scan3A_30 = arith.constant 0 : i32
    %scan3A_31 = arith.constant 125 : i32
    %scan3A_32 = arith.addi %scan3A_30, %scan3A_31 : i32
    %scan3A_33 = arith.constant 1 : i32
    %scan3A_34 = scf.for %scan3A_44 = %scan3A_30 to %scan3A_32 step %scan3A_33 iter_args(%scan3A_45 = %scan3A_29) -> (i32)  : i32 {
      %mul3A_46 = arith.constant 80 : i32
      %mul3A_47 = arith.muli %scan3A_44, %mul3A_46 : i32
      %add3A_48 = arith.addi %mul3A_28, %mul3A_47 : i32
      "tpu.region"() ({
        %run_scoped3A = tpu.sem_alloc : memref<!tpu.dma_semaphore, #tpu.memory_space<semaphore_mem>>
        %dma_start3A = tpu.memref_slice %arg2[%add3A_48] : memref<320000xi32, #tpu.memory_space<hbm>> -> memref<80xi32, #tpu.memory_space<hbm>>
        %dma_start3A_99 = tpu.memref_slice %arg2[%add3A_48] : memref<320000xi32, #tpu.memory_space<hbm>> -> memref<80xi32, #tpu.memory_space<hbm>>
        tpu.enqueue_dma source(%dma_start3A_99 : memref<80xi32, #tpu.memory_space<hbm>>) target(%arg5 : memref<80xi32, #tpu.memory_space<vmem>>) target_semaphore(%run_scoped3A : memref<!tpu.dma_semaphore, #tpu.memory_space<semaphore_mem>>)
        %dma_wait3A = tpu.memref_slice %arg2[%add3A_48] : memref<320000xi32, #tpu.memory_space<hbm>> -> memref<80xi32, #tpu.memory_space<hbm>>
        %dma_wait3A_100 = tpu.memref_slice %arg2[%add3A_48] : memref<320000xi32, #tpu.memory_space<hbm>> -> memref<80xi32, #tpu.memory_space<hbm>>
        tpu.wait_dma2 semaphore(%run_scoped3A : memref<!tpu.dma_semaphore, #tpu.memory_space<semaphore_mem>>) src(%dma_wait3A_100 : memref<80xi32, #tpu.memory_space<hbm>>) dst(%arg5 : memref<80xi32, #tpu.memory_space<vmem>>)
        tpu.yield
      }) : () -> ()
      "tpu.region"() ({
        %run_scoped3A = tpu.sem_alloc : memref<!tpu.dma_semaphore, #tpu.memory_space<semaphore_mem>>
        %dma_start3A = tpu.memref_slice %arg3[%add3A_48] : memref<320000xi32, #tpu.memory_space<hbm>> -> memref<80xi32, #tpu.memory_space<hbm>>
        %dma_start3A_99 = tpu.memref_slice %arg3[%add3A_48] : memref<320000xi32, #tpu.memory_space<hbm>> -> memref<80xi32, #tpu.memory_space<hbm>>
        tpu.enqueue_dma source(%dma_start3A_99 : memref<80xi32, #tpu.memory_space<hbm>>) target(%arg6 : memref<80xi32, #tpu.memory_space<vmem>>) target_semaphore(%run_scoped3A : memref<!tpu.dma_semaphore, #tpu.memory_space<semaphore_mem>>)
        %dma_wait3A = tpu.memref_slice %arg3[%add3A_48] : memref<320000xi32, #tpu.memory_space<hbm>> -> memref<80xi32, #tpu.memory_space<hbm>>
        %dma_wait3A_100 = tpu.memref_slice %arg3[%add3A_48] : memref<320000xi32, #tpu.memory_space<hbm>> -> memref<80xi32, #tpu.memory_space<hbm>>
        tpu.wait_dma2 semaphore(%run_scoped3A : memref<!tpu.dma_semaphore, #tpu.memory_space<semaphore_mem>>) src(%dma_wait3A_100 : memref<80xi32, #tpu.memory_space<hbm>>) dst(%arg6 : memref<80xi32, #tpu.memory_space<vmem>>)
        tpu.yield
      }) : () -> ()
      %get3A = arith.constant 0 : index
      %get3A_49 = tpu.vector_load %arg5[%get3A] {strides = array<i32>} : memref<80xi32, #tpu.memory_space<vmem>>, vector<16xi32>,
      %mul3A_50 = arith.constant 16 : i32
      %mul3A_51 = vector.broadcast %mul3A_50 : i32 to vector<16xi32>
      %mul3A_52 = arith.muli %get3A_49, %mul3A_51 : vector<16xi32>
      %get3A_53 = arith.constant 0 : index
      %get3A_54 = tpu.vector_load %arg6[%get3A_53] {strides = array<i32>} : memref<80xi32, #tpu.memory_space<vmem>>, vector<16xi32>,
      %add3A_55 = arith.addi %mul3A_52, %get3A_54 : vector<16xi32>
      %swap3A_56 = arith.constant 0 : index
      %swap3A_57 = tpu.vector_load %arg7[%swap3A_56] {strides = array<i32>} : memref<80xi32, #tpu.memory_space<vmem>>, vector<16xi32>,
      tpu.vector_store %arg7[%swap3A_56], %add3A_55 {strides = array<i32>} : memref<80xi32, #tpu.memory_space<vmem>>, vector<16xi32>,
      %get3A_58 = arith.constant 16 : index
      %get3A_59 = tpu.vector_load %arg5[%get3A_58] {strides = array<i32>} : memref<80xi32, #tpu.memory_space<vmem>>, vector<16xi32>,
      %mul3A_60 = arith.constant 16 : i32
      %mul3A_61 = vector.broadcast %mul3A_60 : i32 to vector<16xi32>
      %mul3A_62 = arith.muli %get3A_59, %mul3A_61 : vector<16xi32>
      %get3A_63 = arith.constant 16 : index
      %get3A_64 = tpu.vector_load %arg6[%get3A_63] {strides = array<i32>} : memref<80xi32, #tpu.memory_space<vmem>>, vector<16xi32>,
      %add3A_65 = arith.addi %mul3A_62, %get3A_64 : vector<16xi32>
      %swap3A_66 = arith.constant 16 : index
      %swap3A_67 = tpu.vector_load %arg7[%swap3A_66] {strides = array<i32>} : memref<80xi32, #tpu.memory_space<vmem>>, vector<16xi32>,
      tpu.vector_store %arg7[%swap3A_66], %add3A_65 {strides = array<i32>} : memref<80xi32, #tpu.memory_space<vmem>>, vector<16xi32>,
      %get3A_68 = arith.constant 32 : index
      %get3A_69 = tpu.vector_load %arg5[%get3A_68] {strides = array<i32>} : memref<80xi32, #tpu.memory_space<vmem>>, vector<16xi32>,
      %mul3A_70 = arith.constant 16 : i32
      %mul3A_71 = vector.broadcast %mul3A_70 : i32 to vector<16xi32>
      %mul3A_72 = arith.muli %get3A_69, %mul3A_71 : vector<16xi32>
      %get3A_73 = arith.constant 32 : index
      %get3A_74 = tpu.vector_load %arg6[%get3A_73] {strides = array<i32>} : memref<80xi32, #tpu.memory_space<vmem>>, vector<16xi32>,
      %add3A_75 = arith.addi %mul3A_72, %get3A_74 : vector<16xi32>
      %swap3A_76 = arith.constant 32 : index
      %swap3A_77 = tpu.vector_load %arg7[%swap3A_76] {strides = array<i32>} : memref<80xi32, #tpu.memory_space<vmem>>, vector<16xi32>,
      tpu.vector_store %arg7[%swap3A_76], %add3A_75 {strides = array<i32>} : memref<80xi32, #tpu.memory_space<vmem>>, vector<16xi32>,
      %get3A_78 = arith.constant 48 : index
      %get3A_79 = tpu.vector_load %arg5[%get3A_78] {strides = array<i32>} : memref<80xi32, #tpu.memory_space<vmem>>, vector<16xi32>,
      %mul3A_80 = arith.constant 16 : i32
      %mul3A_81 = vector.broadcast %mul3A_80 : i32 to vector<16xi32>
      %mul3A_82 = arith.muli %get3A_79, %mul3A_81 : vector<16xi32>
      %get3A_83 = arith.constant 48 : index
      %get3A_84 = tpu.vector_load %arg6[%get3A_83] {strides = array<i32>} : memref<80xi32, #tpu.memory_space<vmem>>, vector<16xi32>,
      %add3A_85 = arith.addi %mul3A_82, %get3A_84 : vector<16xi32>
      %swap3A_86 = arith.constant 48 : index
      %swap3A_87 = tpu.vector_load %arg7[%swap3A_86] {strides = array<i32>} : memref<80xi32, #tpu.memory_space<vmem>>, vector<16xi32>,
      tpu.vector_store %arg7[%swap3A_86], %add3A_85 {strides = array<i32>} : memref<80xi32, #tpu.memory_space<vmem>>, vector<16xi32>,
      %get3A_88 = arith.constant 64 : index
      %get3A_89 = tpu.vector_load %arg5[%get3A_88] {strides = array<i32>} : memref<80xi32, #tpu.memory_space<vmem>>, vector<16xi32>,
      %mul3A_90 = arith.constant 16 : i32
      %mul3A_91 = vector.broadcast %mul3A_90 : i32 to vector<16xi32>
      %mul3A_92 = arith.muli %get3A_89, %mul3A_91 : vector<16xi32>
      %get3A_93 = arith.constant 64 : index
      %get3A_94 = tpu.vector_load %arg6[%get3A_93] {strides = array<i32>} : memref<80xi32, #tpu.memory_space<vmem>>, vector<16xi32>,
      %add3A_95 = arith.addi %mul3A_92, %get3A_94 : vector<16xi32>
      %swap3A_96 = arith.constant 64 : index
      %swap3A_97 = tpu.vector_load %arg7[%swap3A_96] {strides = array<i32>} : memref<80xi32, #tpu.memory_space<vmem>>, vector<16xi32>,
      tpu.vector_store %arg7[%swap3A_96], %add3A_95 {strides = array<i32>} : memref<80xi32, #tpu.memory_space<vmem>>, vector<16xi32>,
      "tpu.region"() ({
        %run_scoped3A = tpu.sem_alloc : memref<!tpu.dma_semaphore, #tpu.memory_space<semaphore_mem>>
        %dma_start3A = arith.constant 0 : i32
        %dma_start3A_99 = tpu.memref_slice %arg10[%dma_start3A] : memref<160000xf32, #tpu.memory_space<vmem_shared>> -> memref<160000xf32, #tpu.memory_space<vmem_shared>>
        tpu.enqueue_indirect_dma source(%arg8 : memref<80xf32, #tpu.memory_space<vmem>>) target(%dma_start3A_99 : memref<160000xf32, #tpu.memory_space<vmem_shared>>) offsets(%arg7 : memref<80xi32, #tpu.memory_space<vmem>>) semaphore(%run_scoped3A : memref<!tpu.dma_semaphore, #tpu.memory_space<semaphore_mem>>) {add = true}
        %dma_wait3A = arith.constant 0 : i32
        %dma_wait3A_100 = tpu.memref_slice %arg10[%dma_wait3A] : memref<160000xf32, #tpu.memory_space<vmem_shared>> -> memref<160000xf32, #tpu.memory_space<vmem_shared>>
        tpu.wait_indirect_dma semaphore(%run_scoped3A : memref<!tpu.dma_semaphore, #tpu.memory_space<semaphore_mem>>) src(%arg8 : memref<80xf32, #tpu.memory_space<vmem>>) dst(%dma_wait3A_100 : memref<160000xf32, #tpu.memory_space<vmem_shared>>)
        tpu.yield
      }) : () -> ()
      %scan3A_98 = arith.constant 0 : i32
      scf.yield %scan3A_98 : i32
    }
    %scan3A_35 = arith.constant 125 : i32
    %barrier3A_36 = arith.constant 0 : index
    tpu.barrier barrier_id(%barrier3A_36)
    %mul3A_37 = arith.constant 10000 : i32
    %mul3A_38 = arith.muli %arg1, %mul3A_37 : i32
    "tpu.region"() ({
      %run_scoped3A = tpu.sem_alloc : memref<!tpu.dma_semaphore, #tpu.memory_space<semaphore_mem>>
      %dma_start3A = tpu.memref_slice %arg10[%mul3A_38] : memref<160000xf32, #tpu.memory_space<vmem_shared>> -> memref<10000xf32, #tpu.memory_space<vmem_shared>>
      %dma_start3A_44 = tpu.memref_slice %arg10[%mul3A_38] : memref<160000xf32, #tpu.memory_space<vmem_shared>> -> memref<10000xf32, #tpu.memory_space<vmem_shared>>
      tpu.enqueue_dma source(%dma_start3A_44 : memref<10000xf32, #tpu.memory_space<vmem_shared>>) target(%arg9 : memref<10000xf32, #tpu.memory_space<vmem>>) target_semaphore(%run_scoped3A : memref<!tpu.dma_semaphore, #tpu.memory_space<semaphore_mem>>)
      %dma_wait3A = tpu.memref_slice %arg10[%mul3A_38] : memref<160000xf32, #tpu.memory_space<vmem_shared>> -> memref<10000xf32, #tpu.memory_space<vmem_shared>>
      %dma_wait3A_45 = tpu.memref_slice %arg10[%mul3A_38] : memref<160000xf32, #tpu.memory_space<vmem_shared>> -> memref<10000xf32, #tpu.memory_space<vmem_shared>>
      tpu.wait_dma2 semaphore(%run_scoped3A : memref<!tpu.dma_semaphore, #tpu.memory_space<semaphore_mem>>) src(%dma_wait3A_45 : memref<10000xf32, #tpu.memory_space<vmem_shared>>) dst(%arg9 : memref<10000xf32, #tpu.memory_space<vmem>>)
      tpu.yield
    }) : () -> ()
    %mul3A_39 = arith.constant 160000 : i32
    %mul3A_40 = arith.muli %arg0, %mul3A_39 : i32
    %mul3A_41 = arith.constant 10000 : i32
    %mul3A_42 = arith.muli %arg1, %mul3A_41 : i32
    %add3A_43 = arith.addi %mul3A_40, %mul3A_42 : i32
    "tpu.region"() ({
      %run_scoped3A = tpu.sem_alloc : memref<!tpu.dma_semaphore, #tpu.memory_space<semaphore_mem>>
      %dma_start3A = tpu.memref_slice %arg4[%add3A_43] : memref<320000xf32, #tpu.memory_space<hbm>> -> memref<10000xf32, #tpu.memory_space<hbm>>
      %dma_start3A_44 = tpu.memref_slice %arg4[%add3A_43] : memref<320000xf32, #tpu.memory_space<hbm>> -> memref<10000xf32, #tpu.memory_space<hbm>>
      tpu.enqueue_dma source(%arg9 : memref<10000xf32, #tpu.memory_space<vmem>>) target(%dma_start3A_44 : memref<10000xf32, #tpu.memory_space<hbm>>) target_semaphore(%run_scoped3A : memref<!tpu.dma_semaphore, #tpu.memory_space<semaphore_mem>>)
      %dma_wait3A = tpu.memref_slice %arg4[%add3A_43] : memref<320000xf32, #tpu.memory_space<hbm>> -> memref<10000xf32, #tpu.memory_space<hbm>>
      %dma_wait3A_45 = tpu.memref_slice %arg4[%add3A_43] : memref<320000xf32, #tpu.memory_space<hbm>> -> memref<10000xf32, #tpu.memory_space<hbm>>
      tpu.wait_dma2 semaphore(%run_scoped3A : memref<!tpu.dma_semaphore, #tpu.memory_space<semaphore_mem>>) src(%arg9 : memref<10000xf32, #tpu.memory_space<vmem>>) dst(%dma_wait3A_45 : memref<10000xf32, #tpu.memory_space<hbm>>)
      tpu.yield
    }) : () -> ()
    return
  }
}

#map = affine_map<(d0, d1) -> (0, 0)>
#map1 = affine_map<(d0, d1) -> (0)>
module attributes {stable_mosaic.version = 14 : i64} {
  func.func @_decode_kernel(%arg0: i32, %arg1: i32, %arg2: memref<10000x128xf32, #tpu.memory_space<hbm>>, %arg3: memref<16x128xf32, #tpu.memory_space<hbm>>, %arg4: memref<32768xi32, #tpu.memory_space<hbm>>, %arg5: memref<32768xi32, #tpu.memory_space<hbm>>, %arg6: memref<32768xi32, #tpu.memory_space<hbm>>, %arg7: memref<32768xf32, #tpu.memory_space<hbm>>, %arg8: memref<64xi32, #tpu.memory_space<vmem>>, %arg9: memref<64xi32, #tpu.memory_space<vmem>>, %arg10: memref<64xi32, #tpu.memory_space<vmem>>, %arg11: memref<64x128xf32, #tpu.memory_space<vmem>>, %arg12: memref<64x128xf32, #tpu.memory_space<vmem>>, %arg13: memref<64x128xf32, #tpu.memory_space<vmem>>, %arg14: memref<64xf32, #tpu.memory_space<vmem>>, %arg15: memref<!tpu.dma_semaphore, #tpu.memory_space<semaphore_mem>>, %arg16: memref<!tpu.dma_semaphore, #tpu.memory_space<semaphore_mem>>, %arg17: memref<!tpu.dma_semaphore, #tpu.memory_space<semaphore_mem>>) attributes {dimension_semantics = [#tpu.dimension_semantics<core_parallel>, #tpu.dimension_semantics<subcore_parallel>], iteration_bounds = array<i64: 2, 16>, scalar_prefetch = 0 : i64, scratch_operands = 10 : i64, tpu.core_type = #tpu.core_type<sc_vector_subcore>, window_params = [{transform_indices = #map}, {transform_indices = #map}, {transform_indices = #map1}, {transform_indices = #map1}, {transform_indices = #map1}, {transform_indices = #map1}]} {
    %mul3A = arith.constant 16 : i32
    %mul3A_0 = arith.muli %arg0, %mul3A : i32
    %add3A = arith.addi %mul3A_0, %arg1 : i32
    %mul3A_1 = arith.constant 1024 : i32
    %mul3A_2 = arith.muli %add3A, %mul3A_1 : i32
    %scan3A = arith.constant 0 : i32
    %scan3A_3 = arith.constant 0 : i32
    %scan3A_4 = arith.constant 16 : i32
    %scan3A_5 = arith.addi %scan3A_3, %scan3A_4 : i32
    %scan3A_6 = arith.constant 1 : i32
    %scan3A_7 = scf.for %scan3A_9 = %scan3A_3 to %scan3A_5 step %scan3A_6 iter_args(%scan3A_10 = %scan3A) -> (i32)  : i32 {
      %mul3A_11 = arith.constant 64 : i32
      %mul3A_12 = arith.muli %scan3A_9, %mul3A_11 : i32
      %add3A_13 = arith.addi %mul3A_2, %mul3A_12 : i32
      "tpu.region"() ({
        %run_scoped3A = tpu.sem_alloc : memref<!tpu.dma_semaphore, #tpu.memory_space<semaphore_mem>>
        %dma_start3A_38 = tpu.memref_slice %arg4[%add3A_13] : memref<32768xi32, #tpu.memory_space<hbm>> -> memref<64xi32, #tpu.memory_space<hbm>>
        %dma_start3A_39 = tpu.memref_slice %arg4[%add3A_13] : memref<32768xi32, #tpu.memory_space<hbm>> -> memref<64xi32, #tpu.memory_space<hbm>>
        tpu.enqueue_dma source(%dma_start3A_39 : memref<64xi32, #tpu.memory_space<hbm>>) target(%arg8 : memref<64xi32, #tpu.memory_space<vmem>>) target_semaphore(%run_scoped3A : memref<!tpu.dma_semaphore, #tpu.memory_space<semaphore_mem>>)
        %dma_wait3A_40 = tpu.memref_slice %arg4[%add3A_13] : memref<32768xi32, #tpu.memory_space<hbm>> -> memref<64xi32, #tpu.memory_space<hbm>>
        %dma_wait3A_41 = tpu.memref_slice %arg4[%add3A_13] : memref<32768xi32, #tpu.memory_space<hbm>> -> memref<64xi32, #tpu.memory_space<hbm>>
        tpu.wait_dma2 semaphore(%run_scoped3A : memref<!tpu.dma_semaphore, #tpu.memory_space<semaphore_mem>>) src(%dma_wait3A_41 : memref<64xi32, #tpu.memory_space<hbm>>) dst(%arg8 : memref<64xi32, #tpu.memory_space<vmem>>)
        tpu.yield
      }) : () -> ()
      "tpu.region"() ({
        %run_scoped3A = tpu.sem_alloc : memref<!tpu.dma_semaphore, #tpu.memory_space<semaphore_mem>>
        %dma_start3A_38 = tpu.memref_slice %arg5[%add3A_13] : memref<32768xi32, #tpu.memory_space<hbm>> -> memref<64xi32, #tpu.memory_space<hbm>>
        %dma_start3A_39 = tpu.memref_slice %arg5[%add3A_13] : memref<32768xi32, #tpu.memory_space<hbm>> -> memref<64xi32, #tpu.memory_space<hbm>>
        tpu.enqueue_dma source(%dma_start3A_39 : memref<64xi32, #tpu.memory_space<hbm>>) target(%arg9 : memref<64xi32, #tpu.memory_space<vmem>>) target_semaphore(%run_scoped3A : memref<!tpu.dma_semaphore, #tpu.memory_space<semaphore_mem>>)
        %dma_wait3A_40 = tpu.memref_slice %arg5[%add3A_13] : memref<32768xi32, #tpu.memory_space<hbm>> -> memref<64xi32, #tpu.memory_space<hbm>>
        %dma_wait3A_41 = tpu.memref_slice %arg5[%add3A_13] : memref<32768xi32, #tpu.memory_space<hbm>> -> memref<64xi32, #tpu.memory_space<hbm>>
        tpu.wait_dma2 semaphore(%run_scoped3A : memref<!tpu.dma_semaphore, #tpu.memory_space<semaphore_mem>>) src(%dma_wait3A_41 : memref<64xi32, #tpu.memory_space<hbm>>) dst(%arg9 : memref<64xi32, #tpu.memory_space<vmem>>)
        tpu.yield
      }) : () -> ()
      "tpu.region"() ({
        %run_scoped3A = tpu.sem_alloc : memref<!tpu.dma_semaphore, #tpu.memory_space<semaphore_mem>>
        %dma_start3A_38 = tpu.memref_slice %arg6[%add3A_13] : memref<32768xi32, #tpu.memory_space<hbm>> -> memref<64xi32, #tpu.memory_space<hbm>>
        %dma_start3A_39 = tpu.memref_slice %arg6[%add3A_13] : memref<32768xi32, #tpu.memory_space<hbm>> -> memref<64xi32, #tpu.memory_space<hbm>>
        tpu.enqueue_dma source(%dma_start3A_39 : memref<64xi32, #tpu.memory_space<hbm>>) target(%arg10 : memref<64xi32, #tpu.memory_space<vmem>>) target_semaphore(%run_scoped3A : memref<!tpu.dma_semaphore, #tpu.memory_space<semaphore_mem>>)
        %dma_wait3A_40 = tpu.memref_slice %arg6[%add3A_13] : memref<32768xi32, #tpu.memory_space<hbm>> -> memref<64xi32, #tpu.memory_space<hbm>>
        %dma_wait3A_41 = tpu.memref_slice %arg6[%add3A_13] : memref<32768xi32, #tpu.memory_space<hbm>> -> memref<64xi32, #tpu.memory_space<hbm>>
        tpu.wait_dma2 semaphore(%run_scoped3A : memref<!tpu.dma_semaphore, #tpu.memory_space<semaphore_mem>>) src(%dma_wait3A_41 : memref<64xi32, #tpu.memory_space<hbm>>) dst(%arg10 : memref<64xi32, #tpu.memory_space<vmem>>)
        tpu.yield
      }) : () -> ()
      %dma_start3A = arith.constant 0 : i32
      %dma_start3A_14 = arith.constant 0 : i32
      %dma_start3A_15 = tpu.memref_slice %arg2[%dma_start3A, %dma_start3A_14] : memref<10000x128xf32, #tpu.memory_space<hbm>> -> memref<10000x128xf32, #tpu.memory_space<hbm>>
      tpu.enqueue_indirect_dma source(%dma_start3A_15 : memref<10000x128xf32, #tpu.memory_space<hbm>>) target(%arg11 : memref<64x128xf32, #tpu.memory_space<vmem>>) offsets(%arg8 : memref<64xi32, #tpu.memory_space<vmem>>) semaphore(%arg15 : memref<!tpu.dma_semaphore, #tpu.memory_space<semaphore_mem>>)
      %dma_start3A_16 = arith.constant 0 : i32
      %dma_start3A_17 = arith.constant 0 : i32
      %dma_start3A_18 = tpu.memref_slice %arg3[%dma_start3A_16, %dma_start3A_17] : memref<16x128xf32, #tpu.memory_space<hbm>> -> memref<16x128xf32, #tpu.memory_space<hbm>>
      tpu.enqueue_indirect_dma source(%dma_start3A_18 : memref<16x128xf32, #tpu.memory_space<hbm>>) target(%arg12 : memref<64x128xf32, #tpu.memory_space<vmem>>) offsets(%arg9 : memref<64xi32, #tpu.memory_space<vmem>>) semaphore(%arg16 : memref<!tpu.dma_semaphore, #tpu.memory_space<semaphore_mem>>)
      %dma_start3A_19 = arith.constant 0 : i32
      %dma_start3A_20 = arith.constant 0 : i32
      %dma_start3A_21 = tpu.memref_slice %arg2[%dma_start3A_19, %dma_start3A_20] : memref<10000x128xf32, #tpu.memory_space<hbm>> -> memref<10000x128xf32, #tpu.memory_space<hbm>>
      tpu.enqueue_indirect_dma source(%dma_start3A_21 : memref<10000x128xf32, #tpu.memory_space<hbm>>) target(%arg13 : memref<64x128xf32, #tpu.memory_space<vmem>>) offsets(%arg10 : memref<64xi32, #tpu.memory_space<vmem>>) semaphore(%arg17 : memref<!tpu.dma_semaphore, #tpu.memory_space<semaphore_mem>>)
      %dma_wait3A = arith.constant 0 : i32
      %dma_wait3A_22 = arith.constant 0 : i32
      %dma_wait3A_23 = tpu.memref_slice %arg2[%dma_wait3A, %dma_wait3A_22] : memref<10000x128xf32, #tpu.memory_space<hbm>> -> memref<10000x128xf32, #tpu.memory_space<hbm>>
      tpu.wait_indirect_dma semaphore(%arg15 : memref<!tpu.dma_semaphore, #tpu.memory_space<semaphore_mem>>) src(%dma_wait3A_23 : memref<10000x128xf32, #tpu.memory_space<hbm>>) dst(%arg11 : memref<64x128xf32, #tpu.memory_space<vmem>>)
      %dma_wait3A_24 = arith.constant 0 : i32
      %dma_wait3A_25 = arith.constant 0 : i32
      %dma_wait3A_26 = tpu.memref_slice %arg3[%dma_wait3A_24, %dma_wait3A_25] : memref<16x128xf32, #tpu.memory_space<hbm>> -> memref<16x128xf32, #tpu.memory_space<hbm>>
      tpu.wait_indirect_dma semaphore(%arg16 : memref<!tpu.dma_semaphore, #tpu.memory_space<semaphore_mem>>) src(%dma_wait3A_26 : memref<16x128xf32, #tpu.memory_space<hbm>>) dst(%arg12 : memref<64x128xf32, #tpu.memory_space<vmem>>)
      %dma_wait3A_27 = arith.constant 0 : i32
      %dma_wait3A_28 = arith.constant 0 : i32
      %dma_wait3A_29 = tpu.memref_slice %arg2[%dma_wait3A_27, %dma_wait3A_28] : memref<10000x128xf32, #tpu.memory_space<hbm>> -> memref<10000x128xf32, #tpu.memory_space<hbm>>
      tpu.wait_indirect_dma semaphore(%arg17 : memref<!tpu.dma_semaphore, #tpu.memory_space<semaphore_mem>>) src(%dma_wait3A_29 : memref<10000x128xf32, #tpu.memory_space<hbm>>) dst(%arg13 : memref<64x128xf32, #tpu.memory_space<vmem>>)
      %scan3A_30 = arith.constant 0 : i32
      %scan3A_31 = arith.constant 0 : i32
      %scan3A_32 = arith.constant 4 : i32
      %scan3A_33 = arith.addi %scan3A_31, %scan3A_32 : i32
      %scan3A_34 = arith.constant 1 : i32
      %scan3A_35 = scf.for %scan3A_38 = %scan3A_31 to %scan3A_33 step %scan3A_34 iter_args(%scan3A_39 = %scan3A_30) -> (i32)  : i32 {
        %broadcast_in_dim3A = arith.constant 0.000000e+00 : f32
        %broadcast_in_dim3A_40 = vector.broadcast %broadcast_in_dim3A : f32 to vector<16xf32>
        %scan3A_41 = arith.constant 0 : i32
        %scan3A_42 = arith.constant 16 : i32
        %scan3A_43 = arith.addi %scan3A_41, %scan3A_42 : i32
        %scan3A_44 = arith.constant 1 : i32
        %scan3A_45 = scf.for %scan3A_51 = %scan3A_41 to %scan3A_43 step %scan3A_44 iter_args(%scan3A_52 = %broadcast_in_dim3A_40) -> (vector<16xf32>)  : i32 {
          %mul3A_53 = arith.constant 16 : i32
          %mul3A_54 = arith.muli %scan3A_38, %mul3A_53 : i32
          %add3A_55 = arith.addi %mul3A_54, %scan3A_51 : i32
          %get3A = arith.index_cast %add3A_55 : i32 to index
          %get3A_56 = arith.constant 0 : index
          %get3A_57 = tpu.vector_load %arg11[%get3A, %get3A_56] {strides = array<i32>} : memref<64x128xf32, #tpu.memory_space<vmem>>, vector<16xf32>,
          %get3A_58 = arith.index_cast %add3A_55 : i32 to index
          %get3A_59 = arith.constant 0 : index
          %get3A_60 = tpu.vector_load %arg12[%get3A_58, %get3A_59] {strides = array<i32>} : memref<64x128xf32, #tpu.memory_space<vmem>>, vector<16xf32>,
          %mul3A_61 = arith.mulf %get3A_57, %get3A_60 : vector<16xf32>
          %get3A_62 = arith.index_cast %add3A_55 : i32 to index
          %get3A_63 = arith.constant 0 : index
          %get3A_64 = tpu.vector_load %arg13[%get3A_62, %get3A_63] {strides = array<i32>} : memref<64x128xf32, #tpu.memory_space<vmem>>, vector<16xf32>,
          %mul3A_65 = arith.mulf %mul3A_61, %get3A_64 : vector<16xf32>
          %get3A_66 = arith.index_cast %add3A_55 : i32 to index
          %get3A_67 = arith.constant 16 : index
          %get3A_68 = tpu.vector_load %arg11[%get3A_66, %get3A_67] {strides = array<i32>} : memref<64x128xf32, #tpu.memory_space<vmem>>, vector<16xf32>,
          %get3A_69 = arith.index_cast %add3A_55 : i32 to index
          %get3A_70 = arith.constant 16 : index
          %get3A_71 = tpu.vector_load %arg12[%get3A_69, %get3A_70] {strides = array<i32>} : memref<64x128xf32, #tpu.memory_space<vmem>>, vector<16xf32>,
          %mul3A_72 = arith.mulf %get3A_68, %get3A_71 : vector<16xf32>
          %get3A_73 = arith.index_cast %add3A_55 : i32 to index
          %get3A_74 = arith.constant 16 : index
          %get3A_75 = tpu.vector_load %arg13[%get3A_73, %get3A_74] {strides = array<i32>} : memref<64x128xf32, #tpu.memory_space<vmem>>, vector<16xf32>,
          %mul3A_76 = arith.mulf %mul3A_72, %get3A_75 : vector<16xf32>
          %add3A_77 = arith.addf %mul3A_65, %mul3A_76 : vector<16xf32>
          %get3A_78 = arith.index_cast %add3A_55 : i32 to index
          %get3A_79 = arith.constant 32 : index
          %get3A_80 = tpu.vector_load %arg11[%get3A_78, %get3A_79] {strides = array<i32>} : memref<64x128xf32, #tpu.memory_space<vmem>>, vector<16xf32>,
          %get3A_81 = arith.index_cast %add3A_55 : i32 to index
          %get3A_82 = arith.constant 32 : index
          %get3A_83 = tpu.vector_load %arg12[%get3A_81, %get3A_82] {strides = array<i32>} : memref<64x128xf32, #tpu.memory_space<vmem>>, vector<16xf32>,
          %mul3A_84 = arith.mulf %get3A_80, %get3A_83 : vector<16xf32>
          %get3A_85 = arith.index_cast %add3A_55 : i32 to index
          %get3A_86 = arith.constant 32 : index
          %get3A_87 = tpu.vector_load %arg13[%get3A_85, %get3A_86] {strides = array<i32>} : memref<64x128xf32, #tpu.memory_space<vmem>>, vector<16xf32>,
          %mul3A_88 = arith.mulf %mul3A_84, %get3A_87 : vector<16xf32>
          %add3A_89 = arith.addf %add3A_77, %mul3A_88 : vector<16xf32>
          %get3A_90 = arith.index_cast %add3A_55 : i32 to index
          %get3A_91 = arith.constant 48 : index
          %get3A_92 = tpu.vector_load %arg11[%get3A_90, %get3A_91] {strides = array<i32>} : memref<64x128xf32, #tpu.memory_space<vmem>>, vector<16xf32>,
          %get3A_93 = arith.index_cast %add3A_55 : i32 to index
          %get3A_94 = arith.constant 48 : index
          %get3A_95 = tpu.vector_load %arg12[%get3A_93, %get3A_94] {strides = array<i32>} : memref<64x128xf32, #tpu.memory_space<vmem>>, vector<16xf32>,
          %mul3A_96 = arith.mulf %get3A_92, %get3A_95 : vector<16xf32>
          %get3A_97 = arith.index_cast %add3A_55 : i32 to index
          %get3A_98 = arith.constant 48 : index
          %get3A_99 = tpu.vector_load %arg13[%get3A_97, %get3A_98] {strides = array<i32>} : memref<64x128xf32, #tpu.memory_space<vmem>>, vector<16xf32>,
          %mul3A_100 = arith.mulf %mul3A_96, %get3A_99 : vector<16xf32>
          %add3A_101 = arith.addf %add3A_89, %mul3A_100 : vector<16xf32>
          %get3A_102 = arith.index_cast %add3A_55 : i32 to index
          %get3A_103 = arith.constant 64 : index
          %get3A_104 = tpu.vector_load %arg11[%get3A_102, %get3A_103] {strides = array<i32>} : memref<64x128xf32, #tpu.memory_space<vmem>>, vector<16xf32>,
          %get3A_105 = arith.index_cast %add3A_55 : i32 to index
          %get3A_106 = arith.constant 64 : index
          %get3A_107 = tpu.vector_load %arg12[%get3A_105, %get3A_106] {strides = array<i32>} : memref<64x128xf32, #tpu.memory_space<vmem>>, vector<16xf32>,
          %mul3A_108 = arith.mulf %get3A_104, %get3A_107 : vector<16xf32>
          %get3A_109 = arith.index_cast %add3A_55 : i32 to index
          %get3A_110 = arith.constant 64 : index
          %get3A_111 = tpu.vector_load %arg13[%get3A_109, %get3A_110] {strides = array<i32>} : memref<64x128xf32, #tpu.memory_space<vmem>>, vector<16xf32>,
          %mul3A_112 = arith.mulf %mul3A_108, %get3A_111 : vector<16xf32>
          %add3A_113 = arith.addf %add3A_101, %mul3A_112 : vector<16xf32>
          %get3A_114 = arith.index_cast %add3A_55 : i32 to index
          %get3A_115 = arith.constant 80 : index
          %get3A_116 = tpu.vector_load %arg11[%get3A_114, %get3A_115] {strides = array<i32>} : memref<64x128xf32, #tpu.memory_space<vmem>>, vector<16xf32>,
          %get3A_117 = arith.index_cast %add3A_55 : i32 to index
          %get3A_118 = arith.constant 80 : index
          %get3A_119 = tpu.vector_load %arg12[%get3A_117, %get3A_118] {strides = array<i32>} : memref<64x128xf32, #tpu.memory_space<vmem>>, vector<16xf32>,
          %mul3A_120 = arith.mulf %get3A_116, %get3A_119 : vector<16xf32>
          %get3A_121 = arith.index_cast %add3A_55 : i32 to index
          %get3A_122 = arith.constant 80 : index
          %get3A_123 = tpu.vector_load %arg13[%get3A_121, %get3A_122] {strides = array<i32>} : memref<64x128xf32, #tpu.memory_space<vmem>>, vector<16xf32>,
          %mul3A_124 = arith.mulf %mul3A_120, %get3A_123 : vector<16xf32>
          %add3A_125 = arith.addf %add3A_113, %mul3A_124 : vector<16xf32>
          %get3A_126 = arith.index_cast %add3A_55 : i32 to index
          %get3A_127 = arith.constant 96 : index
          %get3A_128 = tpu.vector_load %arg11[%get3A_126, %get3A_127] {strides = array<i32>} : memref<64x128xf32, #tpu.memory_space<vmem>>, vector<16xf32>,
          %get3A_129 = arith.index_cast %add3A_55 : i32 to index
          %get3A_130 = arith.constant 96 : index
          %get3A_131 = tpu.vector_load %arg12[%get3A_129, %get3A_130] {strides = array<i32>} : memref<64x128xf32, #tpu.memory_space<vmem>>, vector<16xf32>,
          %mul3A_132 = arith.mulf %get3A_128, %get3A_131 : vector<16xf32>
          %get3A_133 = arith.index_cast %add3A_55 : i32 to index
          %get3A_134 = arith.constant 96 : index
          %get3A_135 = tpu.vector_load %arg13[%get3A_133, %get3A_134] {strides = array<i32>} : memref<64x128xf32, #tpu.memory_space<vmem>>, vector<16xf32>,
          %mul3A_136 = arith.mulf %mul3A_132, %get3A_135 : vector<16xf32>
          %add3A_137 = arith.addf %add3A_125, %mul3A_136 : vector<16xf32>
          %get3A_138 = arith.index_cast %add3A_55 : i32 to index
          %get3A_139 = arith.constant 112 : index
          %get3A_140 = tpu.vector_load %arg11[%get3A_138, %get3A_139] {strides = array<i32>} : memref<64x128xf32, #tpu.memory_space<vmem>>, vector<16xf32>,
          %get3A_141 = arith.index_cast %add3A_55 : i32 to index
          %get3A_142 = arith.constant 112 : index
          %get3A_143 = tpu.vector_load %arg12[%get3A_141, %get3A_142] {strides = array<i32>} : memref<64x128xf32, #tpu.memory_space<vmem>>, vector<16xf32>,
          %mul3A_144 = arith.mulf %get3A_140, %get3A_143 : vector<16xf32>
          %get3A_145 = arith.index_cast %add3A_55 : i32 to index
          %get3A_146 = arith.constant 112 : index
          %get3A_147 = tpu.vector_load %arg13[%get3A_145, %get3A_146] {strides = array<i32>} : memref<64x128xf32, #tpu.memory_space<vmem>>, vector<16xf32>,
          %mul3A_148 = arith.mulf %mul3A_144, %get3A_147 : vector<16xf32>
          %add3A_149 = arith.addf %add3A_137, %mul3A_148 : vector<16xf32>
          %reduce_sum3A = arith.constant true
          %reduce_sum3A_150 = vector.broadcast %reduce_sum3A : i1 to vector<16xi1>
          %reduce_sum3A_151 = tpu.scan <sum>, %add3A_149 masked %reduce_sum3A_150 : vector<16xf32>, vector<16xi1> -> vector<16xf32>
          %reduce_sum3A_152 = vector.extract %reduce_sum3A_151[15] : f32 from vector<16xf32>
          %broadcast_in_dim3A_153 = vector.broadcast %reduce_sum3A_152 : f32 to vector<16xf32>
          %iota3A = tpu.iota {dimensions = array<i32: 0>} : vector<16xi32>
          %eq3A = vector.broadcast %scan3A_51 : i32 to vector<16xi32>
          %eq3A_154 = arith.cmpi eq, %iota3A, %eq3A : vector<16xi32>
          %select_n3A = arith.select %eq3A_154, %broadcast_in_dim3A_153, %scan3A_52 : vector<16xi1>, vector<16xf32>
          scf.yield %select_n3A : vector<16xf32>
        }
        %scan3A_46 = arith.constant 16 : i32
        %mul3A_47 = arith.constant 16 : i32
        %mul3A_48 = arith.muli %scan3A_38, %mul3A_47 : i32
        %swap3A = arith.index_cast %mul3A_48 : i32 to index
        %swap3A_49 = tpu.vector_load %arg14[%swap3A] {strides = array<i32>} : memref<64xf32, #tpu.memory_space<vmem>>, vector<16xf32>,
        tpu.vector_store %arg14[%swap3A], %scan3A_45 {strides = array<i32>} : memref<64xf32, #tpu.memory_space<vmem>>, vector<16xf32>,
        %scan3A_50 = arith.constant 0 : i32
        scf.yield %scan3A_50 : i32
      }
      %scan3A_36 = arith.constant 4 : i32
      "tpu.region"() ({
        %run_scoped3A = tpu.sem_alloc : memref<!tpu.dma_semaphore, #tpu.memory_space<semaphore_mem>>
        %dma_start3A_38 = tpu.memref_slice %arg7[%add3A_13] : memref<32768xf32, #tpu.memory_space<hbm>> -> memref<64xf32, #tpu.memory_space<hbm>>
        %dma_start3A_39 = tpu.memref_slice %arg7[%add3A_13] : memref<32768xf32, #tpu.memory_space<hbm>> -> memref<64xf32, #tpu.memory_space<hbm>>
        tpu.enqueue_dma source(%arg14 : memref<64xf32, #tpu.memory_space<vmem>>) target(%dma_start3A_39 : memref<64xf32, #tpu.memory_space<hbm>>) target_semaphore(%run_scoped3A : memref<!tpu.dma_semaphore, #tpu.memory_space<semaphore_mem>>)
        %dma_wait3A_40 = tpu.memref_slice %arg7[%add3A_13] : memref<32768xf32, #tpu.memory_space<hbm>> -> memref<64xf32, #tpu.memory_space<hbm>>
        %dma_wait3A_41 = tpu.memref_slice %arg7[%add3A_13] : memref<32768xf32, #tpu.memory_space<hbm>> -> memref<64xf32, #tpu.memory_space<hbm>>
        tpu.wait_dma2 semaphore(%run_scoped3A : memref<!tpu.dma_semaphore, #tpu.memory_space<semaphore_mem>>) src(%arg14 : memref<64xf32, #tpu.memory_space<vmem>>) dst(%dma_wait3A_41 : memref<64xf32, #tpu.memory_space<hbm>>)
        tpu.yield
      }) : () -> ()
      %scan3A_37 = arith.constant 0 : i32
      scf.yield %scan3A_37 : i32
    }
    %scan3A_8 = arith.constant 16 : i32
    return
  }
}

module attributes {stable_mosaic.version = 14 : i64} {
  func.func @_inv_body(%arg0: memref<2x1250x128xf32, #tpu.memory_space<vmem>>, %arg1: memref<1250x128xf32, #tpu.memory_space<vmem>>) attributes {dimension_semantics = [], scalar_prefetch = 0 : i64, scratch_operands = 0 : i64, tpu.core_type = #tpu.core_type<tc>} {
    %get3A = arith.constant 0 : index
    %get3A_0 = arith.constant 0 : index
    %get3A_1 = arith.constant 0 : index
    %get3A_2 = vector.load %arg0[%get3A, %get3A_0, %get3A_1] : memref<2x1250x128xf32, #tpu.memory_space<vmem>>, vector<1x1250x128xf32>
    %get3A_3 = vector.shape_cast %get3A_2 : vector<1x1250x128xf32> to vector<1250x128xf32>
    %get3A_4 = arith.constant 1 : index
    %get3A_5 = arith.constant 0 : index
    %get3A_6 = arith.constant 0 : index
    %get3A_7 = vector.load %arg0[%get3A_4, %get3A_5, %get3A_6] : memref<2x1250x128xf32, #tpu.memory_space<vmem>>, vector<1x1250x128xf32>
    %get3A_8 = vector.shape_cast %get3A_7 : vector<1x1250x128xf32> to vector<1250x128xf32>
    %add3A = arith.addf %get3A_3, %get3A_8 : vector<1250x128xf32>
    %max3A = arith.constant 1.000000e+00 : f32
    %max3A_9 = vector.broadcast %max3A : f32 to vector<1250x128xf32>
    %max3A_10 = arith.maximumf %add3A, %max3A_9 : vector<1250x128xf32>
    %div3A = arith.constant 1.000000e+00 : f32
    %div3A_11 = vector.broadcast %div3A : f32 to vector<1250x128xf32>
    %div3A_12 = arith.divf %div3A_11, %max3A_10 : vector<1250x128xf32>
    %swap3A = arith.constant 0 : index
    %swap3A_13 = arith.constant 0 : index
    %swap3A_14 = vector.load %arg1[%swap3A, %swap3A_13] : memref<1250x128xf32, #tpu.memory_space<vmem>>, vector<1250x128xf32>
    tpu.vector_store %arg1[%swap3A, %swap3A_13], %div3A_12 {strides = array<i32>} : memref<1250x128xf32, #tpu.memory_space<vmem>>, vector<1250x128xf32>,
    return
  }
}

module attributes {stable_mosaic.version = 14 : i64} {
  func.func @_mm1_body(%arg0: i32, %arg1: memref<400x128xf32, #tpu.memory_space<vmem>>, %arg2: memref<128x2048xf32, #tpu.memory_space<vmem>>, %arg3: memref<128x128xf32, #tpu.memory_space<vmem>>, %arg4: memref<1x128xf32, #tpu.memory_space<vmem>>, %arg5: memref<400x2048xf32, #tpu.memory_space<vmem>>, %arg6: memref<400x128xf32, #tpu.memory_space<vmem>>) attributes {dimension_semantics = [#tpu.dimension_semantics<arbitrary>], iteration_bounds = array<i64: 25>, scalar_prefetch = 0 : i64, scratch_operands = 0 : i64, tpu.core_type = #tpu.core_type<tc>, window_params = [{transform_indices = @transform_0, window_bounds = array<i64: 400, 128>}, {pipeline_mode = #tpu.pipeline_mode<synchronous>, transform_indices = @transform_1, window_bounds = array<i64: 128, 2048>}, {pipeline_mode = #tpu.pipeline_mode<synchronous>, transform_indices = @transform_2, window_bounds = array<i64: 128, 128>}, {pipeline_mode = #tpu.pipeline_mode<synchronous>, transform_indices = @transform_3, window_bounds = array<i64: 1, 128>}, {transform_indices = @transform_4, window_bounds = array<i64: 400, 2048>}, {transform_indices = @transform_5, window_bounds = array<i64: 400, 128>}]} {
    %get3A = arith.constant 0 : index
    %get3A_0 = arith.constant 0 : index
    %get3A_1 = vector.load %arg1[%get3A, %get3A_0] : memref<400x128xf32, #tpu.memory_space<vmem>>, vector<400x128xf32>
    %get3A_2 = arith.constant 0 : index
    %get3A_3 = arith.constant 0 : index
    %get3A_4 = vector.load %arg2[%get3A_2, %get3A_3] : memref<128x2048xf32, #tpu.memory_space<vmem>>, vector<128x2048xf32>
    %dot_general3A = arith.constant dense<0.000000e+00> : vector<400x2048xf32>
    %dot_general3A_5 = tpu.matmul %get3A_1, %get3A_4, %dot_general3A {dimension_numbers = #tpu.dot_dimension_numbers<[1], [0], [0], [1], [0, 0, 1, 1], [], []>, transpose_lhs_hint = false} : vector<400x128xf32>, vector<128x2048xf32>, vector<400x2048xf32> -> vector<400x2048xf32>
    %swap3A = arith.constant 0 : index
    %swap3A_6 = arith.constant 0 : index
    %swap3A_7 = vector.load %arg5[%swap3A, %swap3A_6] : memref<400x2048xf32, #tpu.memory_space<vmem>>, vector<400x2048xf32>
    tpu.vector_store %arg5[%swap3A, %swap3A_6], %dot_general3A_5 {strides = array<i32>} : memref<400x2048xf32, #tpu.memory_space<vmem>>, vector<400x2048xf32>,
    %get3A_8 = arith.constant 0 : index
    %get3A_9 = arith.constant 0 : index
    %get3A_10 = vector.load %arg3[%get3A_8, %get3A_9] : memref<128x128xf32, #tpu.memory_space<vmem>>, vector<128x128xf32>
    %dot_general3A_11 = arith.constant dense<0.000000e+00> : vector<400x128xf32>
    %dot_general3A_12 = tpu.matmul %get3A_1, %get3A_10, %dot_general3A_11 {dimension_numbers = #tpu.dot_dimension_numbers<[1], [0], [0], [1], [0, 0, 1, 1], [], []>, transpose_lhs_hint = false} : vector<400x128xf32>, vector<128x128xf32>, vector<400x128xf32> -> vector<400x128xf32>
    %get3A_13 = arith.constant 0 : index
    %get3A_14 = arith.constant 0 : index
    %get3A_15 = vector.load %arg4[%get3A_13, %get3A_14] : memref<1x128xf32, #tpu.memory_space<vmem>>, vector<1x128xf32>
    %add3A = vector.broadcast %get3A_15 : vector<1x128xf32> to vector<400x128xf32>
    %add3A_16 = arith.addf %dot_general3A_12, %add3A : vector<400x128xf32>
    %swap3A_17 = arith.constant 0 : index
    %swap3A_18 = arith.constant 0 : index
    %swap3A_19 = vector.load %arg6[%swap3A_17, %swap3A_18] : memref<400x128xf32, #tpu.memory_space<vmem>>, vector<400x128xf32>
    tpu.vector_store %arg6[%swap3A_17, %swap3A_18], %add3A_16 {strides = array<i32>} : memref<400x128xf32, #tpu.memory_space<vmem>>, vector<400x128xf32>,
    return
  }
  func.func @transform_0(%arg0: i32) -> (i32, i32) {
    %c0_i32 = arith.constant 0 : i32
    %c0_i32_0 = arith.constant 0 : i32
    return %arg0, %c0_i32 : i32, i32
  }
  func.func @transform_1(%arg0: i32) -> (i32, i32) {
    %c0_i32 = arith.constant 0 : i32
    %c0_i32_0 = arith.constant 0 : i32
    %c0_i32_1 = arith.constant 0 : i32
    return %c0_i32, %c0_i32_0 : i32, i32
  }
  func.func @transform_2(%arg0: i32) -> (i32, i32) {
    %c0_i32 = arith.constant 0 : i32
    %c0_i32_0 = arith.constant 0 : i32
    %c0_i32_1 = arith.constant 0 : i32
    return %c0_i32, %c0_i32_0 : i32, i32
  }
  func.func @transform_3(%arg0: i32) -> (i32, i32) {
    %c0_i32 = arith.constant 0 : i32
    %c0_i32_0 = arith.constant 0 : i32
    %c0_i32_1 = arith.constant 0 : i32
    return %c0_i32, %c0_i32_0 : i32, i32
  }
  func.func @transform_4(%arg0: i32) -> (i32, i32) {
    %c0_i32 = arith.constant 0 : i32
    %c0_i32_0 = arith.constant 0 : i32
    return %arg0, %c0_i32 : i32, i32
  }
  func.func @transform_5(%arg0: i32) -> (i32, i32) {
    %c0_i32 = arith.constant 0 : i32
    %c0_i32_0 = arith.constant 0 : i32
    return %arg0, %c0_i32 : i32, i32
  }
}

module attributes {stable_mosaic.version = 14 : i64} {
  func.func @_mm2_body(%arg0: i32, %arg1: memref<400x128xf32, #tpu.memory_space<vmem>>, %arg2: memref<400x128xf32, #tpu.memory_space<vmem>>, %arg3: memref<400x128xf32, #tpu.memory_space<vmem>>, %arg4: memref<128x2048xf32, #tpu.memory_space<vmem>>, %arg5: memref<128x128xf32, #tpu.memory_space<vmem>>, %arg6: memref<1x128xf32, #tpu.memory_space<vmem>>, %arg7: memref<400x2048xf32, #tpu.memory_space<vmem>>, %arg8: memref<400x128xf32, #tpu.memory_space<vmem>>) attributes {dimension_semantics = [#tpu.dimension_semantics<arbitrary>], iteration_bounds = array<i64: 25>, scalar_prefetch = 0 : i64, scratch_operands = 0 : i64, tpu.core_type = #tpu.core_type<tc>, window_params = [{transform_indices = @transform_0, window_bounds = array<i64: 400, 128>}, {transform_indices = @transform_1, window_bounds = array<i64: 400, 128>}, {transform_indices = @transform_2, window_bounds = array<i64: 400, 128>}, {pipeline_mode = #tpu.pipeline_mode<synchronous>, transform_indices = @transform_3, window_bounds = array<i64: 128, 2048>}, {pipeline_mode = #tpu.pipeline_mode<synchronous>, transform_indices = @transform_4, window_bounds = array<i64: 128, 128>}, {pipeline_mode = #tpu.pipeline_mode<synchronous>, transform_indices = @transform_5, window_bounds = array<i64: 1, 128>}, {transform_indices = @transform_6, window_bounds = array<i64: 400, 2048>}, {transform_indices = @transform_7, window_bounds = array<i64: 400, 128>}]} {
    %get3A = arith.constant 0 : index
    %get3A_0 = arith.constant 0 : index
    %get3A_1 = vector.load %arg1[%get3A, %get3A_0] : memref<400x128xf32, #tpu.memory_space<vmem>>, vector<400x128xf32>
    %get3A_2 = arith.constant 0 : index
    %get3A_3 = arith.constant 0 : index
    %get3A_4 = vector.load %arg2[%get3A_2, %get3A_3] : memref<400x128xf32, #tpu.memory_space<vmem>>, vector<400x128xf32>
    %add3A = arith.addf %get3A_1, %get3A_4 : vector<400x128xf32>
    %get3A_5 = arith.constant 0 : index
    %get3A_6 = arith.constant 0 : index
    %get3A_7 = vector.load %arg3[%get3A_5, %get3A_6] : memref<400x128xf32, #tpu.memory_space<vmem>>, vector<400x128xf32>
    %add3A_8 = arith.addf %add3A, %get3A_7 : vector<400x128xf32>
    %max3A = arith.constant 0.000000e+00 : f32
    %max3A_9 = vector.broadcast %max3A : f32 to vector<400x128xf32>
    %max3A_10 = arith.maximumf %add3A_8, %max3A_9 : vector<400x128xf32>
    %get3A_11 = arith.constant 0 : index
    %get3A_12 = arith.constant 0 : index
    %get3A_13 = vector.load %arg4[%get3A_11, %get3A_12] : memref<128x2048xf32, #tpu.memory_space<vmem>>, vector<128x2048xf32>
    %dot_general3A = arith.constant dense<0.000000e+00> : vector<400x2048xf32>
    %dot_general3A_14 = tpu.matmul %max3A_10, %get3A_13, %dot_general3A {dimension_numbers = #tpu.dot_dimension_numbers<[1], [0], [0], [1], [0, 0, 1, 1], [], []>, transpose_lhs_hint = false} : vector<400x128xf32>, vector<128x2048xf32>, vector<400x2048xf32> -> vector<400x2048xf32>
    %swap3A = arith.constant 0 : index
    %swap3A_15 = arith.constant 0 : index
    %swap3A_16 = vector.load %arg7[%swap3A, %swap3A_15] : memref<400x2048xf32, #tpu.memory_space<vmem>>, vector<400x2048xf32>
    tpu.vector_store %arg7[%swap3A, %swap3A_15], %dot_general3A_14 {strides = array<i32>} : memref<400x2048xf32, #tpu.memory_space<vmem>>, vector<400x2048xf32>,
    %get3A_17 = arith.constant 0 : index
    %get3A_18 = arith.constant 0 : index
    %get3A_19 = vector.load %arg5[%get3A_17, %get3A_18] : memref<128x128xf32, #tpu.memory_space<vmem>>, vector<128x128xf32>
    %dot_general3A_20 = arith.constant dense<0.000000e+00> : vector<400x128xf32>
    %dot_general3A_21 = tpu.matmul %max3A_10, %get3A_19, %dot_general3A_20 {dimension_numbers = #tpu.dot_dimension_numbers<[1], [0], [0], [1], [0, 0, 1, 1], [], []>, transpose_lhs_hint = false} : vector<400x128xf32>, vector<128x128xf32>, vector<400x128xf32> -> vector<400x128xf32>
    %get3A_22 = arith.constant 0 : index
    %get3A_23 = arith.constant 0 : index
    %get3A_24 = vector.load %arg6[%get3A_22, %get3A_23] : memref<1x128xf32, #tpu.memory_space<vmem>>, vector<1x128xf32>
    %add3A_25 = vector.broadcast %get3A_24 : vector<1x128xf32> to vector<400x128xf32>
    %add3A_26 = arith.addf %dot_general3A_21, %add3A_25 : vector<400x128xf32>
    %swap3A_27 = arith.constant 0 : index
    %swap3A_28 = arith.constant 0 : index
    %swap3A_29 = vector.load %arg8[%swap3A_27, %swap3A_28] : memref<400x128xf32, #tpu.memory_space<vmem>>, vector<400x128xf32>
    tpu.vector_store %arg8[%swap3A_27, %swap3A_28], %add3A_26 {strides = array<i32>} : memref<400x128xf32, #tpu.memory_space<vmem>>, vector<400x128xf32>,
    return
  }
  func.func @transform_0(%arg0: i32) -> (i32, i32) {
    %c0_i32 = arith.constant 0 : i32
    %c0_i32_0 = arith.constant 0 : i32
    return %arg0, %c0_i32 : i32, i32
  }
  func.func @transform_1(%arg0: i32) -> (i32, i32) {
    %c0_i32 = arith.constant 0 : i32
    %c0_i32_0 = arith.constant 0 : i32
    return %arg0, %c0_i32 : i32, i32
  }
  func.func @transform_2(%arg0: i32) -> (i32, i32) {
    %c0_i32 = arith.constant 0 : i32
    %c0_i32_0 = arith.constant 0 : i32
    return %arg0, %c0_i32 : i32, i32
  }
  func.func @transform_3(%arg0: i32) -> (i32, i32) {
    %c0_i32 = arith.constant 0 : i32
    %c0_i32_0 = arith.constant 0 : i32
    %c0_i32_1 = arith.constant 0 : i32
    return %c0_i32, %c0_i32_0 : i32, i32
  }
  func.func @transform_4(%arg0: i32) -> (i32, i32) {
    %c0_i32 = arith.constant 0 : i32
    %c0_i32_0 = arith.constant 0 : i32
    %c0_i32_1 = arith.constant 0 : i32
    return %c0_i32, %c0_i32_0 : i32, i32
  }
  func.func @transform_5(%arg0: i32) -> (i32, i32) {
    %c0_i32 = arith.constant 0 : i32
    %c0_i32_0 = arith.constant 0 : i32
    %c0_i32_1 = arith.constant 0 : i32
    return %c0_i32, %c0_i32_0 : i32, i32
  }
  func.func @transform_6(%arg0: i32) -> (i32, i32) {
    %c0_i32 = arith.constant 0 : i32
    %c0_i32_0 = arith.constant 0 : i32
    return %arg0, %c0_i32 : i32, i32
  }
  func.func @transform_7(%arg0: i32) -> (i32, i32) {
    %c0_i32 = arith.constant 0 : i32
    %c0_i32_0 = arith.constant 0 : i32
    return %arg0, %c0_i32 : i32, i32
  }
}

module attributes {stable_mosaic.version = 14 : i64} {
  func.func @_fin_body(%arg0: i32, %arg1: memref<1000x128xf32, #tpu.memory_space<vmem>>, %arg2: memref<1000x128xf32, #tpu.memory_space<vmem>>, %arg3: memref<1000x128xf32, #tpu.memory_space<vmem>>, %arg4: memref<1000x128xf32, #tpu.memory_space<vmem>>) attributes {dimension_semantics = [#tpu.dimension_semantics<arbitrary>], iteration_bounds = array<i64: 10>, scalar_prefetch = 0 : i64, scratch_operands = 0 : i64, tpu.core_type = #tpu.core_type<tc>, window_params = [{transform_indices = @transform_0, window_bounds = array<i64: 1000, 128>}, {transform_indices = @transform_1, window_bounds = array<i64: 1000, 128>}, {transform_indices = @transform_2, window_bounds = array<i64: 1000, 128>}, {transform_indices = @transform_3, window_bounds = array<i64: 1000, 128>}]} {
    %get3A = arith.constant 0 : index
    %get3A_0 = arith.constant 0 : index
    %get3A_1 = vector.load %arg1[%get3A, %get3A_0] : memref<1000x128xf32, #tpu.memory_space<vmem>>, vector<1000x128xf32>
    %get3A_2 = arith.constant 0 : index
    %get3A_3 = arith.constant 0 : index
    %get3A_4 = vector.load %arg2[%get3A_2, %get3A_3] : memref<1000x128xf32, #tpu.memory_space<vmem>>, vector<1000x128xf32>
    %add3A = arith.addf %get3A_1, %get3A_4 : vector<1000x128xf32>
    %get3A_5 = arith.constant 0 : index
    %get3A_6 = arith.constant 0 : index
    %get3A_7 = vector.load %arg3[%get3A_5, %get3A_6] : memref<1000x128xf32, #tpu.memory_space<vmem>>, vector<1000x128xf32>
    %add3A_8 = arith.addf %add3A, %get3A_7 : vector<1000x128xf32>
    %swap3A = arith.constant 0 : index
    %swap3A_9 = arith.constant 0 : index
    %swap3A_10 = vector.load %arg4[%swap3A, %swap3A_9] : memref<1000x128xf32, #tpu.memory_space<vmem>>, vector<1000x128xf32>
    tpu.vector_store %arg4[%swap3A, %swap3A_9], %add3A_8 {strides = array<i32>} : memref<1000x128xf32, #tpu.memory_space<vmem>>, vector<1000x128xf32>,
    return
  }
  func.func @transform_0(%arg0: i32) -> (i32, i32) {
    %c0_i32 = arith.constant 0 : i32
    %c0_i32_0 = arith.constant 0 : i32
    return %arg0, %c0_i32 : i32, i32
  }
  func.func @transform_1(%arg0: i32) -> (i32, i32) {
    %c0_i32 = arith.constant 0 : i32
    %c0_i32_0 = arith.constant 0 : i32
    return %arg0, %c0_i32 : i32, i32
  }
  func.func @transform_2(%arg0: i32) -> (i32, i32) {
    %c0_i32 = arith.constant 0 : i32
    %c0_i32_0 = arith.constant 0 : i32
    return %arg0, %c0_i32 : i32, i32
  }
  func.func @transform_3(%arg0: i32) -> (i32, i32) {
    %c0_i32 = arith.constant 0 : i32
    %c0_i32_0 = arith.constant 0 : i32
    return %arg0, %c0_i32 : i32, i32
  }
}

</mosaic_0001>

<sc_bundles>
// kernel: kernel.11.cloned.1.call-start
scs
__scs_entry_jumppad:
0x0: {  	(pc) =	sbr.rel $0x88, $3  }
0x1: {  	(tag) =	ssettag $0x0;
	lr =	simm.s32 $0x1  }
0x2: {  	[smem:$0x3F96] =	sst lr;
	_ =	strace $0xD0000000  }
0x3: {  	_ = 	snop  }
0x4: {  	_ = 	snop  }
0x5: {  	_ = 	snop  }
0x6: {  	_ = 	snop  }
0x7: {  	_ = 	snop  }
__scs_overlays_trampoline_lowered:
0x8: {  	[smem:$0x3FA5] =	sst s0  }
0x9: {  	[smem:$0x3FA6] =	sst s1  }
0xa: {  	[smem:$0x3FA7] =	sst s2  }
0xb: {  	[smem:$0x3FA8] =	sst s3  }
0xc: {  	[smem:$0x3FA9] =	sst s4  }
0xd: {  	[smem:$0x3FAA] =	sst s5  }
0xe: {  	[smem:$0x3FAB] =	sst s6  }
0xf: {  	[smem:$0x3FAC] =	sst s7  }
0x10: {  	[smem:$0x3FAD] =	sst s8  }
0x11: {  	[smem:$0x3FAE] =	sst s9;
	s0 =	simm.s32 @!p0 $0x0  }
0x12: {  	s1 =	sld [smem:$0x3F94];
	s0 =	simm.s32 @p0 $0x1  }
0x13: {  	[smem:$0x3FAF] =	sst s0;
	s0 =	simm.s32 @!p1 $0x0  }
0x14: {  	s2 =	sld [smem:$0x3F93];
	s0 =	simm.s32 @p1 $0x1  }
0x15: {  	[smem:$0x3FB0] =	sst s0;
	s0 =	simm.s32 @!p2 $0x0  }
0x16: {  	s3 =	sld [smem:$0x3FDB];
	s0 =	simm.s32 @p2 $0x1  }
0x17: {  	s4 =	simm.s32 $0x1BF5;
	[smem:$0x3FB2] =	sst s0  }
0x18: {  	s0 =	sld [smem:$0x3F95];
	_ =	swait.ge [sflag:s4], $0x0  }
0x19: {  	s7 =	sld [smem:$0x3F96]  }
0x1a: {  	s8 =	sadd.s32 $0xFFFFE003, lr  }
0x1b: {  	s9 =	sadd.s32 $0xFFFFFEF7, lr;
	s5 =	simm.s32 $0xFFFFFFFF;
	p2 =	slt.u32 s8, $0xFFFFF086  }
0x1c: {  	p1 =	slt.u32 s9, $0xF7A;
	s5 =	simm.s32 @!p2 $0x0  }
0x1d: {  	s5 =	simm.s32 @p1 $0x1;
	p0 =	seq.s32 s7, s2  }
0x1e: {  	s7 =	smul.u32 @!p0 $0xF7A, s2;
	p2 =	seq.s32 @!p0 s5, $0x0  }
0x1f: {  	s9 =	smul.u32 $0xF7A, s1;
	s8 =	simm.s32 @!p0 $0x1BF5;
	p2 =	por !p2, p0  }
0x20: {  	[sflag:s8] =	ssyncset.s32 @!p0 $0xFFFFF086;
	s6 =	sadd.s32 @!p0 s3, s7;
	s7 =	simm.s32 @!p0 $0x108  }
0x21: {  	s3 =	sadd.s32 s3, s9;
	s6 =	sadd.s32 @!p0 $0x88, s6;
	s7 =	simm.s32 @p2 $0x1082  }
0x22: {  	[simem:s7], [sflag:s8] =	dma.local @!p0 [hbm:s6], $0xF7A  }
0x23: {  	s9 =	sor.u32 $0xD0000000, s2;
	s6 =	simm.s32 $0x108;
	_ =	swait.ge @!p0 [sflag:s8], $0x0  }
0x24: {  	s3 =	sadd.s32 $0x88, s3;
	s6 =	simm.s32 @!p1 $0x1082;
	[sflag:s4] =	ssyncset.s32 $0xFFFFF086  }
0x25: {  	[simem:s6], [sflag:s4] =	dma.local [hbm:s3], $0xF7A  }
0x26: {  	[smem:$0x3F96] =	sst s1;
	(tag) =	ssettag s2;
	_ =	strace s9  }
0x27: {  	s1 =	sld [smem:$0x3FA6]  }
0x28: {  	s2 =	sld [smem:$0x3FA7]  }
0x29: {  	s4 =	sld [smem:$0x3FA9]  }
0x2a: {  	p0 =	seq.s32 s5, $0x0;
	s5 =	sld [smem:$0x3FAA]  }
0x2b: {  	s6 =	sld [smem:$0x3FAB]  }
0x2c: {  	s7 =	sld [smem:$0x3FAC]  }
0x2d: {  	s3 =	simm.s32 $0x108;
	s8 =	sld [smem:$0x3FAD]  }
0x2e: {  	s3 =	simm.s32 @!p0 $0x1082;
	s9 =	sld [smem:$0x3FAE]  }
0x2f: {  	lr =	sadd.s32 s0, s3;
	s0 =	sld [smem:$0x3FA5]  }
0x30: {  	s3 =	sld [smem:$0x3FA8]  }
0x31: {  	[smem:$0x3FB1] =	sst s10  }
0x32: {  	s10 =	sld [smem:$0x3FAF];
	_ =	sdelay $0x3  }
0x33: {  	p0 =	seq.s32 s10, $0x1;
	s10 =	sld [smem:$0x3FB1];
	_ =	sdelay $0x3  }
0x34: {  	[smem:$0x3FB1] =	sst s10  }
0x35: {  	s10 =	sld [smem:$0x3FB0];
	_ =	sdelay $0x3  }
0x36: {  	p1 =	seq.s32 s10, $0x1;
	s10 =	sld [smem:$0x3FB1];
	_ =	sdelay $0x3  }
0x37: {  	[smem:$0x3FB1] =	sst s10  }
0x38: {  	s10 =	sld [smem:$0x3FB2]  }
0x39: {  	_ = 	snop;
	(pc) =	sbr.ind lr, $3  }
0x3a: {  	_ = 	snop  }
0x3b: {  	_ = 	snop  }
0x3c: {  	p2 =	seq.s32 s10, $0x1;
	s10 =	sld [smem:$0x3FB1]  }
0x3d: {  	_ =	shalt  }
0x3e: {  	_ =	shalt  }
0x3f: {  	_ =	shalt  }
0x40: {  	_ =	shalt  }
0x41: {  	_ =	shalt  }
0x42: {  	_ =	shalt  }
0x43: {  	_ =	shalt  }
0x44: {  	_ =	shalt  }
0x45: {  	_ =	shalt  }
0x46: {  	_ =	shalt  }
0x47: {  	_ =	shalt  }
0x48: {  	_ =	shalt  }
0x49: {  	_ =	shalt  }
0x4a: {  	_ =	shalt  }
0x4b: {  	_ =	shalt  }
0x4c: {  	_ =	shalt  }
0x4d: {  	_ =	shalt  }
0x4e: {  	_ =	shalt  }
0x4f: {  	_ =	shalt  }
0x50: {  	_ =	shalt  }
0x51: {  	_ =	shalt  }
0x52: {  	_ =	shalt  }
0x53: {  	_ =	shalt  }
0x54: {  	_ =	shalt  }
0x55: {  	_ =	shalt  }
0x56: {  	_ =	shalt  }
0x57: {  	_ =	shalt  }
0x58: {  	_ =	shalt  }
0x59: {  	_ =	shalt  }
0x5a: {  	_ =	shalt  }
0x5b: {  	_ =	shalt  }
0x5c: {  	_ =	shalt  }
0x5d: {  	_ =	shalt  }
0x5e: {  	_ =	shalt  }
0x5f: {  	_ =	shalt  }
0x60: {  	_ =	shalt  }
0x61: {  	_ =	shalt  }
0x62: {  	_ =	shalt  }
0x63: {  	_ =	shalt  }
0x64: {  	_ =	shalt  }
0x65: {  	_ =	shalt  }
0x66: {  	_ =	shalt  }
0x67: {  	_ =	shalt  }
0x68: {  	_ =	shalt  }
0x69: {  	_ =	shalt  }
0x6a: {  	_ =	shalt  }
0x6b: {  	_ =	shalt  }
0x6c: {  	_ =	shalt  }
0x6d: {  	_ =	shalt  }
0x6e: {  	_ =	shalt  }
0x6f: {  	_ =	shalt  }
0x70: {  	_ =	shalt  }
0x71: {  	_ =	shalt  }
0x72: {  	_ =	shalt  }
0x73: {  	_ =	shalt  }
0x74: {  	_ =	shalt  }
0x75: {  	_ =	shalt  }
0x76: {  	_ =	shalt  }
0x77: {  	_ =	shalt  }
0x78: {  	_ =	shalt  }
0x79: {  	_ =	shalt  }
0x7a: {  	_ =	shalt  }
0x7b: {  	_ =	shalt  }
0x7c: {  	_ =	shalt  }
0x7d: {  	_ =	shalt  }
0x7e: {  	_ =	shalt  }
0x7f: {  	_ =	shalt  }
0x80: {  	_ =	shalt  }
0x81: {  	_ =	shalt  }
0x82: {  	_ =	shalt  }
0x83: {  	_ =	shalt  }
0x84: {  	_ =	shalt  }
0x85: {  	_ =	shalt  }
0x86: {  	_ =	shalt  }
0x87: {  	_ =	shalt  }
.Lfunc_end0:
.L_simem_size_0:
called_computation_lowered:
.L_overlay_start_0:
0x88: {  	s2 =	sld [smem:$0x3FD9]  }
0x89: {  	s3 =	sld [smem:$0x3FFE];
	_ =	sdelay $0x1  }
0x8a: {  	s1 =	srdreg.scid  }
0x8b: {  	s0 =	sand.u32 $0x1, s1  }
0x8c: {  	s17 =	sshll.u32 s0, $0xA;
	s2 =	sadd.s32 s3, s2  }
0x8d: {  	s2 =	sadd.s32 s2, s17  }
0x8e: {  	[smem:$0x3FBD] =	sst s2  }
0x8f: {  	_ = 	snop  }
0x90: {  	s2 =	sld [smem:$0x3FC8];
	(tm) =	ssettm $0x1  }
0x91: {  	s18 =	sld [smem:$0x3FFB];
	_ =	sdelay $0x3  }
0x92: {  	_ =	strace s18  }
0x93: {  	s3 =	sld [smem:$0x3FFC];
	_ =	sdelay $0x3  }
0x94: {  	_ =	strace s3  }
0x95: {  	s3 =	sld [smem:$0x3FFD];
	_ =	sdelay $0x3  }
0x96: {  	_ =	strace s3  }
0x97: {  	_ =	strace $0x8FFFFFFF  }
0x98: {  	s19 =	sld [smem:$0x3FDB];
	_ =	sdelay $0x1  }
0x99: {  	s4 =	simm.s32 $_scs_section_size  }
0x9a: {  	s5 =	simm.s32 $_size__tile_overlayer_lowered;
	s6 =	simm.s32 $_tile_overlayer_lowered  }
0x9b: {  	s22 =	simm.s32 $0x1BFF;
	s21 =	sshll.u32 s6, $0x1;
	s3 =	sadd.s32 s4, s19  }
0x9c: {  	s7 =	simm.s32 $0x0;
	s20 =	sshll.u32 s5, $0x1;
	s5 =	sadd.s32 s21, s3  }
0x9d: {  	[timem:s7], [sflag:s22] =	dma.local [hbm:s5], s20  }
0x9e: {  	_ =	swait.ge [sflag:s22], s20  }
0x9f: {  	s4 =	ssub.s32 $0x0, s20;
	[sflag:s22] =	ssyncset.done $0x0  }
0xa0: {  	[sflag:s22] =	ssyncadd.s32 s4;
	_ =	sdelay $0x1  }
0xa1: {  	s23 =	simm.s32 $0x1B8B  }
0xa2: {  	_ =	swait.ge [sflag:s23], $0x1  }
0xa3: {  	[sflag:s23] =	ssyncset.done $0x0  }
0xa4: {  	s25 =	simm.s32 $0x1B8E;
	s24 =	sld [smem:$0x3FFE];
	[sflag:s23] =	ssyncadd.s32 $0xFFFFFFFF  }
0xa5: {  	s26 =	simm.s32 $execute0_lowered;
	[smem:$0x3FD2] =	sst s25  }
0xa6: {  	s5 =	sshll.u32 s26, $0x1;
	_ =	strace $0x80000046;
	[dreg:$0x1] =	wrdreg $0xFFFFFFFF  }
0xa7: {  	s28 =	simm.s32 $_size_execute0_lowered;
	s3 =	sadd.s32 s3, s5;
	[dreg:$0x0] =	wrdreg $0x0  }
0xa8: {  	s5 =	sshll.u32 s28, $0x1;
	[dreg:$0x2] =	wrdreg s3  }
0xa9: {  	[dreg:$0x3] =	wrdreg s5  }
0xaa: {  	[dreg:$0x4] =	wrdreg $0xC0  }
0xab: {  	_ =	task [dreg:s7], $0x5FFFF  }
0xac: {  	[dreg:$0x1] =	wrdreg $0xFFFFFFFF  }
0xad: {  	[dreg:$0x0] =	wrdreg $0x60  }
0xae: {  	[dreg:$0x2] =	wrdreg s24  }
0xaf: {  	[dreg:$0x3] =	wrdreg s2  }
0xb0: {  	[dreg:$0x4] =	wrdreg $0x29800  }
0xb1: {  	[dreg:$0x5] =	wrdreg $0x9  }
0xb2: {  	_ =	task.clear_ibuf [dreg:s7], $0x6FFFF;
	_ =	strace $0x90000046  }
0xb3: {  	s29 =	simm.s32 $0x9;
	_ =	strace $0x80000048  }
0xb4: {  	_ =	swait.ge [sflag:s29], $0x1  }
0xb5: {  	[sflag:s29] =	ssyncadd.s32 $0xFFFFFFFF  }
0xb6: {  	_ =	strace $0x90000048  }
0xb7: {  	_ =	sfence  }
0xb8: {  	s30 =	sld [smem:$0x0];
	_ =	sdelay $0x2  }
0xb9: {  	s31 =	sshll.u32 s1, $0xD;
	s1 =	sshrl.u32 s1, $0x2  }
0xba: {  	s3 =	sand.u32 $0x4000, s31;
	s1 =	sadd.s32 s1, s30  }
0xbb: {  	s0 =	sor.u32 s3, s0;
	s1 =	sshll.u32 s1, $0x11  }
0xbc: {  	s0 =	sor.u32 s1, s0  }
0xbd: {  	s0 =	sadd.s32 $0x8F2B, s0  }
0xbe: {  	[sflag:s0] =	ssyncadd.remote.s32 $0x1  }
0xbf: {  	_ =	sfence.sel $0xFFFF  }
0xc0: {  	[dreg:$0x0] =	wrdreg $0xFFFFFFFF;
	(pc) =	sbr.abs _section_cstart, $3  }
0xc1: {  	[dreg:$0x1] =	wrdreg $0xFFFFFFFF  }
0xc2: {  	_ =	task.clear_ibuf [dreg:s7], $0x2FFFF;
	_ =	strace $0x9FFFFFFF  }
0xc3: {  	(tm) =	ssettm $0x7FFFFFFF  }
tec
execute0_lowered:
.L_overlay_start_1:
0x0: {  	(tag) =	ssettag $0x1  }
0x1: {  	s4 =	rddreg [dreg:$0x0]  }
0x2: {  	s1 =	srdreg.scid;
	s7 =	rddreg [dreg:$0x1]  }
0x3: {  	s0 =	stileid.u32;
	s2 =	rddreg [dreg:$0x2];
	s3 =	simm.s32 $0x0  }
0x4: {  	s11 =	simm.s32 $0x80;
	s5 =	sand.u32 $0x1, s1;
	s6 =	smul.u32 $0x2710, s0  }
0x5: {  	s12 =	simm.s32 $0x50;
	s13 =	simm.s32 $0x100;
	s8 =	smul.u32 $0x27100, s5  }
0x6: {  	s14 =	simm.s32 $0x180;
	s15 =	simm.s32 $0x0;
	s1 =	rddreg [dreg:$0x3]  }
0x7: {  	[smem:$0x7FF] =	sst s3;
	s5 =	ssub.s32 $0x2, s5;
	s8 =	sadd.s32 s6, s8  }
0x8: {  	_ =	strace $0x80000047;
	s9 =	sshrl.u32 s5, $0x1;
	s8 =	sshrl.u32 s8, $0x3  }
0x9: {  	s9 =	ssub.s32 s5, s9;
	s10 =	sadd.s32 s8, s4;
	s4 =	sadd.s32 s6, s2  }
0xa: {  	s6 =	smax.u32 s9, $0x1;
	s7 =	sadd.s32 s8, s7;
	s9 =	simm.s32 $0x200  }
0xb: {  	v0 =	vimm.f32 $0.0e+00;
	v1 =	vimm.f32 $1.000000000e+00;
	s5 =	sadd.s32 $0x17200, s10;
	s8 =	sadd.s32 $0xD400, s10;
	s10 =	simm.s32 $0x1  }
.LBB2_1:
0xc: {  	s16 =	simm.s32 $0x40;
	s17 =	simm.s32 $0x0  }
.LBB2_2:
0xd: {  	p0 =	sne.s32 s16, $0x9C00;
	[tilespmem:s17+$0x200] =	vst v0;
	s17 =	smov.u32 s16;
	s16 =	sadd.s32 $0x40, s16  }
.Ltmp0:
0xe: {  	(pc) =	sbr.rel @p0 .LBB2_2-.Ltmp0, $2  }
0xf: {  	_ =	sdelay $0x2  }
0x10: {  	s17 =	sshra.s32 s17, $0x2  }
0x11: {  	[tilespmem:s17+$0x200] =	vst v0  }
0x12: {  	[tilespmem:$0x180] =	vst v1  }
0x13: {  	[tilespmem:$0x190] =	vst v1  }
0x14: {  	[tilespmem:$0x1A0] =	vst v1  }
0x15: {  	[tilespmem:$0x1B0] =	vst v1  }
0x16: {  	[tilespmem:$0x1C0] =	vst v1  }
0x17: {  	[spmem:s4] =	stream.linear.scatter [tilespmem:s9], [sflag:$0x1], $0x2710, $0x38;
	[tilespmem:$0x5090] =	vst v63  }
0x18: {  	_ =	swait.ge [sflag:s10], $0x2710  }
0x19: {  	[sflag:s10] =	ssyncset.done $0x0  }
0x1a: {  	[sflag:s10] =	ssyncadd.s32 $0xFFFFD8F0  }
0x1b: {  	s16 =	sadd.s32 $0x0, s8;
	[bflag:$0x0] =	sbarrier.arrive $0xFFFF  }
0x1c: {  	[tilespmem:s3], [sflag:$0x1] =	stream.linear.gather [hbm4b:s16+s3], $0x50, $0x38;
	[tilespmem:$0x5090] =	vst v63  }
0x1d: {  	_ =	swait.ge [sflag:s10], $0x50  }
0x1e: {  	[sflag:s10] =	ssyncset.done $0x0  }
0x1f: {  	s31 =	sadd.s32 $0x0, s7;
	[sflag:s10] =	ssyncadd.s32 $0xFFFFFFB0  }
0x20: {  	[tilespmem:s11], [sflag:$0x1] =	stream.linear.gather [hbm4b:s31+s3], $0x50, $0x38;
	[tilespmem:$0x5090] =	vst v63  }
0x21: {  	_ =	swait.ge [sflag:s10], $0x50  }
0x22: {  	[sflag:s10] =	ssyncset.done $0x0  }
0x23: {  	[sflag:s10] =	ssyncadd.s32 $0xFFFFFFB0  }
0x24: {  	v2 =	vld [tilespmem:$0xA0]  }
0x25: {  	v3 =	vld [tilespmem:$0xB0]  }
0x26: {  	v4 =	vld [tilespmem:$0x90]  }
0x27: {  	v6 =	vld [tilespmem:$0x10]  }
0x28: {  	v7 =	vld [tilespmem:$0x30]  }
0x29: {  	s16 =	simm.s32 $0xA;
	v5 =	vld [tilespmem:$0x0]  }
.LBB2_4:
0x2a: {  	p0 =	sne.s32 s16, $0x4D8;
	v8 =	vld [tilespmem:$0x20];
	s17 =	smov.u32 s16;
	s16 =	sadd.s32 $0xA, s16  }
0x2b: {  	v9 =	vld [tilespmem:$0x80]  }
0x2c: {  	v10 =	vld [tilespmem:$0x40]  }
0x2d: {  	v6 =	vshll.u32 v6, $0x4;
	v7 =	vshll.u32 v7, $0x4;
	v11 =	vld [tilespmem:$0xC0]  }
0x2e: {  	v4 =	vadd.s32 v4, v6;
	v3 =	vadd.s32 v3, v7  }
0x2f: {  	v5 =	vshll.u32 v5, $0x4;
	[tilespmem:$0x110] =	vst v4;
	v4 =	vshll.u32 v8, $0x4  }
0x30: {  	v5 =	vadd.s32 v9, v5;
	v2 =	vadd.s32 v2, v4;
	[tilespmem:$0x130] =	vst v3  }
0x31: {  	[tilespmem:$0x100] =	vst v5;
	v3 =	vshll.u32 v10, $0x4  }
0x32: {  	[tilespmem:$0x120] =	vst v2;
	v2 =	vadd.s32 v11, v3  }
0x33: {  	[tilespmem:$0x140] =	vst v2  }
0x34: {  	[spmem:s2] =	stream.indirect.scatter.add.f32 [tilespmem:s14], [sflag:$0x1], $0x1, s13, s12, $0xb8;
	[tilespmem:$0x5090] =	vst v63  }
0x35: {  	_ =	swait.ge [sflag:s10], $0x50  }
0x36: {  	[sflag:s10] =	ssyncset.done $0x0  }
0x37: {  	s18 =	sadd.s32 s17, s8;
	[sflag:s10] =	ssyncadd.s32 $0xFFFFFFB0  }
0x38: {  	[tilespmem:s3], [sflag:$0x1] =	stream.linear.gather [hbm4b:s18+s3], $0x50, $0x38;
	[tilespmem:$0x5090] =	vst v63  }
0x39: {  	_ =	swait.ge [sflag:s10], $0x50  }
0x3a: {  	[sflag:s10] =	ssyncset.done $0x0  }
0x3b: {  	s17 =	sadd.s32 s17, s7;
	[sflag:s10] =	ssyncadd.s32 $0xFFFFFFB0  }
0x3c: {  	[tilespmem:s11], [sflag:$0x1] =	stream.linear.gather [hbm4b:s17+s3], $0x50, $0x38;
	[tilespmem:$0x5090] =	vst v63  }
0x3d: {  	_ =	swait.ge [sflag:s10], $0x50  }
0x3e: {  	[sflag:s10] =	ssyncset.done $0x0  }
0x3f: {  	[sflag:s10] =	ssyncadd.s32 $0xFFFFFFB0  }
0x40: {  	v2 =	vld [tilespmem:$0xA0]  }
.Ltmp1:
0x41: {  	v3 =	vld [tilespmem:$0xB0];
	(pc) =	sbr.rel @p0 .LBB2_4-.Ltmp1, $4  }
0x42: {  	v4 =	vld [tilespmem:$0x90]  }
0x43: {  	v6 =	vld [tilespmem:$0x10]  }
0x44: {  	v7 =	vld [tilespmem:$0x30]  }
0x45: {  	v5 =	vld [tilespmem:$0x0]  }
0x46: {  	v8 =	vld [tilespmem:$0x20]  }
0x47: {  	v9 =	vld [tilespmem:$0x80]  }
0x48: {  	v10 =	vld [tilespmem:$0x40]  }
0x49: {  	v11 =	vld [tilespmem:$0xC0];
	v6 =	vshll.u32 v6, $0x4  }
0x4a: {  	v7 =	vshll.u32 v7, $0x4;
	v4 =	vadd.s32 v4, v6  }
0x4b: {  	v3 =	vadd.s32 v3, v7;
	v5 =	vshll.u32 v5, $0x4;
	[tilespmem:$0x110] =	vst v4  }
0x4c: {  	v63 =	vshll.u32 v8, $0x4;
	v5 =	vadd.s32 v9, v5;
	[tilespmem:$0x130] =	vst v3  }
0x4d: {  	v3 =	vshll.u32 v10, $0x4;
	v2 =	vadd.s32 v2, v63;
	[tilespmem:$0x100] =	vst v5  }
0x4e: {  	[tilespmem:$0x120] =	vst v2;
	v2 =	vadd.s32 v11, v3  }
0x4f: {  	[tilespmem:$0x140] =	vst v2  }
0x50: {  	[spmem:s2] =	stream.indirect.scatter.add.f32 [tilespmem:s14], [sflag:$0x1], $0x1, s13, s12, $0xb8;
	[tilespmem:$0x5090] =	vst v63  }
0x51: {  	_ =	swait.ge [sflag:s10], $0x50  }
0x52: {  	[sflag:s10] =	ssyncset.done $0x0  }
0x53: {  	[sflag:s10] =	ssyncadd.s32 $0xFFFFFFB0  }
0x54: {  	[bflag:$0x0] =	sbarrier.arrive $0xFFFF  }
0x55: {  	[tilespmem:s9], [sflag:$0x1] =	stream.linear.gather [spmem:s4], $0x2710, $0x38;
	[tilespmem:$0x5090] =	vst v63  }
0x56: {  	s15 =	sadd.s32 $0x1, s15;
	_ =	swait.ge [sflag:s10], $0x2710  }
0x57: {  	p0 =	sne.s32 s15, s6;
	[sflag:s10] =	ssyncset.done $0x0  }
.Ltmp2:
0x58: {  	[sflag:s10] =	ssyncadd.s32 $0xFFFFD8F0;
	(pc) =	sbr.rel @p0 .LBB2_1-.Ltmp2, $4  }
0x59: {  	[hbm4b:s5+s3] =	stream.linear.scatter [tilespmem:s9], [sflag:$0x1], $0x2710, $0x38;
	[tilespmem:$0x5090] =	vst v63  }
0x5a: {  	_ =	swait.ge [sflag:s10], $0x2710  }
0x5b: {  	[sflag:s10] =	ssyncset.done $0x0  }
0x5c: {  	[sflag:s10] =	ssyncadd.s32 $0xFFFFD8F0  }
0x5d: {  	_ =	sfence.sel $0x180000  }
0x5e: {  	[bflag:$0x0] =	sbarrier.arrive $0xFFFF  }
0x5f: {  	p0 =	sne.s32 s0, $0x0;
	_ =	strace $0x90000047  }
0x60: {  	s0 =	sadd.s32 @!p0 $0x100000, s1;
	[bflag:$0x2] =	sbarrier.arrive $0xFFFF  }
0x61: {  	[sflag:s0] =	ssyncadd.tile.s32 @!p0 $0x1;
	_ =	shalt  }
.Lfunc_end2:
_tile_overlayer_lowered:
.L_overlay_start_2:
0x62: {  	(tag) =	ssettag $0x2  }
0x63: {  	s0 =	rddreg [dreg:$0x0];
	s2 =	stileid.u32  }
0x64: {  	s1 =	rddreg [dreg:$0x1];
	p0 =	sne.s32 s2, $0x0  }
0x65: {  	s3 =	rddreg [dreg:$0x2];
	[bflag:$0x3] =	sbarrier.arrive $0xFFFF;
	s2 =	simm.s32 @!p0 $0x1C01  }
0x66: {  	[timem:s3], [sflag:s2] =	dma.local @!p0 [hbm:s0], s1  }
0x67: {  	s0 =	simm.s32 @!p0 $0x1  }
0x68: {  	_ =	swait.ge @!p0 [sflag:s0], s1  }
0x69: {  	s1 =	ssub.s32 @!p0 $0x0, s1;
	[sflag:s0] =	ssyncset.done @!p0 $0x0  }
0x6a: {  	[sflag:s0] =	ssyncadd.s32 @!p0 s1  }
0x6b: {  	[bflag:$0x3] =	sbarrier.arrive $0xFFFF  }
0x6c: {  	_ =	shalt  }

// kernel: kernel.14.cloned.1.call-start
scs
__scs_entry_jumppad:
0x0: {  	(pc) =	sbr.rel $0x88, $3  }
0x1: {  	(tag) =	ssettag $0x0;
	lr =	simm.s32 $0x1  }
0x2: {  	[smem:$0x3F96] =	sst lr;
	_ =	strace $0xD0000000  }
0x3: {  	_ = 	snop  }
0x4: {  	_ = 	snop  }
0x5: {  	_ = 	snop  }
0x6: {  	_ = 	snop  }
0x7: {  	_ = 	snop  }
__scs_overlays_trampoline_lowered:
0x8: {  	[smem:$0x3FA5] =	sst s0  }
0x9: {  	[smem:$0x3FA6] =	sst s1  }
0xa: {  	[smem:$0x3FA7] =	sst s2  }
0xb: {  	[smem:$0x3FA8] =	sst s3  }
0xc: {  	[smem:$0x3FA9] =	sst s4  }
0xd: {  	[smem:$0x3FAA] =	sst s5  }
0xe: {  	[smem:$0x3FAB] =	sst s6  }
0xf: {  	[smem:$0x3FAC] =	sst s7  }
0x10: {  	[smem:$0x3FAD] =	sst s8  }
0x11: {  	[smem:$0x3FAE] =	sst s9;
	s0 =	simm.s32 @!p0 $0x0  }
0x12: {  	s1 =	sld [smem:$0x3F94];
	s0 =	simm.s32 @p0 $0x1  }
0x13: {  	[smem:$0x3FAF] =	sst s0;
	s0 =	simm.s32 @!p1 $0x0  }
0x14: {  	s2 =	sld [smem:$0x3F93];
	s0 =	simm.s32 @p1 $0x1  }
0x15: {  	[smem:$0x3FB0] =	sst s0;
	s0 =	simm.s32 @!p2 $0x0  }
0x16: {  	s3 =	sld [smem:$0x3FDB];
	s0 =	simm.s32 @p2 $0x1  }
0x17: {  	s4 =	simm.s32 $0x1BF5;
	[smem:$0x3FB2] =	sst s0  }
0x18: {  	s0 =	sld [smem:$0x3F95];
	_ =	swait.ge [sflag:s4], $0x0  }
0x19: {  	s7 =	sld [smem:$0x3F96]  }
0x1a: {  	s8 =	sadd.s32 $0xFFFFE003, lr  }
0x1b: {  	s9 =	sadd.s32 $0xFFFFFEF7, lr;
	s5 =	simm.s32 $0xFFFFFFFF;
	p2 =	slt.u32 s8, $0xFFFFF086  }
0x1c: {  	p1 =	slt.u32 s9, $0xF7A;
	s5 =	simm.s32 @!p2 $0x0  }
0x1d: {  	s5 =	simm.s32 @p1 $0x1;
	p0 =	seq.s32 s7, s2  }
0x1e: {  	s7 =	smul.u32 @!p0 $0xF7A, s2;
	p2 =	seq.s32 @!p0 s5, $0x0  }
0x1f: {  	s9 =	smul.u32 $0xF7A, s1;
	s8 =	simm.s32 @!p0 $0x1BF5;
	p2 =	por !p2, p0  }
0x20: {  	[sflag:s8] =	ssyncset.s32 @!p0 $0xFFFFF086;
	s6 =	sadd.s32 @!p0 s3, s7;
	s7 =	simm.s32 @!p0 $0x108  }
0x21: {  	s3 =	sadd.s32 s3, s9;
	s6 =	sadd.s32 @!p0 $0x88, s6;
	s7 =	simm.s32 @p2 $0x1082  }
0x22: {  	[simem:s7], [sflag:s8] =	dma.local @!p0 [hbm:s6], $0xF7A  }
0x23: {  	s9 =	sor.u32 $0xD0000000, s2;
	s6 =	simm.s32 $0x108;
	_ =	swait.ge @!p0 [sflag:s8], $0x0  }
0x24: {  	s3 =	sadd.s32 $0x88, s3;
	s6 =	simm.s32 @!p1 $0x1082;
	[sflag:s4] =	ssyncset.s32 $0xFFFFF086  }
0x25: {  	[simem:s6], [sflag:s4] =	dma.local [hbm:s3], $0xF7A  }
0x26: {  	[smem:$0x3F96] =	sst s1;
	(tag) =	ssettag s2;
	_ =	strace s9  }
0x27: {  	s1 =	sld [smem:$0x3FA6]  }
0x28: {  	s2 =	sld [smem:$0x3FA7]  }
0x29: {  	s4 =	sld [smem:$0x3FA9]  }
0x2a: {  	p0 =	seq.s32 s5, $0x0;
	s5 =	sld [smem:$0x3FAA]  }
0x2b: {  	s6 =	sld [smem:$0x3FAB]  }
0x2c: {  	s7 =	sld [smem:$0x3FAC]  }
0x2d: {  	s3 =	simm.s32 $0x108;
	s8 =	sld [smem:$0x3FAD]  }
0x2e: {  	s3 =	simm.s32 @!p0 $0x1082;
	s9 =	sld [smem:$0x3FAE]  }
0x2f: {  	lr =	sadd.s32 s0, s3;
	s0 =	sld [smem:$0x3FA5]  }
0x30: {  	s3 =	sld [smem:$0x3FA8]  }
0x31: {  	[smem:$0x3FB1] =	sst s10  }
0x32: {  	s10 =	sld [smem:$0x3FAF];
	_ =	sdelay $0x3  }
0x33: {  	p0 =	seq.s32 s10, $0x1;
	s10 =	sld [smem:$0x3FB1];
	_ =	sdelay $0x3  }
0x34: {  	[smem:$0x3FB1] =	sst s10  }
0x35: {  	s10 =	sld [smem:$0x3FB0];
	_ =	sdelay $0x3  }
0x36: {  	p1 =	seq.s32 s10, $0x1;
	s10 =	sld [smem:$0x3FB1];
	_ =	sdelay $0x3  }
0x37: {  	[smem:$0x3FB1] =	sst s10  }
0x38: {  	s10 =	sld [smem:$0x3FB2]  }
0x39: {  	_ = 	snop;
	(pc) =	sbr.ind lr, $3  }
0x3a: {  	_ = 	snop  }
0x3b: {  	_ = 	snop  }
0x3c: {  	p2 =	seq.s32 s10, $0x1;
	s10 =	sld [smem:$0x3FB1]  }
0x3d: {  	_ =	shalt  }
0x3e: {  	_ =	shalt  }
0x3f: {  	_ =	shalt  }
0x40: {  	_ =	shalt  }
0x41: {  	_ =	shalt  }
0x42: {  	_ =	shalt  }
0x43: {  	_ =	shalt  }
0x44: {  	_ =	shalt  }
0x45: {  	_ =	shalt  }
0x46: {  	_ =	shalt  }
0x47: {  	_ =	shalt  }
0x48: {  	_ =	shalt  }
0x49: {  	_ =	shalt  }
0x4a: {  	_ =	shalt  }
0x4b: {  	_ =	shalt  }
0x4c: {  	_ =	shalt  }
0x4d: {  	_ =	shalt  }
0x4e: {  	_ =	shalt  }
0x4f: {  	_ =	shalt  }
0x50: {  	_ =	shalt  }
0x51: {  	_ =	shalt  }
0x52: {  	_ =	shalt  }
0x53: {  	_ =	shalt  }
0x54: {  	_ =	shalt  }
0x55: {  	_ =	shalt  }
0x56: {  	_ =	shalt  }
0x57: {  	_ =	shalt  }
0x58: {  	_ =	shalt  }
0x59: {  	_ =	shalt  }
0x5a: {  	_ =	shalt  }
0x5b: {  	_ =	shalt  }
0x5c: {  	_ =	shalt  }
0x5d: {  	_ =	shalt  }
0x5e: {  	_ =	shalt  }
0x5f: {  	_ =	shalt  }
0x60: {  	_ =	shalt  }
0x61: {  	_ =	shalt  }
0x62: {  	_ =	shalt  }
0x63: {  	_ =	shalt  }
0x64: {  	_ =	shalt  }
0x65: {  	_ =	shalt  }
0x66: {  	_ =	shalt  }
0x67: {  	_ =	shalt  }
0x68: {  	_ =	shalt  }
0x69: {  	_ =	shalt  }
0x6a: {  	_ =	shalt  }
0x6b: {  	_ =	shalt  }
0x6c: {  	_ =	shalt  }
0x6d: {  	_ =	shalt  }
0x6e: {  	_ =	shalt  }
0x6f: {  	_ =	shalt  }
0x70: {  	_ =	shalt  }
0x71: {  	_ =	shalt  }
0x72: {  	_ =	shalt  }
0x73: {  	_ =	shalt  }
0x74: {  	_ =	shalt  }
0x75: {  	_ =	shalt  }
0x76: {  	_ =	shalt  }
0x77: {  	_ =	shalt  }
0x78: {  	_ =	shalt  }
0x79: {  	_ =	shalt  }
0x7a: {  	_ =	shalt  }
0x7b: {  	_ =	shalt  }
0x7c: {  	_ =	shalt  }
0x7d: {  	_ =	shalt  }
0x7e: {  	_ =	shalt  }
0x7f: {  	_ =	shalt  }
0x80: {  	_ =	shalt  }
0x81: {  	_ =	shalt  }
0x82: {  	_ =	shalt  }
0x83: {  	_ =	shalt  }
0x84: {  	_ =	shalt  }
0x85: {  	_ =	shalt  }
0x86: {  	_ =	shalt  }
0x87: {  	_ =	shalt  }
.Lfunc_end0:
.L_simem_size_0:
called_computation.1_lowered:
.L_overlay_start_0:
0x88: {  	s2 =	sld [smem:$0x3FD9]  }
0x89: {  	s3 =	sld [smem:$0x3FFE];
	_ =	sdelay $0x1  }
0x8a: {  	s1 =	srdreg.scid  }
0x8b: {  	s0 =	sand.u32 $0x1, s1  }
0x8c: {  	s17 =	sshll.u32 s0, $0xA;
	s2 =	sadd.s32 s3, s2  }
0x8d: {  	s2 =	sadd.s32 s2, s17  }
0x8e: {  	[smem:$0x3FBD] =	sst s2  }
0x8f: {  	_ = 	snop  }
0x90: {  	s2 =	sld [smem:$0x3FC8];
	(tm) =	ssettm $0x1  }
0x91: {  	s18 =	sld [smem:$0x3FFB];
	_ =	sdelay $0x3  }
0x92: {  	_ =	strace s18  }
0x93: {  	s3 =	sld [smem:$0x3FFC];
	_ =	sdelay $0x3  }
0x94: {  	_ =	strace s3  }
0x95: {  	s3 =	sld [smem:$0x3FFD];
	_ =	sdelay $0x3  }
0x96: {  	_ =	strace s3  }
0x97: {  	_ =	strace $0x8FFFFFFF  }
0x98: {  	s19 =	sld [smem:$0x3FDB];
	_ =	sdelay $0x1  }
0x99: {  	s4 =	simm.s32 $_scs_section_size  }
0x9a: {  	s5 =	simm.s32 $_size__tile_overlayer_lowered;
	s6 =	simm.s32 $_tile_overlayer_lowered  }
0x9b: {  	s22 =	simm.s32 $0x1BFF;
	s21 =	sshll.u32 s6, $0x1;
	s3 =	sadd.s32 s4, s19  }
0x9c: {  	s7 =	simm.s32 $0x0;
	s20 =	sshll.u32 s5, $0x1;
	s5 =	sadd.s32 s21, s3  }
0x9d: {  	[timem:s7], [sflag:s22] =	dma.local [hbm:s5], s20  }
0x9e: {  	_ =	swait.ge [sflag:s22], s20  }
0x9f: {  	s4 =	ssub.s32 $0x0, s20;
	[sflag:s22] =	ssyncset.done $0x0  }
0xa0: {  	[sflag:s22] =	ssyncadd.s32 s4;
	_ =	sdelay $0x1  }
0xa1: {  	s23 =	simm.s32 $0x1B8B  }
0xa2: {  	_ =	swait.ge [sflag:s23], $0x1  }
0xa3: {  	[sflag:s23] =	ssyncset.done $0x0  }
0xa4: {  	s25 =	simm.s32 $0x1B8E;
	s24 =	sld [smem:$0x3FFE];
	[sflag:s23] =	ssyncadd.s32 $0xFFFFFFFF  }
0xa5: {  	s26 =	simm.s32 $execute0_lowered;
	[smem:$0x3FD2] =	sst s25  }
0xa6: {  	s5 =	sshll.u32 s26, $0x1;
	_ =	strace $0x80000049;
	[dreg:$0x1] =	wrdreg $0xFFFFFFFF  }
0xa7: {  	s28 =	simm.s32 $_size_execute0_lowered;
	s3 =	sadd.s32 s3, s5;
	[dreg:$0x0] =	wrdreg $0x0  }
0xa8: {  	s5 =	sshll.u32 s28, $0x1;
	[dreg:$0x2] =	wrdreg s3  }
0xa9: {  	[dreg:$0x3] =	wrdreg s5  }
0xaa: {  	[dreg:$0x4] =	wrdreg $0xC0  }
0xab: {  	_ =	task [dreg:s7], $0x5FFFF  }
0xac: {  	[dreg:$0x1] =	wrdreg $0xFFFFFFFF  }
0xad: {  	[dreg:$0x0] =	wrdreg $0x60  }
0xae: {  	[dreg:$0x2] =	wrdreg s24  }
0xaf: {  	[dreg:$0x3] =	wrdreg s2  }
0xb0: {  	[dreg:$0x4] =	wrdreg $0x9  }
0xb1: {  	_ =	task.clear_ibuf [dreg:s7], $0x5FFFF;
	_ =	strace $0x90000049  }
0xb2: {  	s29 =	simm.s32 $0x9;
	_ =	strace $0x8000004B  }
0xb3: {  	_ =	swait.ge [sflag:s29], $0x1  }
0xb4: {  	[sflag:s29] =	ssyncadd.s32 $0xFFFFFFFF  }
0xb5: {  	_ =	strace $0x9000004B  }
0xb6: {  	_ =	sfence  }
0xb7: {  	s30 =	sld [smem:$0x0];
	_ =	sdelay $0x2  }
0xb8: {  	s31 =	sshll.u32 s1, $0xD;
	s1 =	sshrl.u32 s1, $0x2  }
0xb9: {  	s3 =	sand.u32 $0x4000, s31;
	s1 =	sadd.s32 s1, s30  }
0xba: {  	s0 =	sor.u32 s3, s0;
	s1 =	sshll.u32 s1, $0x11  }
0xbb: {  	s0 =	sor.u32 s1, s0  }
0xbc: {  	s0 =	sadd.s32 $0x8F2B, s0  }
0xbd: {  	[sflag:s0] =	ssyncadd.remote.s32 $0x1  }
0xbe: {  	_ =	sfence.sel $0xFFFF  }
0xbf: {  	[dreg:$0x0] =	wrdreg $0xFFFFFFFF;
	(pc) =	sbr.abs _section_cstart, $3  }
0xc0: {  	[dreg:$0x1] =	wrdreg $0xFFFFFFFF  }
0xc1: {  	_ =	task.clear_ibuf [dreg:s7], $0x2FFFF;
	_ =	strace $0x9FFFFFFF  }
0xc2: {  	(tm) =	ssettm $0x7FFFFFFF  }
0xc3: {  	_ =	shalt  }
tec
execute0_lowered:
.L_overlay_start_1:
0x0: {  	(tag) =	ssettag $0x1  }
0x1: {  	s3 =	rddreg [dreg:$0x0]  }
0x2: {  	s0 =	srdreg.scid;
	s7 =	rddreg [dreg:$0x1]  }
0x3: {  	s1 =	rddreg [dreg:$0x2];
	s2 =	simm.s32 $0x0;
	s10 =	simm.s32 $0x2  }
0x4: {  	s11 =	simm.s32 $0x80;
	s12 =	simm.s32 $0x100;
	s4 =	sand.u32 $0x1, s0  }
0x5: {  	s13 =	simm.s32 $0x50;
	s0 =	stileid.u32;
	s5 =	smul.u32 $0x27100, s4  }
0x6: {  	s14 =	simm.s32 $0x200;
	s15 =	simm.s32 $0x280;
	s6 =	smul.u32 $0x2710, s0  }
0x7: {  	s16 =	simm.s32 $0x1;
	s17 =	simm.s32 $0x180;
	s4 =	ssub.s32 $0x2, s4  }
0x8: {  	s18 =	simm.s32 $0x0;
	s31 =	sshrl.u32 s4, $0x1;
	s5 =	sadd.s32 s6, s5  }
0x9: {  	[smem:$0x7FF] =	sst s2;
	s4 =	ssub.s32 s4, s31;
	s8 =	sshrl.u32 s5, $0x3  }
0xa: {  	_ =	strace $0x8000004A;
	s4 =	smax.u32 s4, $0x1;
	s9 =	sadd.s32 s8, s3  }
0xb: {  	s3 =	sadd.s32 $0x17200, s3;
	s7 =	sadd.s32 s8, s7;
	s5 =	sadd.s32 $0x26000, s9  }
0xc: {  	s6 =	sadd.s32 $0x1C200, s9;
	s8 =	sadd.s32 $0xD400, s9;
	s9 =	sadd.s32 $0x3600, s9  }
.LBB2_1:
0xd: {  	s19 =	sadd.s32 $0x0, s9  }
0xe: {  	[tilespmem:s2], [sflag:$0x2] =	stream.linear.gather [hbm4b:s19+s2], $0x50, $0x38;
	[tilespmem:$0x300] =	vst v63  }
0xf: {  	_ =	swait.ge [sflag:s10], $0x50  }
0x10: {  	[sflag:s10] =	ssyncset.done $0x0  }
0x11: {  	s30 =	sadd.s32 $0x0, s8;
	[sflag:s10] =	ssyncadd.s32 $0xFFFFFFB0  }
0x12: {  	[tilespmem:s11], [sflag:$0x2] =	stream.linear.gather [hbm4b:s30+s2], $0x50, $0x38;
	[tilespmem:$0x300] =	vst v63  }
0x13: {  	_ =	swait.ge [sflag:s10], $0x50  }
0x14: {  	[sflag:s10] =	ssyncset.done $0x0  }
0x15: {  	s31 =	sadd.s32 $0x0, s7;
	[sflag:s10] =	ssyncadd.s32 $0xFFFFFFB0  }
0x16: {  	[tilespmem:s12], [sflag:$0x2] =	stream.linear.gather [hbm4b:s31+s2], $0x50, $0x38;
	[tilespmem:$0x300] =	vst v63  }
0x17: {  	_ =	swait.ge [sflag:s10], $0x50  }
0x18: {  	[sflag:s10] =	ssyncset.done $0x0  }
0x19: {  	[sflag:s10] =	ssyncadd.s32 $0xFFFFFFB0  }
0x1a: {  	v0 =	vld [tilespmem:$0x110]  }
0x1b: {  	v1 =	vld [tilespmem:$0x10]  }
0x1c: {  	v2 =	vld [tilespmem:$0x130]  }
0x1d: {  	v3 =	vld [tilespmem:$0x30]  }
0x1e: {  	v4 =	vld [tilespmem:$0xA0]  }
0x1f: {  	v5 =	vld [tilespmem:$0x120]  }
0x20: {  	v6 =	vld [tilespmem:$0x20]  }
0x21: {  	v10 =	vld [tilespmem:$0xB0]  }
0x22: {  	v7 =	vld [tilespmem:$0x40]  }
0x23: {  	v11 =	vld [tilespmem:$0x90]  }
0x24: {  	v56 =	vld [tilespmem:$0x0];
	v3 =	vshll.u32 v3, $0x4  }
0x25: {  	v58 =	vld [tilespmem:$0x100];
	v4 =	vshll.u32 v4, $0x4;
	v3 =	vadd.s32 v2, v3  }
0x26: {  	v9 =	vld [tilespmem:$0x140];
	v59 =	vshll.u32 v10, $0x4;
	v4 =	vadd.s32 v5, v4;
	[tilespmem:$0x1B0] =	vst v3  }
0x27: {  	v54 =	vld [tilespmem:$0x80];
	v1 =	vshll.u32 v1, $0x4;
	v2 =	vadd.s32 v2, v59;
	[tilespmem:$0x220] =	vst v4  }
0x28: {  	v8 =	vld [tilespmem:$0xC0];
	v60 =	vshll.u32 v11, $0x4;
	v1 =	vadd.s32 v0, v1;
	[tilespmem:$0x230] =	vst v2  }
0x29: {  	v62 =	vshll.u32 v56, $0x4;
	v0 =	vadd.s32 v0, v60;
	[tilespmem:$0x190] =	vst v1  }
0x2a: {  	v53 =	vshll.u32 v6, $0x4;
	v63 =	vadd.s32 v58, v62;
	[tilespmem:$0x210] =	vst v0  }
0x2b: {  	v55 =	vshll.u32 v7, $0x4;
	v3 =	vadd.s32 v5, v53;
	[tilespmem:$0x180] =	vst v63  }
0x2c: {  	v61 =	vshll.u32 v54, $0x4;
	v4 =	vadd.s32 v9, v55;
	[tilespmem:$0x1A0] =	vst v3  }
0x2d: {  	v57 =	vshll.u32 v8, $0x4;
	v2 =	vadd.s32 v58, v61;
	[tilespmem:$0x1C0] =	vst v4  }
0x2e: {  	v3 =	vadd.s32 v9, v57;
	[tilespmem:$0x200] =	vst v2  }
0x2f: {  	s21 =	simm.s32 $0x14;
	s20 =	simm.s32 $0x0;
	s19 =	simm.s32 $0xA;
	[tilespmem:$0x240] =	vst v3  }
0x30: {  	[tilespmem:s15], [sflag:$0x1] =	stream.indirect.gather [hbm4b:s3+s13], $0x1, s14, s13, $0xb8;
	[tilespmem:$0x300] =	vst v63  }
.LBB2_2:
0x31: {  	p0 =	sne.s32 s21, $0x4D8  }
0x32: {  	_ =	swait.ge [sflag:s16], $0x50;
	s22 =	smov.u32 s21;
	s21 =	sadd.s32 $0xA, s21  }
0x33: {  	[sflag:s16] =	ssyncset.done $0x0  }
0x34: {  	s23 =	sadd.s32 s20, s6;
	[sflag:s16] =	ssyncadd.s32 $0xFFFFFFB0  }
0x35: {  	[hbm4b:s23+s2] =	stream.linear.scatter [tilespmem:s17], [sflag:$0x2], $0x50, $0x38;
	[tilespmem:$0x300] =	vst v63  }
0x36: {  	_ =	swait.ge [sflag:s10], $0x50  }
0x37: {  	[sflag:s10] =	ssyncset.done $0x0  }
0x38: {  	s23 =	sadd.s32 s20, s5;
	s20 =	smov.u32 s19;
	[sflag:s10] =	ssyncadd.s32 $0xFFFFFFB0  }
0x39: {  	[hbm4b:s23+s2] =	stream.linear.scatter [tilespmem:s15], [sflag:$0x2], $0x50, $0x38;
	[tilespmem:$0x300] =	vst v63  }
0x3a: {  	s19 =	smov.u32 s22;
	_ =	swait.ge [sflag:s10], $0x50  }
0x3b: {  	[sflag:s10] =	ssyncset.done $0x0  }
0x3c: {  	s22 =	sadd.s32 s20, s9;
	[sflag:s10] =	ssyncadd.s32 $0xFFFFFFB0  }
0x3d: {  	[tilespmem:s2], [sflag:$0x2] =	stream.linear.gather [hbm4b:s22+s2], $0x50, $0x38;
	[tilespmem:$0x300] =	vst v63  }
0x3e: {  	_ =	swait.ge [sflag:s10], $0x50  }
0x3f: {  	[sflag:s10] =	ssyncset.done $0x0  }
0x40: {  	s22 =	sadd.s32 s20, s8;
	[sflag:s10] =	ssyncadd.s32 $0xFFFFFFB0  }
0x41: {  	[tilespmem:s11], [sflag:$0x2] =	stream.linear.gather [hbm4b:s22+s2], $0x50, $0x38;
	[tilespmem:$0x300] =	vst v63  }
0x42: {  	_ =	swait.ge [sflag:s10], $0x50  }
0x43: {  	[sflag:s10] =	ssyncset.done $0x0  }
0x44: {  	s22 =	sadd.s32 s20, s7;
	[sflag:s10] =	ssyncadd.s32 $0xFFFFFFB0  }
0x45: {  	[tilespmem:s12], [sflag:$0x2] =	stream.linear.gather [hbm4b:s22+s2], $0x50, $0x38;
	[tilespmem:$0x300] =	vst v63  }
0x46: {  	_ =	swait.ge [sflag:s10], $0x50  }
0x47: {  	[sflag:s10] =	ssyncset.done $0x0  }
0x48: {  	[sflag:s10] =	ssyncadd.s32 $0xFFFFFFB0  }
0x49: {  	v0 =	vld [tilespmem:$0x110]  }
0x4a: {  	v1 =	vld [tilespmem:$0x10]  }
0x4b: {  	v2 =	vld [tilespmem:$0x130]  }
0x4c: {  	v3 =	vld [tilespmem:$0x30]  }
0x4d: {  	v4 =	vld [tilespmem:$0xA0]  }
0x4e: {  	v5 =	vld [tilespmem:$0x120]  }
0x4f: {  	v6 =	vld [tilespmem:$0x20]  }
0x50: {  	v7 =	vld [tilespmem:$0x40]  }
0x51: {  	v3 =	vshll.u32 v3, $0x4;
	v8 =	vld [tilespmem:$0xC0]  }
0x52: {  	v4 =	vshll.u32 v4, $0x4;
	v3 =	vadd.s32 v2, v3;
	v9 =	vld [tilespmem:$0x140]  }
0x53: {  	v4 =	vadd.s32 v5, v4;
	[tilespmem:$0x1B0] =	vst v3;
	v3 =	vld [tilespmem:$0xB0]  }
0x54: {  	v10 =	vld [tilespmem:$0x90];
	v6 =	vshll.u32 v6, $0x4;
	[tilespmem:$0x220] =	vst v4  }
0x55: {  	v4 =	vld [tilespmem:$0x80];
	v5 =	vadd.s32 v5, v6;
	v6 =	vshll.u32 v7, $0x4  }
0x56: {  	v7 =	vld [tilespmem:$0x0];
	[tilespmem:$0x1A0] =	vst v5;
	v5 =	vshll.u32 v8, $0x4  }
0x57: {  	v8 =	vld [tilespmem:$0x100];
	v6 =	vadd.s32 v9, v6;
	v5 =	vadd.s32 v9, v5  }
0x58: {  	v3 =	vshll.u32 v3, $0x4;
	[tilespmem:$0x1C0] =	vst v6  }
0x59: {  	v1 =	vshll.u32 v1, $0x4;
	v2 =	vadd.s32 v2, v3;
	[tilespmem:$0x240] =	vst v5  }
0x5a: {  	v1 =	vadd.s32 v0, v1;
	v3 =	vshll.u32 v10, $0x4;
	[tilespmem:$0x230] =	vst v2  }
.Ltmp0:
0x5b: {  	v4 =	vshll.u32 v4, $0x4;
	v0 =	vadd.s32 v0, v3;
	v2 =	vshll.u32 v7, $0x4;
	[tilespmem:$0x190] =	vst v1;
	(pc) =	sbr.rel @p0 .LBB2_2-.Ltmp0, $4  }
0x5c: {  	v1 =	vadd.s32 v8, v2;
	v2 =	vadd.s32 v8, v4;
	[tilespmem:$0x210] =	vst v0  }
0x5d: {  	[tilespmem:$0x200] =	vst v2  }
0x5e: {  	[tilespmem:$0x180] =	vst v1  }
0x5f: {  	[tilespmem:s15], [sflag:$0x1] =	stream.indirect.gather [hbm4b:s3+s13], $0x1, s14, s13, $0xb8;
	[tilespmem:$0x300] =	vst v63  }
0x60: {  	_ =	swait.ge [sflag:s16], $0x50  }
0x61: {  	[sflag:s16] =	ssyncset.done $0x0  }
0x62: {  	s21 =	sadd.s32 s20, s6;
	[sflag:s16] =	ssyncadd.s32 $0xFFFFFFB0  }
0x63: {  	[hbm4b:s21+s2] =	stream.linear.scatter [tilespmem:s17], [sflag:$0x2], $0x50, $0x38;
	[tilespmem:$0x300] =	vst v63  }
0x64: {  	_ =	swait.ge [sflag:s10], $0x50  }
0x65: {  	[sflag:s10] =	ssyncset.done $0x0  }
0x66: {  	s25 =	sadd.s32 s20, s5;
	[sflag:s10] =	ssyncadd.s32 $0xFFFFFFB0  }
0x67: {  	[hbm4b:s25+s2] =	stream.linear.scatter [tilespmem:s15], [sflag:$0x2], $0x50, $0x38;
	[tilespmem:$0x300] =	vst v63  }
0x68: {  	_ =	swait.ge [sflag:s10], $0x50  }
0x69: {  	[sflag:s10] =	ssyncset.done $0x0  }
0x6a: {  	s26 =	sadd.s32 s19, s9;
	[sflag:s10] =	ssyncadd.s32 $0xFFFFFFB0  }
0x6b: {  	[tilespmem:s2], [sflag:$0x2] =	stream.linear.gather [hbm4b:s26+s2], $0x50, $0x38;
	[tilespmem:$0x300] =	vst v63  }
0x6c: {  	_ =	swait.ge [sflag:s10], $0x50  }
0x6d: {  	[sflag:s10] =	ssyncset.done $0x0  }
0x6e: {  	s28 =	sadd.s32 s19, s8;
	[sflag:s10] =	ssyncadd.s32 $0xFFFFFFB0  }
0x6f: {  	[tilespmem:s11], [sflag:$0x2] =	stream.linear.gather [hbm4b:s28+s2], $0x50, $0x38;
	[tilespmem:$0x300] =	vst v63  }
0x70: {  	_ =	swait.ge [sflag:s10], $0x50  }
0x71: {  	[sflag:s10] =	ssyncset.done $0x0  }
0x72: {  	s29 =	sadd.s32 s19, s7;
	[sflag:s10] =	ssyncadd.s32 $0xFFFFFFB0  }
0x73: {  	[tilespmem:s12], [sflag:$0x2] =	stream.linear.gather [hbm4b:s29+s2], $0x50, $0x38;
	[tilespmem:$0x300] =	vst v63  }
0x74: {  	_ =	swait.ge [sflag:s10], $0x50  }
0x75: {  	[sflag:s10] =	ssyncset.done $0x0  }
0x76: {  	[sflag:s10] =	ssyncadd.s32 $0xFFFFFFB0  }
0x77: {  	v0 =	vld [tilespmem:$0x110]  }
0x78: {  	v1 =	vld [tilespmem:$0x10]  }
0x79: {  	v2 =	vld [tilespmem:$0x130]  }
0x7a: {  	v3 =	vld [tilespmem:$0x30]  }
0x7b: {  	v4 =	vld [tilespmem:$0xA0]  }
0x7c: {  	v5 =	vld [tilespmem:$0x120]  }
0x7d: {  	v6 =	vld [tilespmem:$0x20]  }
0x7e: {  	v10 =	vld [tilespmem:$0xB0]  }
0x7f: {  	v7 =	vld [tilespmem:$0x40]  }
0x80: {  	v11 =	vld [tilespmem:$0x90]  }
0x81: {  	v56 =	vld [tilespmem:$0x0];
	v3 =	vshll.u32 v3, $0x4  }
0x82: {  	v58 =	vld [tilespmem:$0x100];
	v4 =	vshll.u32 v4, $0x4;
	v3 =	vadd.s32 v2, v3  }
0x83: {  	v9 =	vld [tilespmem:$0x140];
	v59 =	vshll.u32 v10, $0x4;
	v4 =	vadd.s32 v5, v4;
	[tilespmem:$0x1B0] =	vst v3  }
0x84: {  	v54 =	vld [tilespmem:$0x80];
	v1 =	vshll.u32 v1, $0x4;
	v2 =	vadd.s32 v2, v59;
	[tilespmem:$0x220] =	vst v4  }
0x85: {  	v8 =	vld [tilespmem:$0xC0];
	v60 =	vshll.u32 v11, $0x4;
	v1 =	vadd.s32 v0, v1;
	[tilespmem:$0x230] =	vst v2  }
0x86: {  	v62 =	vshll.u32 v56, $0x4;
	v0 =	vadd.s32 v0, v60;
	[tilespmem:$0x190] =	vst v1  }
0x87: {  	v53 =	vshll.u32 v6, $0x4;
	v63 =	vadd.s32 v58, v62;
	[tilespmem:$0x210] =	vst v0  }
0x88: {  	v55 =	vshll.u32 v7, $0x4;
	v3 =	vadd.s32 v5, v53;
	[tilespmem:$0x180] =	vst v63  }
0x89: {  	v61 =	vshll.u32 v54, $0x4;
	v4 =	vadd.s32 v9, v55;
	[tilespmem:$0x1A0] =	vst v3  }
0x8a: {  	v57 =	vshll.u32 v8, $0x4;
	v2 =	vadd.s32 v58, v61;
	[tilespmem:$0x1C0] =	vst v4  }
0x8b: {  	v3 =	vadd.s32 v9, v57;
	[tilespmem:$0x200] =	vst v2  }
0x8c: {  	[tilespmem:$0x240] =	vst v3  }
0x8d: {  	[tilespmem:s15], [sflag:$0x1] =	stream.indirect.gather [hbm4b:s3+s13], $0x1, s14, s13, $0xb8;
	[tilespmem:$0x300] =	vst v63  }
0x8e: {  	_ =	swait.ge [sflag:s16], $0x50  }
0x8f: {  	[sflag:s16] =	ssyncset.done $0x0  }
0x90: {  	s30 =	sadd.s32 s19, s6;
	[sflag:s16] =	ssyncadd.s32 $0xFFFFFFB0  }
0x91: {  	[hbm4b:s30+s2] =	stream.linear.scatter [tilespmem:s17], [sflag:$0x2], $0x50, $0x38;
	[tilespmem:$0x300] =	vst v63  }
0x92: {  	s18 =	sadd.s32 $0x1, s18;
	_ =	swait.ge [sflag:s10], $0x50  }
0x93: {  	p0 =	sne.s32 s18, s4;
	[sflag:s10] =	ssyncset.done $0x0  }
.Ltmp1:
0x94: {  	s31 =	sadd.s32 s19, s5;
	[sflag:s10] =	ssyncadd.s32 $0xFFFFFFB0;
	(pc) =	sbr.rel @p0 .LBB2_1-.Ltmp1, $4  }
0x95: {  	[hbm4b:s31+s2] =	stream.linear.scatter [tilespmem:s15], [sflag:$0x2], $0x50, $0x38;
	[tilespmem:$0x300] =	vst v63  }
0x96: {  	_ =	swait.ge [sflag:s10], $0x50  }
0x97: {  	[sflag:s10] =	ssyncset.done $0x0  }
0x98: {  	[sflag:s10] =	ssyncadd.s32 $0xFFFFFFB0  }
0x99: {  	_ =	sfence.sel $0x180000  }
0x9a: {  	[bflag:$0x0] =	sbarrier.arrive $0xFFFF  }
0x9b: {  	p0 =	sne.s32 s0, $0x0;
	_ =	strace $0x9000004A  }
0x9c: {  	s0 =	sadd.s32 @!p0 $0x100000, s1;
	[bflag:$0x2] =	sbarrier.arrive $0xFFFF  }
0x9d: {  	[sflag:s0] =	ssyncadd.tile.s32 @!p0 $0x1;
	_ =	shalt  }
.Lfunc_end2:
_tile_overlayer_lowered:
.L_overlay_start_2:
0x9e: {  	(tag) =	ssettag $0x2  }
0x9f: {  	s0 =	rddreg [dreg:$0x0];
	s2 =	stileid.u32  }
0xa0: {  	s1 =	rddreg [dreg:$0x1];
	p0 =	sne.s32 s2, $0x0  }
0xa1: {  	s3 =	rddreg [dreg:$0x2];
	[bflag:$0x3] =	sbarrier.arrive $0xFFFF;
	s2 =	simm.s32 @!p0 $0x1C02  }
0xa2: {  	[timem:s3], [sflag:s2] =	dma.local @!p0 [hbm:s0], s1  }
0xa3: {  	s0 =	simm.s32 @!p0 $0x2  }
0xa4: {  	_ =	swait.ge @!p0 [sflag:s0], s1  }
0xa5: {  	s1 =	ssub.s32 @!p0 $0x0, s1;
	[sflag:s0] =	ssyncset.done @!p0 $0x0  }
0xa6: {  	[sflag:s0] =	ssyncadd.s32 @!p0 s1  }
0xa7: {  	[bflag:$0x3] =	sbarrier.arrive $0xFFFF  }
0xa8: {  	_ =	shalt  }

// kernel: kernel.17.cloned.1.call-start
scs
__scs_entry_jumppad:
0x0: {  	(pc) =	sbr.rel $0x88, $3  }
0x1: {  	(tag) =	ssettag $0x0;
	lr =	simm.s32 $0x1  }
0x2: {  	[smem:$0x3F96] =	sst lr;
	_ =	strace $0xD0000000  }
0x3: {  	_ = 	snop  }
0x4: {  	_ = 	snop  }
0x5: {  	_ = 	snop  }
0x6: {  	_ = 	snop  }
0x7: {  	_ = 	snop  }
__scs_overlays_trampoline_lowered:
0x8: {  	[smem:$0x3FA5] =	sst s0  }
0x9: {  	[smem:$0x3FA6] =	sst s1  }
0xa: {  	[smem:$0x3FA7] =	sst s2  }
0xb: {  	[smem:$0x3FA8] =	sst s3  }
0xc: {  	[smem:$0x3FA9] =	sst s4  }
0xd: {  	[smem:$0x3FAA] =	sst s5  }
0xe: {  	[smem:$0x3FAB] =	sst s6  }
0xf: {  	[smem:$0x3FAC] =	sst s7  }
0x10: {  	[smem:$0x3FAD] =	sst s8  }
0x11: {  	[smem:$0x3FAE] =	sst s9;
	s0 =	simm.s32 @!p0 $0x0  }
0x12: {  	s1 =	sld [smem:$0x3F94];
	s0 =	simm.s32 @p0 $0x1  }
0x13: {  	[smem:$0x3FAF] =	sst s0;
	s0 =	simm.s32 @!p1 $0x0  }
0x14: {  	s2 =	sld [smem:$0x3F93];
	s0 =	simm.s32 @p1 $0x1  }
0x15: {  	[smem:$0x3FB0] =	sst s0;
	s0 =	simm.s32 @!p2 $0x0  }
0x16: {  	s3 =	sld [smem:$0x3FDB];
	s0 =	simm.s32 @p2 $0x1  }
0x17: {  	s4 =	simm.s32 $0x1BF5;
	[smem:$0x3FB2] =	sst s0  }
0x18: {  	s0 =	sld [smem:$0x3F95];
	_ =	swait.ge [sflag:s4], $0x0  }
0x19: {  	s7 =	sld [smem:$0x3F96]  }
0x1a: {  	s8 =	sadd.s32 $0xFFFFE003, lr  }
0x1b: {  	s9 =	sadd.s32 $0xFFFFFEF7, lr;
	s5 =	simm.s32 $0xFFFFFFFF;
	p2 =	slt.u32 s8, $0xFFFFF086  }
0x1c: {  	p1 =	slt.u32 s9, $0xF7A;
	s5 =	simm.s32 @!p2 $0x0  }
0x1d: {  	s5 =	simm.s32 @p1 $0x1;
	p0 =	seq.s32 s7, s2  }
0x1e: {  	s7 =	smul.u32 @!p0 $0xF7A, s2;
	p2 =	seq.s32 @!p0 s5, $0x0  }
0x1f: {  	s9 =	smul.u32 $0xF7A, s1;
	s8 =	simm.s32 @!p0 $0x1BF5;
	p2 =	por !p2, p0  }
0x20: {  	[sflag:s8] =	ssyncset.s32 @!p0 $0xFFFFF086;
	s6 =	sadd.s32 @!p0 s3, s7;
	s7 =	simm.s32 @!p0 $0x108  }
0x21: {  	s3 =	sadd.s32 s3, s9;
	s6 =	sadd.s32 @!p0 $0x88, s6;
	s7 =	simm.s32 @p2 $0x1082  }
0x22: {  	[simem:s7], [sflag:s8] =	dma.local @!p0 [hbm:s6], $0xF7A  }
0x23: {  	s9 =	sor.u32 $0xD0000000, s2;
	s6 =	simm.s32 $0x108;
	_ =	swait.ge @!p0 [sflag:s8], $0x0  }
0x24: {  	s3 =	sadd.s32 $0x88, s3;
	s6 =	simm.s32 @!p1 $0x1082;
	[sflag:s4] =	ssyncset.s32 $0xFFFFF086  }
0x25: {  	[simem:s6], [sflag:s4] =	dma.local [hbm:s3], $0xF7A  }
0x26: {  	[smem:$0x3F96] =	sst s1;
	(tag) =	ssettag s2;
	_ =	strace s9  }
0x27: {  	s1 =	sld [smem:$0x3FA6]  }
0x28: {  	s2 =	sld [smem:$0x3FA7]  }
0x29: {  	s4 =	sld [smem:$0x3FA9]  }
0x2a: {  	p0 =	seq.s32 s5, $0x0;
	s5 =	sld [smem:$0x3FAA]  }
0x2b: {  	s6 =	sld [smem:$0x3FAB]  }
0x2c: {  	s7 =	sld [smem:$0x3FAC]  }
0x2d: {  	s3 =	simm.s32 $0x108;
	s8 =	sld [smem:$0x3FAD]  }
0x2e: {  	s3 =	simm.s32 @!p0 $0x1082;
	s9 =	sld [smem:$0x3FAE]  }
0x2f: {  	lr =	sadd.s32 s0, s3;
	s0 =	sld [smem:$0x3FA5]  }
0x30: {  	s3 =	sld [smem:$0x3FA8]  }
0x31: {  	[smem:$0x3FB1] =	sst s10  }
0x32: {  	s10 =	sld [smem:$0x3FAF];
	_ =	sdelay $0x3  }
0x33: {  	p0 =	seq.s32 s10, $0x1;
	s10 =	sld [smem:$0x3FB1];
	_ =	sdelay $0x3  }
0x34: {  	[smem:$0x3FB1] =	sst s10  }
0x35: {  	s10 =	sld [smem:$0x3FB0];
	_ =	sdelay $0x3  }
0x36: {  	p1 =	seq.s32 s10, $0x1;
	s10 =	sld [smem:$0x3FB1];
	_ =	sdelay $0x3  }
0x37: {  	[smem:$0x3FB1] =	sst s10  }
0x38: {  	s10 =	sld [smem:$0x3FB2]  }
0x39: {  	_ = 	snop;
	(pc) =	sbr.ind lr, $3  }
0x3a: {  	_ = 	snop  }
0x3b: {  	_ = 	snop  }
0x3c: {  	p2 =	seq.s32 s10, $0x1;
	s10 =	sld [smem:$0x3FB1]  }
0x3d: {  	_ =	shalt  }
0x3e: {  	_ =	shalt  }
0x3f: {  	_ =	shalt  }
0x40: {  	_ =	shalt  }
0x41: {  	_ =	shalt  }
0x42: {  	_ =	shalt  }
0x43: {  	_ =	shalt  }
0x44: {  	_ =	shalt  }
0x45: {  	_ =	shalt  }
0x46: {  	_ =	shalt  }
0x47: {  	_ =	shalt  }
0x48: {  	_ =	shalt  }
0x49: {  	_ =	shalt  }
0x4a: {  	_ =	shalt  }
0x4b: {  	_ =	shalt  }
0x4c: {  	_ =	shalt  }
0x4d: {  	_ =	shalt  }
0x4e: {  	_ =	shalt  }
0x4f: {  	_ =	shalt  }
0x50: {  	_ =	shalt  }
0x51: {  	_ =	shalt  }
0x52: {  	_ =	shalt  }
0x53: {  	_ =	shalt  }
0x54: {  	_ =	shalt  }
0x55: {  	_ =	shalt  }
0x56: {  	_ =	shalt  }
0x57: {  	_ =	shalt  }
0x58: {  	_ =	shalt  }
0x59: {  	_ =	shalt  }
0x5a: {  	_ =	shalt  }
0x5b: {  	_ =	shalt  }
0x5c: {  	_ =	shalt  }
0x5d: {  	_ =	shalt  }
0x5e: {  	_ =	shalt  }
0x5f: {  	_ =	shalt  }
0x60: {  	_ =	shalt  }
0x61: {  	_ =	shalt  }
0x62: {  	_ =	shalt  }
0x63: {  	_ =	shalt  }
0x64: {  	_ =	shalt  }
0x65: {  	_ =	shalt  }
0x66: {  	_ =	shalt  }
0x67: {  	_ =	shalt  }
0x68: {  	_ =	shalt  }
0x69: {  	_ =	shalt  }
0x6a: {  	_ =	shalt  }
0x6b: {  	_ =	shalt  }
0x6c: {  	_ =	shalt  }
0x6d: {  	_ =	shalt  }
0x6e: {  	_ =	shalt  }
0x6f: {  	_ =	shalt  }
0x70: {  	_ =	shalt  }
0x71: {  	_ =	shalt  }
0x72: {  	_ =	shalt  }
0x73: {  	_ =	shalt  }
0x74: {  	_ =	shalt  }
0x75: {  	_ =	shalt  }
0x76: {  	_ =	shalt  }
0x77: {  	_ =	shalt  }
0x78: {  	_ =	shalt  }
0x79: {  	_ =	shalt  }
0x7a: {  	_ =	shalt  }
0x7b: {  	_ =	shalt  }
0x7c: {  	_ =	shalt  }
0x7d: {  	_ =	shalt  }
0x7e: {  	_ =	shalt  }
0x7f: {  	_ =	shalt  }
0x80: {  	_ =	shalt  }
0x81: {  	_ =	shalt  }
0x82: {  	_ =	shalt  }
0x83: {  	_ =	shalt  }
0x84: {  	_ =	shalt  }
0x85: {  	_ =	shalt  }
0x86: {  	_ =	shalt  }
0x87: {  	_ =	shalt  }
.Lfunc_end0:
.L_simem_size_0:
called_computation.2_lowered:
.L_overlay_start_0:
0x88: {  	s2 =	sld [smem:$0x3FD9]  }
0x89: {  	s3 =	sld [smem:$0x3FFE];
	_ =	sdelay $0x1  }
0x8a: {  	s1 =	srdreg.scid  }
0x8b: {  	s0 =	sand.u32 $0x1, s1  }
0x8c: {  	s16 =	sshll.u32 s0, $0xA;
	s2 =	sadd.s32 s3, s2  }
0x8d: {  	s2 =	sadd.s32 s2, s16  }
0x8e: {  	[smem:$0x3FBD] =	sst s2  }
0x8f: {  	_ = 	snop  }
0x90: {  	(tm) =	ssettm $0x1  }
0x91: {  	s17 =	sld [smem:$0x3FFB];
	_ =	sdelay $0x3  }
0x92: {  	_ =	strace s17  }
0x93: {  	s2 =	sld [smem:$0x3FFC];
	_ =	sdelay $0x3  }
0x94: {  	_ =	strace s2  }
0x95: {  	s2 =	sld [smem:$0x3FFD];
	_ =	sdelay $0x3  }
0x96: {  	_ =	strace s2  }
0x97: {  	_ =	strace $0x8FFFFFFF  }
0x98: {  	s18 =	sld [smem:$0x3FDB];
	_ =	sdelay $0x1  }
0x99: {  	s19 =	simm.s32 $_scs_section_size  }
0x9a: {  	s4 =	simm.s32 $_size__tile_overlayer_lowered;
	s5 =	simm.s32 $_tile_overlayer_lowered  }
0x9b: {  	s22 =	simm.s32 $0x1BFF;
	s21 =	sshll.u32 s5, $0x1;
	s2 =	sadd.s32 s19, s18  }
0x9c: {  	s6 =	simm.s32 $0x0;
	s20 =	sshll.u32 s4, $0x1;
	s4 =	sadd.s32 s21, s2  }
0x9d: {  	[timem:s6], [sflag:s22] =	dma.local [hbm:s4], s20  }
0x9e: {  	_ =	swait.ge [sflag:s22], s20  }
0x9f: {  	s3 =	ssub.s32 $0x0, s20;
	[sflag:s22] =	ssyncset.done $0x0  }
0xa0: {  	[sflag:s22] =	ssyncadd.s32 s3;
	_ =	sdelay $0x1  }
0xa1: {  	s23 =	simm.s32 $0x1B8B  }
0xa2: {  	_ =	swait.ge [sflag:s23], $0x1  }
0xa3: {  	[sflag:s23] =	ssyncset.done $0x0  }
0xa4: {  	s25 =	simm.s32 $0x1B8E;
	s24 =	sld [smem:$0x3FFE];
	[sflag:s23] =	ssyncadd.s32 $0xFFFFFFFF  }
0xa5: {  	s26 =	simm.s32 $execute0_lowered;
	[smem:$0x3FD2] =	sst s25  }
0xa6: {  	s4 =	sshll.u32 s26, $0x1;
	_ =	strace $0x8000004C;
	[dreg:$0x1] =	wrdreg $0xFFFFFFFF  }
0xa7: {  	s28 =	simm.s32 $_size_execute0_lowered;
	s2 =	sadd.s32 s2, s4;
	[dreg:$0x0] =	wrdreg $0x0  }
0xa8: {  	s4 =	sshll.u32 s28, $0x1;
	[dreg:$0x2] =	wrdreg s2  }
0xa9: {  	[dreg:$0x3] =	wrdreg s4  }
0xaa: {  	[dreg:$0x4] =	wrdreg $0xC0  }
0xab: {  	_ =	task [dreg:s6], $0x5FFFF  }
0xac: {  	[dreg:$0x1] =	wrdreg $0xFFFFFFFF  }
0xad: {  	[dreg:$0x0] =	wrdreg $0x60  }
0xae: {  	[dreg:$0x2] =	wrdreg s24  }
0xaf: {  	[dreg:$0x3] =	wrdreg $0x69800  }
0xb0: {  	[dreg:$0x4] =	wrdreg $0x9  }
0xb1: {  	_ =	task.clear_ibuf [dreg:s6], $0x5FFFF;
	_ =	strace $0x9000004C  }
0xb2: {  	s29 =	simm.s32 $0x9;
	_ =	strace $0x8000004E  }
0xb3: {  	_ =	swait.ge [sflag:s29], $0x1  }
0xb4: {  	[sflag:s29] =	ssyncadd.s32 $0xFFFFFFFF  }
0xb5: {  	_ =	strace $0x9000004E  }
0xb6: {  	_ =	sfence  }
0xb7: {  	s30 =	sld [smem:$0x0];
	_ =	sdelay $0x2  }
0xb8: {  	s31 =	sshll.u32 s1, $0xD;
	s1 =	sshrl.u32 s1, $0x2  }
0xb9: {  	s3 =	sand.u32 $0x4000, s31;
	s1 =	sadd.s32 s1, s30  }
0xba: {  	s0 =	sor.u32 s3, s0;
	s1 =	sshll.u32 s1, $0x11  }
0xbb: {  	s0 =	sor.u32 s1, s0  }
0xbc: {  	s0 =	sadd.s32 $0x8F2B, s0  }
0xbd: {  	[sflag:s0] =	ssyncadd.remote.s32 $0x1  }
0xbe: {  	_ =	sfence.sel $0xFFFF  }
0xbf: {  	[dreg:$0x0] =	wrdreg $0xFFFFFFFF;
	(pc) =	sbr.abs _section_cstart, $3  }
0xc0: {  	[dreg:$0x1] =	wrdreg $0xFFFFFFFF  }
0xc1: {  	_ =	task.clear_ibuf [dreg:s6], $0x2FFFF;
	_ =	strace $0x9FFFFFFF  }
0xc2: {  	(tm) =	ssettm $0x7FFFFFFF  }
0xc3: {  	_ =	shalt  }
tec
execute0_lowered:
.L_overlay_start_1:
0x0: {  	(tag) =	ssettag $0x1  }
0x1: {  	s0 =	rddreg [dreg:$0x0]  }
0x2: {  	s1 =	rddreg [dreg:$0x1];
	s2 =	simm.s32 $0x0;
	s3 =	srdreg.scid  }
0x3: {  	s11 =	stileid.u32;
	s21 =	simm.s32 $0x2;
	s22 =	simm.s32 $0x80  }
0x4: {  	s23 =	simm.s32 $0x100;
	s24 =	simm.s32 $0x50;
	s25 =	simm.s32 $0x180  }
0x5: {  	s26 =	simm.s32 $0x1;
	s28 =	simm.s32 $0x0;
	s29 =	simm.s32 $0x0  }
0x6: {  	[smem:$0x7FF] =	sst s2;
	s4 =	sadd.s32 $0x2A0E00, s0;
	s5 =	sadd.s32 $0x1C200, s0  }
0x7: {  	s6 =	sadd.s32 $0x26000, s0;
	s3 =	sand.u32 $0x1, s3;
	s9 =	smul.u32 $0x50000, s11  }
0x8: {  	s7 =	sadd.s32 $0xD400, s0;
	s0 =	sadd.s32 $0x2FE00, s0;
	s12 =	smul.u32 $0x14000, s11  }
0x9: {  	_ =	strace $0x8000004D;
	s8 =	ssub.s32 $0x2, s3;
	s30 =	sshll.u32 s3, $0x4  }
0xa: {  	s3 =	smul.u32 $0x140000, s3;
	s10 =	sshrl.u32 s8, $0x1;
	s9 =	sshrl.u32 s9, $0x2  }
0xb: {  	s13 =	sor.u32 s11, s30;
	s14 =	sadd.s32 $0x4000, s12;
	s16 =	sadd.s32 $0x8000, s12  }
0xc: {  	s17 =	sadd.s32 $0xC000, s12;
	s18 =	sadd.s32 $0x10000, s12;
	s19 =	ssub.s32 s8, s10  }
0xd: {  	s8 =	sadd.s32 s9, s1;
	s9 =	sadd.s32 s14, s1;
	s10 =	sadd.s32 s16, s1  }
0xe: {  	s11 =	sadd.s32 s17, s1;
	s15 =	sadd.s32 s12, s3;
	s14 =	sadd.s32 s3, s14  }
0xf: {  	s12 =	sadd.s32 s18, s1;
	s13 =	smul.u32 $0x2710, s13;
	s16 =	sadd.s32 s3, s16  }
0x10: {  	s17 =	sadd.s32 s3, s17;
	s3 =	sadd.s32 s3, s18;
	s15 =	sshrl.u32 s15, $0x3  }
0x11: {  	s20 =	sshrl.u32 s14, $0x3;
	s16 =	sshrl.u32 s16, $0x3;
	s17 =	sshrl.u32 s17, $0x3  }
0x12: {  	s3 =	sshrl.u32 s3, $0x3;
	s19 =	smax.u32 s19, $0x1;
	s31 =	sadd.s32 s0, s15  }
0x13: {  	s15 =	sadd.s32 s0, s20;
	s16 =	sadd.s32 s0, s16;
	s17 =	sadd.s32 s0, s17  }
0x14: {  	v0 =	vimm.f32 $0.0e+00;
	s18 =	sadd.s32 s0, s3;
	s20 =	simm.s32 $0x2980;
	[dreg:$0x3] =	wrdreg s31  }
.LBB2_1:
0x15: {  	s0 =	simm.s32 $0x0;
	s3 =	simm.s32 $0x200  }
.LBB2_2:
0x16: {  	p0 =	sne.s32 s3, $0xFE00;
	[tilespmem:s0+$0x29F0] =	vst v0  }
0x17: {  	[tilespmem:s0+$0x2980] =	vst v0  }
0x18: {  	[tilespmem:s0+$0x2990] =	vst v0  }
.Ltmp0:
0x19: {  	[tilespmem:s0+$0x29A0] =	vst v0;
	(pc) =	sbr.rel @p0 .LBB2_2-.Ltmp0, $4  }
0x1a: {  	[tilespmem:s0+$0x29B0] =	vst v0  }
0x1b: {  	[tilespmem:s0+$0x29C0] =	vst v0  }
0x1c: {  	[tilespmem:s0+$0x29D0] =	vst v0  }
0x1d: {  	[tilespmem:s0+$0x29E0] =	vst v0;
	s0 =	sshra.s32 s3, $0x2;
	s3 =	sadd.s32 $0x200, s3  }
0x1e: {  	[tilespmem:s0+$0x29F0] =	vst v0  }
0x1f: {  	[tilespmem:s0+$0x2980] =	vst v0  }
0x20: {  	[tilespmem:s0+$0x2990] =	vst v0  }
0x21: {  	[tilespmem:s0+$0x29A0] =	vst v0  }
0x22: {  	[tilespmem:s0+$0x29B0] =	vst v0  }
0x23: {  	[tilespmem:s0+$0x29C0] =	vst v0  }
0x24: {  	[tilespmem:s0+$0x29D0] =	vst v0  }
0x25: {  	[tilespmem:s0+$0x29E0] =	vst v0  }
0x26: {  	[spmem:s8] =	stream.linear.scatter [tilespmem:s20], [sflag:$0x2], $0x4000, $0x38;
	[tilespmem:$0x1A980] =	vst v63  }
0x27: {  	_ =	swait.ge [sflag:s21], $0x4000  }
0x28: {  	[sflag:s21] =	ssyncset.done $0x0  }
0x29: {  	[sflag:s21] =	ssyncadd.s32 $0xFFFFC000  }
0x2a: {  	[spmem:s9] =	stream.linear.scatter [tilespmem:s20], [sflag:$0x2], $0x4000, $0x38;
	[tilespmem:$0x1A980] =	vst v63  }
0x2b: {  	_ =	swait.ge [sflag:s21], $0x4000  }
0x2c: {  	[sflag:s21] =	ssyncset.done $0x0  }
0x2d: {  	[sflag:s21] =	ssyncadd.s32 $0xFFFFC000  }
0x2e: {  	[spmem:s10] =	stream.linear.scatter [tilespmem:s20], [sflag:$0x2], $0x4000, $0x38;
	[tilespmem:$0x1A980] =	vst v63  }
0x2f: {  	_ =	swait.ge [sflag:s21], $0x4000  }
0x30: {  	[sflag:s21] =	ssyncset.done $0x0  }
0x31: {  	[sflag:s21] =	ssyncadd.s32 $0xFFFFC000  }
0x32: {  	[spmem:s11] =	stream.linear.scatter [tilespmem:s20], [sflag:$0x2], $0x4000, $0x38;
	[tilespmem:$0x1A980] =	vst v63  }
0x33: {  	_ =	swait.ge [sflag:s21], $0x4000  }
0x34: {  	[sflag:s21] =	ssyncset.done $0x0  }
0x35: {  	[sflag:s21] =	ssyncadd.s32 $0xFFFFC000  }
0x36: {  	[spmem:s12] =	stream.linear.scatter [tilespmem:s20], [sflag:$0x2], $0x4000, $0x38;
	[tilespmem:$0x1A980] =	vst v63  }
0x37: {  	_ =	swait.ge [sflag:s21], $0x4000  }
0x38: {  	[sflag:s21] =	ssyncset.done $0x0  }
0x39: {  	[sflag:s21] =	ssyncadd.s32 $0xFFFFC000  }
0x3a: {  	s30 =	simm.s32 $0x0;
	[bflag:$0x0] =	sbarrier.arrive $0xFFFF  }
.LBB2_4:
0x3b: {  	s0 =	smul.u32 $0x50, s30;
	_ =	sdelay $0x1  }
0x3c: {  	s0 =	sadd.s32 s13, s0  }
0x3d: {  	s0 =	sshrl.u32 s0, $0x3  }
0x3e: {  	s3 =	sadd.s32 s5, s0  }
0x3f: {  	[tilespmem:s29], [sflag:$0x2] =	stream.linear.gather [hbm4b:s3+s29], $0x50, $0x38;
	[tilespmem:$0x1A980] =	vst v63  }
0x40: {  	_ =	swait.ge [sflag:s21], $0x50  }
0x41: {  	[sflag:s21] =	ssyncset.done $0x0  }
0x42: {  	s14 =	sadd.s32 s7, s0;
	[sflag:s21] =	ssyncadd.s32 $0xFFFFFFB0  }
0x43: {  	[tilespmem:s22], [sflag:$0x2] =	stream.linear.gather [hbm4b:s14+s29], $0x50, $0x38;
	[tilespmem:$0x1A980] =	vst v63  }
0x44: {  	_ =	swait.ge [sflag:s21], $0x50  }
0x45: {  	[sflag:s21] =	ssyncset.done $0x0  }
0x46: {  	s0 =	sadd.s32 s6, s0;
	[sflag:s21] =	ssyncadd.s32 $0xFFFFFFB0  }
0x47: {  	[tilespmem:s23], [sflag:$0x2] =	stream.linear.gather [hbm4b:s0+s29], $0x50, $0x38;
	[tilespmem:$0x1A980] =	vst v63  }
0x48: {  	_ =	swait.ge [sflag:s21], $0x50  }
0x49: {  	[sflag:s21] =	ssyncset.done $0x0  }
0x4a: {  	[sflag:s21] =	ssyncadd.s32 $0xFFFFFFB0  }
0x4b: {  	[tilespmem:s25], [sflag:$0x1] =	stream.indirect.gather [hbm4b:s4+s24], $0x80, s29, s24, $0xb8;
	[tilespmem:$0x1A980] =	vst v63  }
0x4c: {  	_ =	swait.ge [sflag:s26], $0x2800  }
0x4d: {  	[sflag:s26] =	ssyncset.done $0x0  }
0x4e: {  	s31 =	simm.s32 $0x1C0;
	[sflag:s26] =	ssyncadd.s32 $0xFFFFD800  }
0x4f: {  	v5 =	vld [tilespmem:s31+$0x30]  }
0x50: {  	v8 =	vld [tilespmem:s31+$0x10]  }
0x51: {  	s14 =	simm.s32 $0x0;
	v6 =	vld [tilespmem:s31+$0xFFFFFFC0]  }
0x52: {  	v2 =	vld.msk [tilespmem:s14+$0x100 ss:$0x0], $0xffff  }
0x53: {  	v10 =	vld [tilespmem:s31+$0xFFFFFFE0]  }
0x54: {  	v1 =	vld [tilespmem:s31+$0xFFFFFFF0]  }
0x55: {  	v3 =	vld [tilespmem:s31+$0x20]  }
0x56: {  	v4 =	vld [tilespmem:s31+$0xFFFFFFD0]  }
0x57: {  	v9 =	vmul.f32 v5, v2;
	v5 =	vld [tilespmem:s31+$0x0]  }
0x58: {  	v7 =	vmul.f32 v2, v6  }
0x59: {  	s3 =	simm.s32 $0x1C0;
	s0 =	simm.s32 $0x4;
	v6 =	vmul.f32 v10, v2;
	v8 =	vmul.f32 v8, v2  }
.LBB2_5:
0x5a: {  	p0 =	sne.s32 s0, $0x13C  }
0x5b: {  	v4 =	vmul.f32 v4, v2;
	v3 =	vmul.f32 v3, v2;
	[tilespmem:s31+$0x30] =	vst v9;
	s3 =	sadd.s32 $0x80, s3;
	s14 =	smov.u32 s0;
	s0 =	sadd.s32 $0x4, s0  }
0x5c: {  	[tilespmem:s31+$0xFFFFFFC0] =	vst v7;
	v7 =	vmul.f32 v1, v2;
	v2 =	vmul.f32 v5, v2  }
0x5d: {  	[tilespmem:s31+$0x10] =	vst v8  }
0x5e: {  	[tilespmem:s31+$0xFFFFFFE0] =	vst v6  }
0x5f: {  	v1 =	vld [tilespmem:s3+$0xFFFFFFF0];
	[tilespmem:s31+$0xFFFFFFF0] =	vst v7  }
0x60: {  	v6 =	vld [tilespmem:s3+$0x30];
	[tilespmem:s31+$0x0] =	vst v2  }
0x61: {  	v8 =	vld [tilespmem:s3+$0x10];
	[tilespmem:s31+$0x20] =	vst v3  }
0x62: {  	s14 =	sshra.s32 s14, $0x2;
	v7 =	vld [tilespmem:s3+$0xFFFFFFC0];
	[tilespmem:s31+$0xFFFFFFD0] =	vst v4;
	s31 =	smov.u32 s3  }
0x63: {  	v2 =	vld.msk [tilespmem:s14+$0x100 ss:$0x0], $0xffff  }
0x64: {  	v10 =	vld [tilespmem:s3+$0xFFFFFFE0]  }
0x65: {  	v3 =	vld [tilespmem:s3+$0x20]  }
.Ltmp1:
0x66: {  	v4 =	vld [tilespmem:s3+$0xFFFFFFD0];
	(pc) =	sbr.rel @p0 .LBB2_5-.Ltmp1, $3  }
0x67: {  	v5 =	vld [tilespmem:s3+$0x0];
	_ =	sdelay $0x1  }
0x68: {  	v7 =	vmul.f32 v2, v7;
	v9 =	vmul.f32 v6, v2  }
0x69: {  	v8 =	vmul.f32 v8, v2;
	v6 =	vmul.f32 v10, v2  }
0x6a: {  	[tilespmem:s31+$0x30] =	vst v9  }
0x6b: {  	[tilespmem:s31+$0xFFFFFFC0] =	vst v7  }
0x6c: {  	v1 =	vmul.f32 v1, v2;
	[tilespmem:s31+$0x10] =	vst v8  }
0x6d: {  	v3 =	vmul.f32 v3, v2;
	[tilespmem:s31+$0xFFFFFFE0] =	vst v6  }
0x6e: {  	v5 =	vmul.f32 v5, v2;
	[tilespmem:s31+$0xFFFFFFF0] =	vst v1  }
0x6f: {  	s30 =	sadd.s32 $0x1, s30;
	v1 =	vmul.f32 v4, v2;
	[tilespmem:s31+$0x20] =	vst v3  }
0x70: {  	p0 =	sne.s32 s30, $0x7D;
	[tilespmem:s31+$0x0] =	vst v5  }
.Ltmp2:
0x71: {  	[tilespmem:s31+$0xFFFFFFD0] =	vst v1;
	(pc) =	sbr.rel @p0 .LBB2_4-.Ltmp2, $4  }
0x72: {  	[spmem:s1] =	stream.indirect.scatter.add.f32 [tilespmem:s25], [sflag:$0x2], $0x80, s22, s24, $0xb8;
	[tilespmem:$0x1A980] =	vst v63  }
0x73: {  	_ =	swait.ge [sflag:s21], $0x2800  }
0x74: {  	[sflag:s21] =	ssyncset.done $0x0  }
0x75: {  	[sflag:s21] =	ssyncadd.s32 $0xFFFFD800  }
0x76: {  	[bflag:$0x0] =	sbarrier.arrive $0xFFFF  }
0x77: {  	[tilespmem:s20], [sflag:$0x2] =	stream.linear.gather [spmem:s8], $0x4000, $0x38;
	[tilespmem:$0x1A980] =	vst v63  }
0x78: {  	_ =	swait.ge [sflag:s21], $0x4000  }
0x79: {  	[sflag:s21] =	ssyncset.done $0x0  }
0x7a: {  	s0 =	rddreg [dreg:$0x3];
	[sflag:s21] =	ssyncadd.s32 $0xFFFFC000  }
0x7b: {  	[hbm4b:s0+s2] =	stream.linear.scatter [tilespmem:s20], [sflag:$0x2], $0x4000, $0x38;
	[tilespmem:$0x1A980] =	vst v63  }
0x7c: {  	_ =	swait.ge [sflag:s21], $0x4000  }
0x7d: {  	[sflag:s21] =	ssyncset.done $0x0  }
0x7e: {  	[sflag:s21] =	ssyncadd.s32 $0xFFFFC000  }
0x7f: {  	[tilespmem:s20], [sflag:$0x2] =	stream.linear.gather [spmem:s9], $0x4000, $0x38;
	[tilespmem:$0x1A980] =	vst v63  }
0x80: {  	_ =	swait.ge [sflag:s21], $0x4000  }
0x81: {  	[sflag:s21] =	ssyncset.done $0x0  }
0x82: {  	[sflag:s21] =	ssyncadd.s32 $0xFFFFC000  }
0x83: {  	[hbm4b:s15+s2] =	stream.linear.scatter [tilespmem:s20], [sflag:$0x2], $0x4000, $0x38;
	[tilespmem:$0x1A980] =	vst v63  }
0x84: {  	_ =	swait.ge [sflag:s21], $0x4000  }
0x85: {  	[sflag:s21] =	ssyncset.done $0x0  }
0x86: {  	[sflag:s21] =	ssyncadd.s32 $0xFFFFC000  }
0x87: {  	[tilespmem:s20], [sflag:$0x2] =	stream.linear.gather [spmem:s10], $0x4000, $0x38;
	[tilespmem:$0x1A980] =	vst v63  }
0x88: {  	_ =	swait.ge [sflag:s21], $0x4000  }
0x89: {  	[sflag:s21] =	ssyncset.done $0x0  }
0x8a: {  	[sflag:s21] =	ssyncadd.s32 $0xFFFFC000  }
0x8b: {  	[hbm4b:s16+s2] =	stream.linear.scatter [tilespmem:s20], [sflag:$0x2], $0x4000, $0x38;
	[tilespmem:$0x1A980] =	vst v63  }
0x8c: {  	_ =	swait.ge [sflag:s21], $0x4000  }
0x8d: {  	[sflag:s21] =	ssyncset.done $0x0  }
0x8e: {  	[sflag:s21] =	ssyncadd.s32 $0xFFFFC000  }
0x8f: {  	[tilespmem:s20], [sflag:$0x2] =	stream.linear.gather [spmem:s11], $0x4000, $0x38;
	[tilespmem:$0x1A980] =	vst v63  }
0x90: {  	_ =	swait.ge [sflag:s21], $0x4000  }
0x91: {  	[sflag:s21] =	ssyncset.done $0x0  }
0x92: {  	[sflag:s21] =	ssyncadd.s32 $0xFFFFC000  }
0x93: {  	[hbm4b:s17+s2] =	stream.linear.scatter [tilespmem:s20], [sflag:$0x2], $0x4000, $0x38;
	[tilespmem:$0x1A980] =	vst v63  }
0x94: {  	_ =	swait.ge [sflag:s21], $0x4000  }
0x95: {  	[sflag:s21] =	ssyncset.done $0x0  }
0x96: {  	[sflag:s21] =	ssyncadd.s32 $0xFFFFC000  }
0x97: {  	[tilespmem:s20], [sflag:$0x2] =	stream.linear.gather [spmem:s12], $0x4000, $0x38;
	[tilespmem:$0x1A980] =	vst v63  }
0x98: {  	s28 =	sadd.s32 $0x1, s28;
	_ =	swait.ge [sflag:s21], $0x4000  }
0x99: {  	p0 =	sne.s32 s28, s19;
	[sflag:s21] =	ssyncset.done $0x0  }
.Ltmp3:
0x9a: {  	[sflag:s21] =	ssyncadd.s32 $0xFFFFC000;
	(pc) =	sbr.rel @p0 .LBB2_1-.Ltmp3, $4  }
0x9b: {  	[hbm4b:s18+s2] =	stream.linear.scatter [tilespmem:s20], [sflag:$0x2], $0x4000, $0x38;
	[tilespmem:$0x1A980] =	vst v63  }
0x9c: {  	_ =	swait.ge [sflag:s21], $0x4000  }
0x9d: {  	[sflag:s21] =	ssyncset.done $0x0  }
0x9e: {  	[sflag:s21] =	ssyncadd.s32 $0xFFFFC000  }
0x9f: {  	_ =	sfence.sel $0x180000  }
0xa0: {  	[bflag:$0x0] =	sbarrier.arrive $0xFFFF  }
0xa1: {  	_ =	strace $0x9000004D  }
0xa2: {  	s0 =	stileid.u32;
	[bflag:$0x2] =	sbarrier.arrive $0xFFFF  }
0xa3: {  	p0 =	sne.s32 s0, $0x0;
	s0 =	rddreg [dreg:$0x2]  }
0xa4: {  	s0 =	sadd.s32 @!p0 $0x100000, s0  }
0xa5: {  	[sflag:s0] =	ssyncadd.tile.s32 @!p0 $0x1;
	_ =	shalt  }
.Lfunc_end2:
_tile_overlayer_lowered:
.L_overlay_start_2:
0xa6: {  	(tag) =	ssettag $0x2  }
0xa7: {  	s0 =	rddreg [dreg:$0x0];
	s2 =	stileid.u32  }
0xa8: {  	s1 =	rddreg [dreg:$0x1];
	p0 =	sne.s32 s2, $0x0  }
0xa9: {  	s3 =	rddreg [dreg:$0x2];
	[bflag:$0x3] =	sbarrier.arrive $0xFFFF;
	s2 =	simm.s32 @!p0 $0x1C02  }
0xaa: {  	[timem:s3], [sflag:s2] =	dma.local @!p0 [hbm:s0], s1  }
0xab: {  	s0 =	simm.s32 @!p0 $0x2  }
0xac: {  	_ =	swait.ge @!p0 [sflag:s0], s1  }
0xad: {  	s1 =	ssub.s32 @!p0 $0x0, s1;
	[sflag:s0] =	ssyncset.done @!p0 $0x0  }
0xae: {  	[sflag:s0] =	ssyncadd.s32 @!p0 s1  }
0xaf: {  	[bflag:$0x3] =	sbarrier.arrive $0xFFFF  }
0xb0: {  	_ =	shalt  }

// kernel: kernel.20.cloned.1.call-start
scs
__scs_entry_jumppad:
0x0: {  	(pc) =	sbr.rel $0x88, $3  }
0x1: {  	(tag) =	ssettag $0x0;
	lr =	simm.s32 $0x1  }
0x2: {  	[smem:$0x3F96] =	sst lr;
	_ =	strace $0xD0000000  }
0x3: {  	_ = 	snop  }
0x4: {  	_ = 	snop  }
0x5: {  	_ = 	snop  }
0x6: {  	_ = 	snop  }
0x7: {  	_ = 	snop  }
__scs_overlays_trampoline_lowered:
0x8: {  	[smem:$0x3FA5] =	sst s0  }
0x9: {  	[smem:$0x3FA6] =	sst s1  }
0xa: {  	[smem:$0x3FA7] =	sst s2  }
0xb: {  	[smem:$0x3FA8] =	sst s3  }
0xc: {  	[smem:$0x3FA9] =	sst s4  }
0xd: {  	[smem:$0x3FAA] =	sst s5  }
0xe: {  	[smem:$0x3FAB] =	sst s6  }
0xf: {  	[smem:$0x3FAC] =	sst s7  }
0x10: {  	[smem:$0x3FAD] =	sst s8  }
0x11: {  	[smem:$0x3FAE] =	sst s9;
	s0 =	simm.s32 @!p0 $0x0  }
0x12: {  	s1 =	sld [smem:$0x3F94];
	s0 =	simm.s32 @p0 $0x1  }
0x13: {  	[smem:$0x3FAF] =	sst s0;
	s0 =	simm.s32 @!p1 $0x0  }
0x14: {  	s2 =	sld [smem:$0x3F93];
	s0 =	simm.s32 @p1 $0x1  }
0x15: {  	[smem:$0x3FB0] =	sst s0;
	s0 =	simm.s32 @!p2 $0x0  }
0x16: {  	s3 =	sld [smem:$0x3FDB];
	s0 =	simm.s32 @p2 $0x1  }
0x17: {  	s4 =	simm.s32 $0x1BF5;
	[smem:$0x3FB2] =	sst s0  }
0x18: {  	s0 =	sld [smem:$0x3F95];
	_ =	swait.ge [sflag:s4], $0x0  }
0x19: {  	s7 =	sld [smem:$0x3F96]  }
0x1a: {  	s8 =	sadd.s32 $0xFFFFE003, lr  }
0x1b: {  	s9 =	sadd.s32 $0xFFFFFEF7, lr;
	s5 =	simm.s32 $0xFFFFFFFF;
	p2 =	slt.u32 s8, $0xFFFFF086  }
0x1c: {  	p1 =	slt.u32 s9, $0xF7A;
	s5 =	simm.s32 @!p2 $0x0  }
0x1d: {  	s5 =	simm.s32 @p1 $0x1;
	p0 =	seq.s32 s7, s2  }
0x1e: {  	s7 =	smul.u32 @!p0 $0xF7A, s2;
	p2 =	seq.s32 @!p0 s5, $0x0  }
0x1f: {  	s9 =	smul.u32 $0xF7A, s1;
	s8 =	simm.s32 @!p0 $0x1BF5;
	p2 =	por !p2, p0  }
0x20: {  	[sflag:s8] =	ssyncset.s32 @!p0 $0xFFFFF086;
	s6 =	sadd.s32 @!p0 s3, s7;
	s7 =	simm.s32 @!p0 $0x108  }
0x21: {  	s3 =	sadd.s32 s3, s9;
	s6 =	sadd.s32 @!p0 $0x88, s6;
	s7 =	simm.s32 @p2 $0x1082  }
0x22: {  	[simem:s7], [sflag:s8] =	dma.local @!p0 [hbm:s6], $0xF7A  }
0x23: {  	s9 =	sor.u32 $0xD0000000, s2;
	s6 =	simm.s32 $0x108;
	_ =	swait.ge @!p0 [sflag:s8], $0x0  }
0x24: {  	s3 =	sadd.s32 $0x88, s3;
	s6 =	simm.s32 @!p1 $0x1082;
	[sflag:s4] =	ssyncset.s32 $0xFFFFF086  }
0x25: {  	[simem:s6], [sflag:s4] =	dma.local [hbm:s3], $0xF7A  }
0x26: {  	[smem:$0x3F96] =	sst s1;
	(tag) =	ssettag s2;
	_ =	strace s9  }
0x27: {  	s1 =	sld [smem:$0x3FA6]  }
0x28: {  	s2 =	sld [smem:$0x3FA7]  }
0x29: {  	s4 =	sld [smem:$0x3FA9]  }
0x2a: {  	p0 =	seq.s32 s5, $0x0;
	s5 =	sld [smem:$0x3FAA]  }
0x2b: {  	s6 =	sld [smem:$0x3FAB]  }
0x2c: {  	s7 =	sld [smem:$0x3FAC]  }
0x2d: {  	s3 =	simm.s32 $0x108;
	s8 =	sld [smem:$0x3FAD]  }
0x2e: {  	s3 =	simm.s32 @!p0 $0x1082;
	s9 =	sld [smem:$0x3FAE]  }
0x2f: {  	lr =	sadd.s32 s0, s3;
	s0 =	sld [smem:$0x3FA5]  }
0x30: {  	s3 =	sld [smem:$0x3FA8]  }
0x31: {  	[smem:$0x3FB1] =	sst s10  }
0x32: {  	s10 =	sld [smem:$0x3FAF];
	_ =	sdelay $0x3  }
0x33: {  	p0 =	seq.s32 s10, $0x1;
	s10 =	sld [smem:$0x3FB1];
	_ =	sdelay $0x3  }
0x34: {  	[smem:$0x3FB1] =	sst s10  }
0x35: {  	s10 =	sld [smem:$0x3FB0];
	_ =	sdelay $0x3  }
0x36: {  	p1 =	seq.s32 s10, $0x1;
	s10 =	sld [smem:$0x3FB1];
	_ =	sdelay $0x3  }
0x37: {  	[smem:$0x3FB1] =	sst s10  }
0x38: {  	s10 =	sld [smem:$0x3FB2]  }
0x39: {  	_ = 	snop;
	(pc) =	sbr.ind lr, $3  }
0x3a: {  	_ = 	snop  }
0x3b: {  	_ = 	snop  }
0x3c: {  	p2 =	seq.s32 s10, $0x1;
	s10 =	sld [smem:$0x3FB1]  }
0x3d: {  	_ =	shalt  }
0x3e: {  	_ =	shalt  }
0x3f: {  	_ =	shalt  }
0x40: {  	_ =	shalt  }
0x41: {  	_ =	shalt  }
0x42: {  	_ =	shalt  }
0x43: {  	_ =	shalt  }
0x44: {  	_ =	shalt  }
0x45: {  	_ =	shalt  }
0x46: {  	_ =	shalt  }
0x47: {  	_ =	shalt  }
0x48: {  	_ =	shalt  }
0x49: {  	_ =	shalt  }
0x4a: {  	_ =	shalt  }
0x4b: {  	_ =	shalt  }
0x4c: {  	_ =	shalt  }
0x4d: {  	_ =	shalt  }
0x4e: {  	_ =	shalt  }
0x4f: {  	_ =	shalt  }
0x50: {  	_ =	shalt  }
0x51: {  	_ =	shalt  }
0x52: {  	_ =	shalt  }
0x53: {  	_ =	shalt  }
0x54: {  	_ =	shalt  }
0x55: {  	_ =	shalt  }
0x56: {  	_ =	shalt  }
0x57: {  	_ =	shalt  }
0x58: {  	_ =	shalt  }
0x59: {  	_ =	shalt  }
0x5a: {  	_ =	shalt  }
0x5b: {  	_ =	shalt  }
0x5c: {  	_ =	shalt  }
0x5d: {  	_ =	shalt  }
0x5e: {  	_ =	shalt  }
0x5f: {  	_ =	shalt  }
0x60: {  	_ =	shalt  }
0x61: {  	_ =	shalt  }
0x62: {  	_ =	shalt  }
0x63: {  	_ =	shalt  }
0x64: {  	_ =	shalt  }
0x65: {  	_ =	shalt  }
0x66: {  	_ =	shalt  }
0x67: {  	_ =	shalt  }
0x68: {  	_ =	shalt  }
0x69: {  	_ =	shalt  }
0x6a: {  	_ =	shalt  }
0x6b: {  	_ =	shalt  }
0x6c: {  	_ =	shalt  }
0x6d: {  	_ =	shalt  }
0x6e: {  	_ =	shalt  }
0x6f: {  	_ =	shalt  }
0x70: {  	_ =	shalt  }
0x71: {  	_ =	shalt  }
0x72: {  	_ =	shalt  }
0x73: {  	_ =	shalt  }
0x74: {  	_ =	shalt  }
0x75: {  	_ =	shalt  }
0x76: {  	_ =	shalt  }
0x77: {  	_ =	shalt  }
0x78: {  	_ =	shalt  }
0x79: {  	_ =	shalt  }
0x7a: {  	_ =	shalt  }
0x7b: {  	_ =	shalt  }
0x7c: {  	_ =	shalt  }
0x7d: {  	_ =	shalt  }
0x7e: {  	_ =	shalt  }
0x7f: {  	_ =	shalt  }
0x80: {  	_ =	shalt  }
0x81: {  	_ =	shalt  }
0x82: {  	_ =	shalt  }
0x83: {  	_ =	shalt  }
0x84: {  	_ =	shalt  }
0x85: {  	_ =	shalt  }
0x86: {  	_ =	shalt  }
0x87: {  	_ =	shalt  }
.Lfunc_end0:
.L_simem_size_0:
called_computation.3_lowered:
.L_overlay_start_0:
0x88: {  	s2 =	sld [smem:$0x3FD9]  }
0x89: {  	s3 =	sld [smem:$0x3FFE];
	_ =	sdelay $0x1  }
0x8a: {  	s1 =	srdreg.scid  }
0x8b: {  	s0 =	sand.u32 $0x1, s1  }
0x8c: {  	s16 =	sshll.u32 s0, $0xA;
	s2 =	sadd.s32 s3, s2  }
0x8d: {  	s2 =	sadd.s32 s2, s16  }
0x8e: {  	[smem:$0x3FBD] =	sst s2  }
0x8f: {  	_ = 	snop  }
0x90: {  	(tm) =	ssettm $0x1  }
0x91: {  	s17 =	sld [smem:$0x3FFB];
	_ =	sdelay $0x3  }
0x92: {  	_ =	strace s17  }
0x93: {  	s2 =	sld [smem:$0x3FFC];
	_ =	sdelay $0x3  }
0x94: {  	_ =	strace s2  }
0x95: {  	s2 =	sld [smem:$0x3FFD];
	_ =	sdelay $0x3  }
0x96: {  	_ =	strace s2  }
0x97: {  	_ =	strace $0x8FFFFFFF  }
0x98: {  	s18 =	sld [smem:$0x3FDB];
	_ =	sdelay $0x1  }
0x99: {  	s19 =	simm.s32 $_scs_section_size  }
0x9a: {  	s4 =	simm.s32 $_size__tile_overlayer_lowered;
	s5 =	simm.s32 $_tile_overlayer_lowered  }
0x9b: {  	s22 =	simm.s32 $0x1BFF;
	s21 =	sshll.u32 s5, $0x1;
	s2 =	sadd.s32 s19, s18  }
0x9c: {  	s6 =	simm.s32 $0x0;
	s20 =	sshll.u32 s4, $0x1;
	s4 =	sadd.s32 s21, s2  }
0x9d: {  	[timem:s6], [sflag:s22] =	dma.local [hbm:s4], s20  }
0x9e: {  	_ =	swait.ge [sflag:s22], s20  }
0x9f: {  	s3 =	ssub.s32 $0x0, s20;
	[sflag:s22] =	ssyncset.done $0x0  }
0xa0: {  	[sflag:s22] =	ssyncadd.s32 s3;
	_ =	sdelay $0x1  }
0xa1: {  	s23 =	simm.s32 $0x1B8B  }
0xa2: {  	_ =	swait.ge [sflag:s23], $0x1  }
0xa3: {  	[sflag:s23] =	ssyncset.done $0x0  }
0xa4: {  	s25 =	simm.s32 $0x1B8E;
	s24 =	sld [smem:$0x3FFE];
	[sflag:s23] =	ssyncadd.s32 $0xFFFFFFFF  }
0xa5: {  	s26 =	simm.s32 $execute0_lowered;
	[smem:$0x3FD2] =	sst s25  }
0xa6: {  	s4 =	sshll.u32 s26, $0x1;
	_ =	strace $0x8000004F;
	[dreg:$0x1] =	wrdreg $0xFFFFFFFF  }
0xa7: {  	s28 =	simm.s32 $_size_execute0_lowered;
	s2 =	sadd.s32 s2, s4;
	[dreg:$0x0] =	wrdreg $0x0  }
0xa8: {  	s4 =	sshll.u32 s28, $0x1;
	[dreg:$0x2] =	wrdreg s2  }
0xa9: {  	[dreg:$0x3] =	wrdreg s4  }
0xaa: {  	[dreg:$0x4] =	wrdreg $0xC0  }
0xab: {  	_ =	task [dreg:s6], $0x5FFFF  }
0xac: {  	[dreg:$0x1] =	wrdreg $0xFFFFFFFF  }
0xad: {  	[dreg:$0x0] =	wrdreg $0x60  }
0xae: {  	[dreg:$0x2] =	wrdreg s24  }
0xaf: {  	[dreg:$0x3] =	wrdreg $0x69800  }
0xb0: {  	[dreg:$0x4] =	wrdreg $0x9  }
0xb1: {  	_ =	task.clear_ibuf [dreg:s6], $0x5FFFF;
	_ =	strace $0x9000004F  }
0xb2: {  	s29 =	simm.s32 $0x9;
	_ =	strace $0x80000051  }
0xb3: {  	_ =	swait.ge [sflag:s29], $0x1  }
0xb4: {  	[sflag:s29] =	ssyncadd.s32 $0xFFFFFFFF  }
0xb5: {  	_ =	strace $0x90000051  }
0xb6: {  	_ =	sfence  }
0xb7: {  	s30 =	sld [smem:$0x0];
	_ =	sdelay $0x2  }
0xb8: {  	s31 =	sshll.u32 s1, $0xD;
	s1 =	sshrl.u32 s1, $0x2  }
0xb9: {  	s3 =	sand.u32 $0x4000, s31;
	s1 =	sadd.s32 s1, s30  }
0xba: {  	s0 =	sor.u32 s3, s0;
	s1 =	sshll.u32 s1, $0x11  }
0xbb: {  	s0 =	sor.u32 s1, s0  }
0xbc: {  	s0 =	sadd.s32 $0x8F2B, s0  }
0xbd: {  	[sflag:s0] =	ssyncadd.remote.s32 $0x1  }
0xbe: {  	_ =	sfence.sel $0xFFFF  }
0xbf: {  	[dreg:$0x0] =	wrdreg $0xFFFFFFFF;
	(pc) =	sbr.abs _section_cstart, $3  }
0xc0: {  	[dreg:$0x1] =	wrdreg $0xFFFFFFFF  }
0xc1: {  	_ =	task.clear_ibuf [dreg:s6], $0x2FFFF;
	_ =	strace $0x9FFFFFFF  }
0xc2: {  	(tm) =	ssettm $0x7FFFFFFF  }
0xc3: {  	_ =	shalt  }
tec
execute0_lowered:
.L_overlay_start_1:
0x0: {  	(tag) =	ssettag $0x1  }
0x1: {  	s0 =	rddreg [dreg:$0x0]  }
0x2: {  	s1 =	rddreg [dreg:$0x1];
	s2 =	simm.s32 $0x0;
	s3 =	srdreg.scid  }
0x3: {  	s11 =	stileid.u32;
	s21 =	simm.s32 $0x2;
	s22 =	simm.s32 $0x80  }
0x4: {  	s23 =	simm.s32 $0x100;
	s24 =	simm.s32 $0x50;
	s25 =	simm.s32 $0x180  }
0x5: {  	s26 =	simm.s32 $0x1;
	s28 =	simm.s32 $0x0;
	s29 =	simm.s32 $0x0  }
0x6: {  	[smem:$0x7FF] =	sst s2;
	s4 =	sadd.s32 $0x2A0E00, s0;
	s5 =	sadd.s32 $0x1C200, s0  }
0x7: {  	s6 =	sadd.s32 $0x26000, s0;
	s3 =	sand.u32 $0x1, s3;
	s9 =	smul.u32 $0x50000, s11  }
0x8: {  	s7 =	sadd.s32 $0xD400, s0;
	s0 =	sadd.s32 $0x2FE00, s0;
	s12 =	smul.u32 $0x14000, s11  }
0x9: {  	_ =	strace $0x80000050;
	s8 =	ssub.s32 $0x2, s3;
	s30 =	sshll.u32 s3, $0x4  }
0xa: {  	s3 =	smul.u32 $0x140000, s3;
	s10 =	sshrl.u32 s8, $0x1;
	s9 =	sshrl.u32 s9, $0x2  }
0xb: {  	s13 =	sor.u32 s11, s30;
	s14 =	sadd.s32 $0x4000, s12;
	s16 =	sadd.s32 $0x8000, s12  }
0xc: {  	s17 =	sadd.s32 $0xC000, s12;
	s18 =	sadd.s32 $0x10000, s12;
	s19 =	ssub.s32 s8, s10  }
0xd: {  	s8 =	sadd.s32 s9, s1;
	s9 =	sadd.s32 s14, s1;
	s10 =	sadd.s32 s16, s1  }
0xe: {  	s11 =	sadd.s32 s17, s1;
	s15 =	sadd.s32 s12, s3;
	s14 =	sadd.s32 s3, s14  }
0xf: {  	s12 =	sadd.s32 s18, s1;
	s13 =	smul.u32 $0x2710, s13;
	s16 =	sadd.s32 s3, s16  }
0x10: {  	s17 =	sadd.s32 s3, s17;
	s3 =	sadd.s32 s3, s18;
	s15 =	sshrl.u32 s15, $0x3  }
0x11: {  	s20 =	sshrl.u32 s14, $0x3;
	s16 =	sshrl.u32 s16, $0x3;
	s17 =	sshrl.u32 s17, $0x3  }
0x12: {  	s3 =	sshrl.u32 s3, $0x3;
	s19 =	smax.u32 s19, $0x1;
	s31 =	sadd.s32 s0, s15  }
0x13: {  	s15 =	sadd.s32 s0, s20;
	s16 =	sadd.s32 s0, s16;
	s17 =	sadd.s32 s0, s17  }
0x14: {  	v0 =	vimm.f32 $0.0e+00;
	s18 =	sadd.s32 s0, s3;
	s20 =	simm.s32 $0x2980;
	[dreg:$0x3] =	wrdreg s31  }
.LBB2_1:
0x15: {  	s0 =	simm.s32 $0x0;
	s3 =	simm.s32 $0x200  }
.LBB2_2:
0x16: {  	p0 =	sne.s32 s3, $0xFE00;
	[tilespmem:s0+$0x29F0] =	vst v0  }
0x17: {  	[tilespmem:s0+$0x2980] =	vst v0  }
0x18: {  	[tilespmem:s0+$0x2990] =	vst v0  }
.Ltmp0:
0x19: {  	[tilespmem:s0+$0x29A0] =	vst v0;
	(pc) =	sbr.rel @p0 .LBB2_2-.Ltmp0, $4  }
0x1a: {  	[tilespmem:s0+$0x29B0] =	vst v0  }
0x1b: {  	[tilespmem:s0+$0x29C0] =	vst v0  }
0x1c: {  	[tilespmem:s0+$0x29D0] =	vst v0  }
0x1d: {  	[tilespmem:s0+$0x29E0] =	vst v0;
	s0 =	sshra.s32 s3, $0x2;
	s3 =	sadd.s32 $0x200, s3  }
0x1e: {  	[tilespmem:s0+$0x29F0] =	vst v0  }
0x1f: {  	[tilespmem:s0+$0x2980] =	vst v0  }
0x20: {  	[tilespmem:s0+$0x2990] =	vst v0  }
0x21: {  	[tilespmem:s0+$0x29A0] =	vst v0  }
0x22: {  	[tilespmem:s0+$0x29B0] =	vst v0  }
0x23: {  	[tilespmem:s0+$0x29C0] =	vst v0  }
0x24: {  	[tilespmem:s0+$0x29D0] =	vst v0  }
0x25: {  	[tilespmem:s0+$0x29E0] =	vst v0  }
0x26: {  	[spmem:s8] =	stream.linear.scatter [tilespmem:s20], [sflag:$0x2], $0x4000, $0x38;
	[tilespmem:$0x1A980] =	vst v63  }
0x27: {  	_ =	swait.ge [sflag:s21], $0x4000  }
0x28: {  	[sflag:s21] =	ssyncset.done $0x0  }
0x29: {  	[sflag:s21] =	ssyncadd.s32 $0xFFFFC000  }
0x2a: {  	[spmem:s9] =	stream.linear.scatter [tilespmem:s20], [sflag:$0x2], $0x4000, $0x38;
	[tilespmem:$0x1A980] =	vst v63  }
0x2b: {  	_ =	swait.ge [sflag:s21], $0x4000  }
0x2c: {  	[sflag:s21] =	ssyncset.done $0x0  }
0x2d: {  	[sflag:s21] =	ssyncadd.s32 $0xFFFFC000  }
0x2e: {  	[spmem:s10] =	stream.linear.scatter [tilespmem:s20], [sflag:$0x2], $0x4000, $0x38;
	[tilespmem:$0x1A980] =	vst v63  }
0x2f: {  	_ =	swait.ge [sflag:s21], $0x4000  }
0x30: {  	[sflag:s21] =	ssyncset.done $0x0  }
0x31: {  	[sflag:s21] =	ssyncadd.s32 $0xFFFFC000  }
0x32: {  	[spmem:s11] =	stream.linear.scatter [tilespmem:s20], [sflag:$0x2], $0x4000, $0x38;
	[tilespmem:$0x1A980] =	vst v63  }
0x33: {  	_ =	swait.ge [sflag:s21], $0x4000  }
0x34: {  	[sflag:s21] =	ssyncset.done $0x0  }
0x35: {  	[sflag:s21] =	ssyncadd.s32 $0xFFFFC000  }
0x36: {  	[spmem:s12] =	stream.linear.scatter [tilespmem:s20], [sflag:$0x2], $0x4000, $0x38;
	[tilespmem:$0x1A980] =	vst v63  }
0x37: {  	_ =	swait.ge [sflag:s21], $0x4000  }
0x38: {  	[sflag:s21] =	ssyncset.done $0x0  }
0x39: {  	[sflag:s21] =	ssyncadd.s32 $0xFFFFC000  }
0x3a: {  	s30 =	simm.s32 $0x0;
	[bflag:$0x0] =	sbarrier.arrive $0xFFFF  }
.LBB2_4:
0x3b: {  	s0 =	smul.u32 $0x50, s30;
	_ =	sdelay $0x1  }
0x3c: {  	s0 =	sadd.s32 s13, s0  }
0x3d: {  	s0 =	sshrl.u32 s0, $0x3  }
0x3e: {  	s3 =	sadd.s32 s5, s0  }
0x3f: {  	[tilespmem:s29], [sflag:$0x2] =	stream.linear.gather [hbm4b:s3+s29], $0x50, $0x38;
	[tilespmem:$0x1A980] =	vst v63  }
0x40: {  	_ =	swait.ge [sflag:s21], $0x50  }
0x41: {  	[sflag:s21] =	ssyncset.done $0x0  }
0x42: {  	s14 =	sadd.s32 s7, s0;
	[sflag:s21] =	ssyncadd.s32 $0xFFFFFFB0  }
0x43: {  	[tilespmem:s22], [sflag:$0x2] =	stream.linear.gather [hbm4b:s14+s29], $0x50, $0x38;
	[tilespmem:$0x1A980] =	vst v63  }
0x44: {  	_ =	swait.ge [sflag:s21], $0x50  }
0x45: {  	[sflag:s21] =	ssyncset.done $0x0  }
0x46: {  	s0 =	sadd.s32 s6, s0;
	[sflag:s21] =	ssyncadd.s32 $0xFFFFFFB0  }
0x47: {  	[tilespmem:s23], [sflag:$0x2] =	stream.linear.gather [hbm4b:s0+s29], $0x50, $0x38;
	[tilespmem:$0x1A980] =	vst v63  }
0x48: {  	_ =	swait.ge [sflag:s21], $0x50  }
0x49: {  	[sflag:s21] =	ssyncset.done $0x0  }
0x4a: {  	[sflag:s21] =	ssyncadd.s32 $0xFFFFFFB0  }
0x4b: {  	[tilespmem:s25], [sflag:$0x1] =	stream.indirect.gather [hbm4b:s4+s24], $0x80, s29, s24, $0xb8;
	[tilespmem:$0x1A980] =	vst v63  }
0x4c: {  	_ =	swait.ge [sflag:s26], $0x2800  }
0x4d: {  	[sflag:s26] =	ssyncset.done $0x0  }
0x4e: {  	s31 =	simm.s32 $0x1C0;
	[sflag:s26] =	ssyncadd.s32 $0xFFFFD800  }
0x4f: {  	v5 =	vld [tilespmem:s31+$0x30]  }
0x50: {  	v8 =	vld [tilespmem:s31+$0x10]  }
0x51: {  	s14 =	simm.s32 $0x0;
	v6 =	vld [tilespmem:s31+$0xFFFFFFC0]  }
0x52: {  	v2 =	vld.msk [tilespmem:s14+$0x100 ss:$0x0], $0xffff  }
0x53: {  	v10 =	vld [tilespmem:s31+$0xFFFFFFE0]  }
0x54: {  	v1 =	vld [tilespmem:s31+$0xFFFFFFF0]  }
0x55: {  	v3 =	vld [tilespmem:s31+$0x20]  }
0x56: {  	v4 =	vld [tilespmem:s31+$0xFFFFFFD0]  }
0x57: {  	v9 =	vmul.f32 v5, v2;
	v5 =	vld [tilespmem:s31+$0x0]  }
0x58: {  	v7 =	vmul.f32 v2, v6  }
0x59: {  	s3 =	simm.s32 $0x1C0;
	s0 =	simm.s32 $0x4;
	v6 =	vmul.f32 v10, v2;
	v8 =	vmul.f32 v8, v2  }
.LBB2_5:
0x5a: {  	p0 =	sne.s32 s0, $0x13C  }
0x5b: {  	v4 =	vmul.f32 v4, v2;
	v3 =	vmul.f32 v3, v2;
	[tilespmem:s31+$0x30] =	vst v9;
	s3 =	sadd.s32 $0x80, s3;
	s14 =	smov.u32 s0;
	s0 =	sadd.s32 $0x4, s0  }
0x5c: {  	[tilespmem:s31+$0xFFFFFFC0] =	vst v7;
	v7 =	vmul.f32 v1, v2;
	v2 =	vmul.f32 v5, v2  }
0x5d: {  	[tilespmem:s31+$0x10] =	vst v8  }
0x5e: {  	[tilespmem:s31+$0xFFFFFFE0] =	vst v6  }
0x5f: {  	v1 =	vld [tilespmem:s3+$0xFFFFFFF0];
	[tilespmem:s31+$0xFFFFFFF0] =	vst v7  }
0x60: {  	v6 =	vld [tilespmem:s3+$0x30];
	[tilespmem:s31+$0x0] =	vst v2  }
0x61: {  	v8 =	vld [tilespmem:s3+$0x10];
	[tilespmem:s31+$0x20] =	vst v3  }
0x62: {  	s14 =	sshra.s32 s14, $0x2;
	v7 =	vld [tilespmem:s3+$0xFFFFFFC0];
	[tilespmem:s31+$0xFFFFFFD0] =	vst v4;
	s31 =	smov.u32 s3  }
0x63: {  	v2 =	vld.msk [tilespmem:s14+$0x100 ss:$0x0], $0xffff  }
0x64: {  	v10 =	vld [tilespmem:s3+$0xFFFFFFE0]  }
0x65: {  	v3 =	vld [tilespmem:s3+$0x20]  }
.Ltmp1:
0x66: {  	v4 =	vld [tilespmem:s3+$0xFFFFFFD0];
	(pc) =	sbr.rel @p0 .LBB2_5-.Ltmp1, $3  }
0x67: {  	v5 =	vld [tilespmem:s3+$0x0];
	_ =	sdelay $0x1  }
0x68: {  	v7 =	vmul.f32 v2, v7;
	v9 =	vmul.f32 v6, v2  }
0x69: {  	v8 =	vmul.f32 v8, v2;
	v6 =	vmul.f32 v10, v2  }
0x6a: {  	[tilespmem:s31+$0x30] =	vst v9  }
0x6b: {  	[tilespmem:s31+$0xFFFFFFC0] =	vst v7  }
0x6c: {  	v1 =	vmul.f32 v1, v2;
	[tilespmem:s31+$0x10] =	vst v8  }
0x6d: {  	v3 =	vmul.f32 v3, v2;
	[tilespmem:s31+$0xFFFFFFE0] =	vst v6  }
0x6e: {  	v5 =	vmul.f32 v5, v2;
	[tilespmem:s31+$0xFFFFFFF0] =	vst v1  }
0x6f: {  	s30 =	sadd.s32 $0x1, s30;
	v1 =	vmul.f32 v4, v2;
	[tilespmem:s31+$0x20] =	vst v3  }
0x70: {  	p0 =	sne.s32 s30, $0x7D;
	[tilespmem:s31+$0x0] =	vst v5  }
.Ltmp2:
0x71: {  	[tilespmem:s31+$0xFFFFFFD0] =	vst v1;
	(pc) =	sbr.rel @p0 .LBB2_4-.Ltmp2, $4  }
0x72: {  	[spmem:s1] =	stream.indirect.scatter.add.f32 [tilespmem:s25], [sflag:$0x2], $0x80, s22, s24, $0xb8;
	[tilespmem:$0x1A980] =	vst v63  }
0x73: {  	_ =	swait.ge [sflag:s21], $0x2800  }
0x74: {  	[sflag:s21] =	ssyncset.done $0x0  }
0x75: {  	[sflag:s21] =	ssyncadd.s32 $0xFFFFD800  }
0x76: {  	[bflag:$0x0] =	sbarrier.arrive $0xFFFF  }
0x77: {  	[tilespmem:s20], [sflag:$0x2] =	stream.linear.gather [spmem:s8], $0x4000, $0x38;
	[tilespmem:$0x1A980] =	vst v63  }
0x78: {  	_ =	swait.ge [sflag:s21], $0x4000  }
0x79: {  	[sflag:s21] =	ssyncset.done $0x0  }
0x7a: {  	s0 =	rddreg [dreg:$0x3];
	[sflag:s21] =	ssyncadd.s32 $0xFFFFC000  }
0x7b: {  	[hbm4b:s0+s2] =	stream.linear.scatter [tilespmem:s20], [sflag:$0x2], $0x4000, $0x38;
	[tilespmem:$0x1A980] =	vst v63  }
0x7c: {  	_ =	swait.ge [sflag:s21], $0x4000  }
0x7d: {  	[sflag:s21] =	ssyncset.done $0x0  }
0x7e: {  	[sflag:s21] =	ssyncadd.s32 $0xFFFFC000  }
0x7f: {  	[tilespmem:s20], [sflag:$0x2] =	stream.linear.gather [spmem:s9], $0x4000, $0x38;
	[tilespmem:$0x1A980] =	vst v63  }
0x80: {  	_ =	swait.ge [sflag:s21], $0x4000  }
0x81: {  	[sflag:s21] =	ssyncset.done $0x0  }
0x82: {  	[sflag:s21] =	ssyncadd.s32 $0xFFFFC000  }
0x83: {  	[hbm4b:s15+s2] =	stream.linear.scatter [tilespmem:s20], [sflag:$0x2], $0x4000, $0x38;
	[tilespmem:$0x1A980] =	vst v63  }
0x84: {  	_ =	swait.ge [sflag:s21], $0x4000  }
0x85: {  	[sflag:s21] =	ssyncset.done $0x0  }
0x86: {  	[sflag:s21] =	ssyncadd.s32 $0xFFFFC000  }
0x87: {  	[tilespmem:s20], [sflag:$0x2] =	stream.linear.gather [spmem:s10], $0x4000, $0x38;
	[tilespmem:$0x1A980] =	vst v63  }
0x88: {  	_ =	swait.ge [sflag:s21], $0x4000  }
0x89: {  	[sflag:s21] =	ssyncset.done $0x0  }
0x8a: {  	[sflag:s21] =	ssyncadd.s32 $0xFFFFC000  }
0x8b: {  	[hbm4b:s16+s2] =	stream.linear.scatter [tilespmem:s20], [sflag:$0x2], $0x4000, $0x38;
	[tilespmem:$0x1A980] =	vst v63  }
0x8c: {  	_ =	swait.ge [sflag:s21], $0x4000  }
0x8d: {  	[sflag:s21] =	ssyncset.done $0x0  }
0x8e: {  	[sflag:s21] =	ssyncadd.s32 $0xFFFFC000  }
0x8f: {  	[tilespmem:s20], [sflag:$0x2] =	stream.linear.gather [spmem:s11], $0x4000, $0x38;
	[tilespmem:$0x1A980] =	vst v63  }
0x90: {  	_ =	swait.ge [sflag:s21], $0x4000  }
0x91: {  	[sflag:s21] =	ssyncset.done $0x0  }
0x92: {  	[sflag:s21] =	ssyncadd.s32 $0xFFFFC000  }
0x93: {  	[hbm4b:s17+s2] =	stream.linear.scatter [tilespmem:s20], [sflag:$0x2], $0x4000, $0x38;
	[tilespmem:$0x1A980] =	vst v63  }
0x94: {  	_ =	swait.ge [sflag:s21], $0x4000  }
0x95: {  	[sflag:s21] =	ssyncset.done $0x0  }
0x96: {  	[sflag:s21] =	ssyncadd.s32 $0xFFFFC000  }
0x97: {  	[tilespmem:s20], [sflag:$0x2] =	stream.linear.gather [spmem:s12], $0x4000, $0x38;
	[tilespmem:$0x1A980] =	vst v63  }
0x98: {  	s28 =	sadd.s32 $0x1, s28;
	_ =	swait.ge [sflag:s21], $0x4000  }
0x99: {  	p0 =	sne.s32 s28, s19;
	[sflag:s21] =	ssyncset.done $0x0  }
.Ltmp3:
0x9a: {  	[sflag:s21] =	ssyncadd.s32 $0xFFFFC000;
	(pc) =	sbr.rel @p0 .LBB2_1-.Ltmp3, $4  }
0x9b: {  	[hbm4b:s18+s2] =	stream.linear.scatter [tilespmem:s20], [sflag:$0x2], $0x4000, $0x38;
	[tilespmem:$0x1A980] =	vst v63  }
0x9c: {  	_ =	swait.ge [sflag:s21], $0x4000  }
0x9d: {  	[sflag:s21] =	ssyncset.done $0x0  }
0x9e: {  	[sflag:s21] =	ssyncadd.s32 $0xFFFFC000  }
0x9f: {  	_ =	sfence.sel $0x180000  }
0xa0: {  	[bflag:$0x0] =	sbarrier.arrive $0xFFFF  }
0xa1: {  	_ =	strace $0x90000050  }
0xa2: {  	s0 =	stileid.u32;
	[bflag:$0x2] =	sbarrier.arrive $0xFFFF  }
0xa3: {  	p0 =	sne.s32 s0, $0x0;
	s0 =	rddreg [dreg:$0x2]  }
0xa4: {  	s0 =	sadd.s32 @!p0 $0x100000, s0  }
0xa5: {  	[sflag:s0] =	ssyncadd.tile.s32 @!p0 $0x1;
	_ =	shalt  }
.Lfunc_end2:
_tile_overlayer_lowered:
.L_overlay_start_2:
0xa6: {  	(tag) =	ssettag $0x2  }
0xa7: {  	s0 =	rddreg [dreg:$0x0];
	s2 =	stileid.u32  }
0xa8: {  	s1 =	rddreg [dreg:$0x1];
	p0 =	sne.s32 s2, $0x0  }
0xa9: {  	s3 =	rddreg [dreg:$0x2];
	[bflag:$0x3] =	sbarrier.arrive $0xFFFF;
	s2 =	simm.s32 @!p0 $0x1C02  }
0xaa: {  	[timem:s3], [sflag:s2] =	dma.local @!p0 [hbm:s0], s1  }
0xab: {  	s0 =	simm.s32 @!p0 $0x2  }
0xac: {  	_ =	swait.ge @!p0 [sflag:s0], s1  }
0xad: {  	s1 =	ssub.s32 @!p0 $0x0, s1;
	[sflag:s0] =	ssyncset.done @!p0 $0x0  }
0xae: {  	[sflag:s0] =	ssyncadd.s32 @!p0 s1  }
0xaf: {  	[bflag:$0x3] =	sbarrier.arrive $0xFFFF  }
0xb0: {  	_ =	shalt  }

// kernel: kernel.23.cloned.1.call-start
scs
__scs_entry_jumppad:
0x0: {  	(pc) =	sbr.rel $0x88, $3  }
0x1: {  	(tag) =	ssettag $0x0;
	lr =	simm.s32 $0x1  }
0x2: {  	[smem:$0x3F96] =	sst lr;
	_ =	strace $0xD0000000  }
0x3: {  	_ = 	snop  }
0x4: {  	_ = 	snop  }
0x5: {  	_ = 	snop  }
0x6: {  	_ = 	snop  }
0x7: {  	_ = 	snop  }
__scs_overlays_trampoline_lowered:
0x8: {  	[smem:$0x3FA5] =	sst s0  }
0x9: {  	[smem:$0x3FA6] =	sst s1  }
0xa: {  	[smem:$0x3FA7] =	sst s2  }
0xb: {  	[smem:$0x3FA8] =	sst s3  }
0xc: {  	[smem:$0x3FA9] =	sst s4  }
0xd: {  	[smem:$0x3FAA] =	sst s5  }
0xe: {  	[smem:$0x3FAB] =	sst s6  }
0xf: {  	[smem:$0x3FAC] =	sst s7  }
0x10: {  	[smem:$0x3FAD] =	sst s8  }
0x11: {  	[smem:$0x3FAE] =	sst s9;
	s0 =	simm.s32 @!p0 $0x0  }
0x12: {  	s1 =	sld [smem:$0x3F94];
	s0 =	simm.s32 @p0 $0x1  }
0x13: {  	[smem:$0x3FAF] =	sst s0;
	s0 =	simm.s32 @!p1 $0x0  }
0x14: {  	s2 =	sld [smem:$0x3F93];
	s0 =	simm.s32 @p1 $0x1  }
0x15: {  	[smem:$0x3FB0] =	sst s0;
	s0 =	simm.s32 @!p2 $0x0  }
0x16: {  	s3 =	sld [smem:$0x3FDB];
	s0 =	simm.s32 @p2 $0x1  }
0x17: {  	s4 =	simm.s32 $0x1BF5;
	[smem:$0x3FB2] =	sst s0  }
0x18: {  	s0 =	sld [smem:$0x3F95];
	_ =	swait.ge [sflag:s4], $0x0  }
0x19: {  	s7 =	sld [smem:$0x3F96]  }
0x1a: {  	s8 =	sadd.s32 $0xFFFFE003, lr  }
0x1b: {  	s9 =	sadd.s32 $0xFFFFFEF7, lr;
	s5 =	simm.s32 $0xFFFFFFFF;
	p2 =	slt.u32 s8, $0xFFFFF086  }
0x1c: {  	p1 =	slt.u32 s9, $0xF7A;
	s5 =	simm.s32 @!p2 $0x0  }
0x1d: {  	s5 =	simm.s32 @p1 $0x1;
	p0 =	seq.s32 s7, s2  }
0x1e: {  	s7 =	smul.u32 @!p0 $0xF7A, s2;
	p2 =	seq.s32 @!p0 s5, $0x0  }
0x1f: {  	s9 =	smul.u32 $0xF7A, s1;
	s8 =	simm.s32 @!p0 $0x1BF5;
	p2 =	por !p2, p0  }
0x20: {  	[sflag:s8] =	ssyncset.s32 @!p0 $0xFFFFF086;
	s6 =	sadd.s32 @!p0 s3, s7;
	s7 =	simm.s32 @!p0 $0x108  }
0x21: {  	s3 =	sadd.s32 s3, s9;
	s6 =	sadd.s32 @!p0 $0x88, s6;
	s7 =	simm.s32 @p2 $0x1082  }
0x22: {  	[simem:s7], [sflag:s8] =	dma.local @!p0 [hbm:s6], $0xF7A  }
0x23: {  	s9 =	sor.u32 $0xD0000000, s2;
	s6 =	simm.s32 $0x108;
	_ =	swait.ge @!p0 [sflag:s8], $0x0  }
0x24: {  	s3 =	sadd.s32 $0x88, s3;
	s6 =	simm.s32 @!p1 $0x1082;
	[sflag:s4] =	ssyncset.s32 $0xFFFFF086  }
0x25: {  	[simem:s6], [sflag:s4] =	dma.local [hbm:s3], $0xF7A  }
0x26: {  	[smem:$0x3F96] =	sst s1;
	(tag) =	ssettag s2;
	_ =	strace s9  }
0x27: {  	s1 =	sld [smem:$0x3FA6]  }
0x28: {  	s2 =	sld [smem:$0x3FA7]  }
0x29: {  	s4 =	sld [smem:$0x3FA9]  }
0x2a: {  	p0 =	seq.s32 s5, $0x0;
	s5 =	sld [smem:$0x3FAA]  }
0x2b: {  	s6 =	sld [smem:$0x3FAB]  }
0x2c: {  	s7 =	sld [smem:$0x3FAC]  }
0x2d: {  	s3 =	simm.s32 $0x108;
	s8 =	sld [smem:$0x3FAD]  }
0x2e: {  	s3 =	simm.s32 @!p0 $0x1082;
	s9 =	sld [smem:$0x3FAE]  }
0x2f: {  	lr =	sadd.s32 s0, s3;
	s0 =	sld [smem:$0x3FA5]  }
0x30: {  	s3 =	sld [smem:$0x3FA8]  }
0x31: {  	[smem:$0x3FB1] =	sst s10  }
0x32: {  	s10 =	sld [smem:$0x3FAF];
	_ =	sdelay $0x3  }
0x33: {  	p0 =	seq.s32 s10, $0x1;
	s10 =	sld [smem:$0x3FB1];
	_ =	sdelay $0x3  }
0x34: {  	[smem:$0x3FB1] =	sst s10  }
0x35: {  	s10 =	sld [smem:$0x3FB0];
	_ =	sdelay $0x3  }
0x36: {  	p1 =	seq.s32 s10, $0x1;
	s10 =	sld [smem:$0x3FB1];
	_ =	sdelay $0x3  }
0x37: {  	[smem:$0x3FB1] =	sst s10  }
0x38: {  	s10 =	sld [smem:$0x3FB2]  }
0x39: {  	_ = 	snop;
	(pc) =	sbr.ind lr, $3  }
0x3a: {  	_ = 	snop  }
0x3b: {  	_ = 	snop  }
0x3c: {  	p2 =	seq.s32 s10, $0x1;
	s10 =	sld [smem:$0x3FB1]  }
0x3d: {  	_ =	shalt  }
0x3e: {  	_ =	shalt  }
0x3f: {  	_ =	shalt  }
0x40: {  	_ =	shalt  }
0x41: {  	_ =	shalt  }
0x42: {  	_ =	shalt  }
0x43: {  	_ =	shalt  }
0x44: {  	_ =	shalt  }
0x45: {  	_ =	shalt  }
0x46: {  	_ =	shalt  }
0x47: {  	_ =	shalt  }
0x48: {  	_ =	shalt  }
0x49: {  	_ =	shalt  }
0x4a: {  	_ =	shalt  }
0x4b: {  	_ =	shalt  }
0x4c: {  	_ =	shalt  }
0x4d: {  	_ =	shalt  }
0x4e: {  	_ =	shalt  }
0x4f: {  	_ =	shalt  }
0x50: {  	_ =	shalt  }
0x51: {  	_ =	shalt  }
0x52: {  	_ =	shalt  }
0x53: {  	_ =	shalt  }
0x54: {  	_ =	shalt  }
0x55: {  	_ =	shalt  }
0x56: {  	_ =	shalt  }
0x57: {  	_ =	shalt  }
0x58: {  	_ =	shalt  }
0x59: {  	_ =	shalt  }
0x5a: {  	_ =	shalt  }
0x5b: {  	_ =	shalt  }
0x5c: {  	_ =	shalt  }
0x5d: {  	_ =	shalt  }
0x5e: {  	_ =	shalt  }
0x5f: {  	_ =	shalt  }
0x60: {  	_ =	shalt  }
0x61: {  	_ =	shalt  }
0x62: {  	_ =	shalt  }
0x63: {  	_ =	shalt  }
0x64: {  	_ =	shalt  }
0x65: {  	_ =	shalt  }
0x66: {  	_ =	shalt  }
0x67: {  	_ =	shalt  }
0x68: {  	_ =	shalt  }
0x69: {  	_ =	shalt  }
0x6a: {  	_ =	shalt  }
0x6b: {  	_ =	shalt  }
0x6c: {  	_ =	shalt  }
0x6d: {  	_ =	shalt  }
0x6e: {  	_ =	shalt  }
0x6f: {  	_ =	shalt  }
0x70: {  	_ =	shalt  }
0x71: {  	_ =	shalt  }
0x72: {  	_ =	shalt  }
0x73: {  	_ =	shalt  }
0x74: {  	_ =	shalt  }
0x75: {  	_ =	shalt  }
0x76: {  	_ =	shalt  }
0x77: {  	_ =	shalt  }
0x78: {  	_ =	shalt  }
0x79: {  	_ =	shalt  }
0x7a: {  	_ =	shalt  }
0x7b: {  	_ =	shalt  }
0x7c: {  	_ =	shalt  }
0x7d: {  	_ =	shalt  }
0x7e: {  	_ =	shalt  }
0x7f: {  	_ =	shalt  }
0x80: {  	_ =	shalt  }
0x81: {  	_ =	shalt  }
0x82: {  	_ =	shalt  }
0x83: {  	_ =	shalt  }
0x84: {  	_ =	shalt  }
0x85: {  	_ =	shalt  }
0x86: {  	_ =	shalt  }
0x87: {  	_ =	shalt  }
.Lfunc_end0:
.L_simem_size_0:
called_computation.4_lowered:
.L_overlay_start_0:
0x88: {  	s2 =	sld [smem:$0x3FD9]  }
0x89: {  	s3 =	sld [smem:$0x3FFE];
	_ =	sdelay $0x1  }
0x8a: {  	s1 =	srdreg.scid  }
0x8b: {  	s0 =	sand.u32 $0x1, s1  }
0x8c: {  	s17 =	sshll.u32 s0, $0xA;
	s2 =	sadd.s32 s3, s2  }
0x8d: {  	s2 =	sadd.s32 s2, s17  }
0x8e: {  	[smem:$0x3FBD] =	sst s2  }
0x8f: {  	_ = 	snop  }
0x90: {  	s2 =	sld [smem:$0x3FC5]  }
0x91: {  	s18 =	sld [smem:$0x3FD0];
	(tm) =	ssettm $0x1  }
0x92: {  	s4 =	sld [smem:$0x3FFB];
	_ =	sdelay $0x3  }
0x93: {  	_ =	strace s4  }
0x94: {  	s4 =	sld [smem:$0x3FFC];
	_ =	sdelay $0x3  }
0x95: {  	_ =	strace s4  }
0x96: {  	s4 =	sld [smem:$0x3FFD];
	_ =	sdelay $0x3  }
0x97: {  	_ =	strace s4  }
0x98: {  	_ =	strace $0x8FFFFFFF  }
0x99: {  	s19 =	sld [smem:$0x3FDB];
	_ =	sdelay $0x1  }
0x9a: {  	s5 =	simm.s32 $_scs_section_size  }
0x9b: {  	s6 =	simm.s32 $_size__tile_overlayer_lowered;
	s7 =	simm.s32 $_tile_overlayer_lowered  }
0x9c: {  	s22 =	simm.s32 $0x1BFF;
	s21 =	sshll.u32 s7, $0x1;
	s4 =	sadd.s32 s5, s19  }
0x9d: {  	s8 =	simm.s32 $0x0;
	s20 =	sshll.u32 s6, $0x1;
	s6 =	sadd.s32 s21, s4  }
0x9e: {  	[timem:s8], [sflag:s22] =	dma.local [hbm:s6], s20  }
0x9f: {  	_ =	swait.ge [sflag:s22], s20  }
0xa0: {  	s5 =	ssub.s32 $0x0, s20;
	[sflag:s22] =	ssyncset.done $0x0  }
0xa1: {  	[sflag:s22] =	ssyncadd.s32 s5;
	_ =	sdelay $0x1  }
0xa2: {  	s23 =	simm.s32 $0x1B8B  }
0xa3: {  	_ =	swait.ge [sflag:s23], $0x1  }
0xa4: {  	[sflag:s23] =	ssyncset.done $0x0  }
0xa5: {  	s25 =	simm.s32 $0x1B8E;
	s24 =	sld [smem:$0x3FFE];
	[sflag:s23] =	ssyncadd.s32 $0xFFFFFFFF  }
0xa6: {  	s26 =	simm.s32 $execute0_lowered;
	[smem:$0x3FD2] =	sst s25  }
0xa7: {  	s6 =	sshll.u32 s26, $0x1;
	_ =	strace $0x80000052;
	[dreg:$0x1] =	wrdreg $0xFFFFFFFF  }
0xa8: {  	s28 =	simm.s32 $_size_execute0_lowered;
	s4 =	sadd.s32 s4, s6;
	[dreg:$0x0] =	wrdreg $0x0  }
0xa9: {  	s6 =	sshll.u32 s28, $0x1;
	[dreg:$0x2] =	wrdreg s4  }
0xaa: {  	[dreg:$0x3] =	wrdreg s6  }
0xab: {  	[dreg:$0x4] =	wrdreg $0xC0  }
0xac: {  	_ =	task [dreg:s8], $0x5FFFF  }
0xad: {  	[dreg:$0x1] =	wrdreg $0xFFFFFFFF  }
0xae: {  	[dreg:$0x0] =	wrdreg $0x60  }
0xaf: {  	[dreg:$0x2] =	wrdreg s24  }
0xb0: {  	[dreg:$0x3] =	wrdreg s2  }
0xb1: {  	[dreg:$0x4] =	wrdreg s18  }
0xb2: {  	[dreg:$0x5] =	wrdreg $0x9  }
0xb3: {  	_ =	task.clear_ibuf [dreg:s8], $0x6FFFF;
	_ =	strace $0x90000052  }
0xb4: {  	s29 =	simm.s32 $0x9;
	_ =	strace $0x80000054  }
0xb5: {  	_ =	swait.ge [sflag:s29], $0x1  }
0xb6: {  	[sflag:s29] =	ssyncadd.s32 $0xFFFFFFFF  }
0xb7: {  	_ =	strace $0x90000054  }
0xb8: {  	_ =	sfence  }
0xb9: {  	s30 =	sld [smem:$0x0];
	_ =	sdelay $0x2  }
0xba: {  	s31 =	sshll.u32 s1, $0xD;
	s1 =	sshrl.u32 s1, $0x2  }
0xbb: {  	s3 =	sand.u32 $0x4000, s31;
	s1 =	sadd.s32 s1, s30  }
0xbc: {  	s0 =	sor.u32 s3, s0;
	s1 =	sshll.u32 s1, $0x11  }
0xbd: {  	s0 =	sor.u32 s1, s0  }
0xbe: {  	s0 =	sadd.s32 $0x8F2B, s0  }
0xbf: {  	[sflag:s0] =	ssyncadd.remote.s32 $0x1  }
0xc0: {  	_ =	sfence.sel $0xFFFF  }
0xc1: {  	[dreg:$0x0] =	wrdreg $0xFFFFFFFF;
	(pc) =	sbr.abs _section_cstart, $3  }
0xc2: {  	[dreg:$0x1] =	wrdreg $0xFFFFFFFF  }
0xc3: {  	_ =	task.clear_ibuf [dreg:s8], $0x2FFFF;
	_ =	strace $0x9FFFFFFF  }
0xc4: {  	(tm) =	ssettm $0x7FFFFFFF  }
0xc5: {  	_ =	shalt  }
tec
execute0_lowered:
.L_overlay_start_1:
0x0: {  	(tag) =	ssettag $0x1  }
0x1: {  	s0 =	rddreg [dreg:$0x0]  }
0x2: {  	s1 =	rddreg [dreg:$0x1]  }
0x3: {  	s2 =	rddreg [dreg:$0x2]  }
0x4: {  	s3 =	simm.s32 $0x0;
	s4 =	srdreg.scid;
	s11 =	stileid.u32  }
0x5: {  	s12 =	simm.s32 $0x80;
	s13 =	simm.s32 $0x100;
	s14 =	simm.s32 $0x40  }
0x6: {  	s15 =	simm.s32 $0x180;
	s16 =	simm.s32 $0x2180;
	s17 =	simm.s32 $0x4180  }
0x7: {  	s18 =	simm.s32 $0x1;
	s19 =	simm.s32 $0x2;
	s20 =	simm.s32 $0x3  }
0x8: {  	s21 =	simm.s32 $0x6180;
	[smem:$0x7FF] =	sst s3;
	s4 =	sand.u32 $0x1, s4  }
0x9: {  	s5 =	sadd.s32 $0x1A200, s0;
	s6 =	sadd.s32 $0x19200, s0;
	s8 =	ssub.s32 $0x2, s4  }
0xa: {  	s7 =	sadd.s32 $0x18200, s0;
	s30 =	sshll.u32 s11, $0x7;
	s9 =	sshrl.u32 s8, $0x1  }
0xb: {  	s11 =	simm.s32 $0x4;
	_ =	strace $0x80000053;
	s10 =	ssub.s32 s8, s9  }
0xc: {  	s4 =	sshll.u32 s4, $0xB;
	s8 =	sadd.s32 $0x17200, s0;
	s31 =	smax.u32 s10, $0x1  }
0xd: {  	v0 =	vlaneseq.u32;
	s9 =	sor.u32 s30, s4;
	s4 =	simm.s32 $0x0;
	[dreg:$0x4] =	wrdreg s31  }
.LBB2_1:
0xe: {  	[dreg:$0x5] =	wrdreg s4;
	s23 =	simm.s32 $0x0  }
.LBB2_2:
0xf: {  	s0 =	sshll.u32 s23, $0x3  }
0x10: {  	s24 =	sadd.s32 s9, s0  }
0x11: {  	s25 =	simm.s32 $0x0;
	s0 =	sadd.s32 s6, s24  }
0x12: {  	[tilespmem:s25], [sflag:$0x4] =	stream.linear.gather [hbm4b:s0+s25], $0x40, $0x38;
	[tilespmem:$0x6200] =	vst v63  }
0x13: {  	_ =	swait.ge [sflag:s11], $0x40  }
0x14: {  	[sflag:s11] =	ssyncset.done $0x0  }
0x15: {  	s30 =	sadd.s32 s7, s24;
	[sflag:s11] =	ssyncadd.s32 $0xFFFFFFC0  }
0x16: {  	[tilespmem:s12], [sflag:$0x4] =	stream.linear.gather [hbm4b:s30+s25], $0x40, $0x38;
	[tilespmem:$0x6200] =	vst v63  }
0x17: {  	_ =	swait.ge [sflag:s11], $0x40  }
0x18: {  	[sflag:s11] =	ssyncset.done $0x0  }
0x19: {  	s31 =	sadd.s32 s8, s24;
	[sflag:s11] =	ssyncadd.s32 $0xFFFFFFC0  }
0x1a: {  	[tilespmem:s13], [sflag:$0x4] =	stream.linear.gather [hbm4b:s31+s25], $0x40, $0x38;
	[tilespmem:$0x6200] =	vst v63  }
0x1b: {  	_ =	swait.ge [sflag:s11], $0x40  }
0x1c: {  	[sflag:s11] =	ssyncset.done $0x0  }
0x1d: {  	[sflag:s11] =	ssyncadd.s32 $0xFFFFFFC0  }
0x1e: {  	[tilespmem:s15], [sflag:$0x1] =	stream.indirect.gather [hbm4b:s5+s14], $0x80, s25, s14, $0xb8;
	[tilespmem:$0x6200] =	vst v63  }
0x1f: {  	_ = 	snop  }
0x20: {  	[tilespmem:s16], [sflag:$0x2] =	stream.indirect.gather [hbm4b:s1+s14], $0x80, s12, s14, $0xb8;
	[tilespmem:$0x6200] =	vst v63  }
0x21: {  	_ = 	snop  }
0x22: {  	[tilespmem:s17], [sflag:$0x3] =	stream.indirect.gather [hbm4b:s5+s14], $0x80, s13, s14, $0xb8;
	[tilespmem:$0x6200] =	vst v63  }
0x23: {  	_ =	swait.ge [sflag:s18], $0x2000  }
0x24: {  	[sflag:s18] =	ssyncset.done $0x0  }
0x25: {  	[sflag:s18] =	ssyncadd.s32 $0xFFFFE000  }
0x26: {  	_ =	swait.ge [sflag:s19], $0x2000  }
0x27: {  	[sflag:s19] =	ssyncset.done $0x0  }
0x28: {  	[sflag:s19] =	ssyncadd.s32 $0xFFFFE000  }
0x29: {  	_ =	swait.ge [sflag:s20], $0x2000  }
0x2a: {  	s26 =	simm.s32 $0x1C0;
	[sflag:s20] =	ssyncset.done $0x0  }
0x2b: {  	s28 =	simm.s32 $0x21C0;
	s29 =	simm.s32 $0x41C0;
	[sflag:s20] =	ssyncadd.s32 $0xFFFFE000  }
.LBB2_3:
0x2c: {  	v2 =	vld [tilespmem:s29+$0x20]  }
0x2d: {  	v4 =	vld [tilespmem:s29+$0x10]  }
0x2e: {  	v1 =	vld [tilespmem:s29+$0x0]  }
0x2f: {  	v3 =	vld [tilespmem:s29+$0xFFFFFFF0]  }
0x30: {  	v5 =	vld [tilespmem:s29+$0xFFFFFFE0]  }
0x31: {  	v6 =	vld [tilespmem:s29+$0xFFFFFFC0]  }
0x32: {  	v7 =	vld [tilespmem:s26+$0xFFFFFFE0]  }
0x33: {  	v8 =	vld [tilespmem:s26+$0xFFFFFFC0]  }
0x34: {  	v9 =	vld [tilespmem:s28+$0xFFFFFFC0]  }
0x35: {  	v10 =	vld [tilespmem:s26+$0xFFFFFFD0]  }
0x36: {  	v11 =	vld [tilespmem:s28+$0xFFFFFFD0]  }
0x37: {  	v12 =	vld [tilespmem:s28+$0xFFFFFFE0]  }
0x38: {  	v13 =	vld [tilespmem:s29+$0xFFFFFFD0]  }
0x39: {  	v14 =	vld [tilespmem:s26+$0xFFFFFFF0]  }
0x3a: {  	v15 =	vld [tilespmem:s28+$0xFFFFFFF0]  }
0x3b: {  	v16 =	vld [tilespmem:s26+$0x0];
	v8 =	vmul.f32 v9, v8;
	v9 =	vmul.f32 v11, v10  }
0x3c: {  	v10 =	vld [tilespmem:s28+$0x0];
	v7 =	vmul.f32 v12, v7  }
0x3d: {  	v11 =	vld [tilespmem:s26+$0x10];
	v6 =	vmul.f32 v6, v8;
	v8 =	vmul.f32 v13, v9  }
0x3e: {  	v9 =	vld [tilespmem:s28+$0x10]  }
0x3f: {  	v12 =	vld [tilespmem:s26+$0x20];
	v5 =	vmul.f32 v5, v7;
	v7 =	vmul.f32 v15, v14;
	v6 =	vadd.f32 v8, v6  }
0x40: {  	v8 =	vld [tilespmem:s28+$0x20]  }
0x41: {  	v13 =	vld [tilespmem:s26+$0x30];
	v3 =	vmul.f32 v3, v7;
	v5 =	vadd.f32 v5, v6;
	v6 =	vmul.f32 v10, v16  }
0x42: {  	v7 =	vld [tilespmem:s28+$0x30]  }
0x43: {  	s4 =	sadd.s32 $0x80, s26;
	v10 =	vld [tilespmem:s29+$0x30];
	v9 =	vmul.f32 v9, v11;
	v5 =	vadd.f32 v3, v5;
	v6 =	vmul.f32 v1, v6  }
0x44: {  	s30 =	sadd.s32 $0x80, s29;
	v11 =	vld [tilespmem:s4+$0xFFFFFFD0]  }
0x45: {  	v3 =	vld [tilespmem:s30+$0x20];
	v9 =	vmul.f32 v4, v9;
	v8 =	vmul.f32 v8, v12;
	v6 =	vadd.f32 v6, v5  }
0x46: {  	v1 =	vld [tilespmem:s30+$0x10]  }
0x47: {  	v4 =	vld [tilespmem:s30+$0x0];
	v2 =	vmul.f32 v2, v8;
	v8 =	vmul.f32 v7, v13;
	v9 =	vadd.f32 v9, v6  }
0x48: {  	v5 =	vld [tilespmem:s30+$0xFFFFFFF0]  }
0x49: {  	v7 =	vld [tilespmem:s30+$0xFFFFFFC0];
	v10 =	vmul.f32 v10, v8;
	v2 =	vadd.f32 v2, v9  }
0x4a: {  	v6 =	vld [tilespmem:s30+$0xFFFFFFE0]  }
0x4b: {  	v8 =	vld [tilespmem:s4+$0xFFFFFFE0];
	v12 =	vadd.f32 v10, v2  }
0x4c: {  	s10 =	sadd.s32 $0x80, s28;
	v9 =	vld [tilespmem:s4+$0xFFFFFFC0]  }
0x4d: {  	v10 =	vld [tilespmem:s10+$0xFFFFFFC0];
	(xrf2) =	vadd.scan.msk.f32 $0xffff, v12  }
0x4e: {  	s31 =	simm.s32 $0x1;
	s22 =	simm.s32 $0x2;
	s0 =	simm.s32 $0x0;
	v2 =	vimm.f32 $0.0e+00;
	v12 =	vld [tilespmem:s10+$0xFFFFFFD0]  }
.LBB2_4:
0x4f: {  	p0 =	sne.s32 s22, $0xF;
	v13 =	vld [tilespmem:s10+$0xFFFFFFE0]  }
0x50: {  	v14 =	vld [tilespmem:s30+$0xFFFFFFD0]  }
0x51: {  	v15 =	vld [tilespmem:s4+$0xFFFFFFF0]  }
0x52: {  	v16 =	vld [tilespmem:s10+$0xFFFFFFF0]  }
0x53: {  	v9 =	vmul.f32 v10, v9;
	v10 =	vmul.f32 v12, v11;
	v11 =	vld [tilespmem:s4+$0x0]  }
0x54: {  	v8 =	vmul.f32 v13, v8;
	v12 =	vld [tilespmem:s10+$0x0]  }
0x55: {  	v7 =	vmul.f32 v7, v9;
	v9 =	vmul.f32 v14, v10;
	v10 =	vld [tilespmem:s4+$0x10]  }
0x56: {  	v14 =	vmov s0;
	s0 =	smov.u32 s31;
	s31 =	smov.u32 s22;
	v13 =	vld [tilespmem:s10+$0x10]  }
0x57: {  	v6 =	vmul.f32 v6, v8;
	v7 =	vadd.f32 v9, v7;
	v8 =	vmul.f32 v16, v15;
	v9 =	vld [tilespmem:s4+$0x20];
	v15, _, _ =	vpop (xrf2)  }
0x58: {  	vm0 =	veq.s32 v14, v0;
	v16 =	vld [tilespmem:s10+$0x20];
	v15 =	vbroadcast v15, $0xF  }
0x59: {  	v6 =	vadd.f32 v6, v7;
	v5 =	vmul.f32 v5, v8;
	v7 =	vmul.f32 v12, v11;
	v8 =	vld [tilespmem:s4+$0x30]  }
0x5a: {  	v11 =	vld [tilespmem:s10+$0x30];
	v2 =	vsel vm0, v15, v2  }
0x5b: {  	v5 =	vadd.f32 v5, v6;
	v4 =	vmul.f32 v4, v7;
	v6 =	vmul.f32 v13, v10;
	v10 =	vld [tilespmem:s30+$0x30];
	s30 =	sadd.s32 $0x80, s30  }
0x5c: {  	v12 =	vld [tilespmem:s30+$0x20]  }
0x5d: {  	v7 =	vadd.f32 v4, v5;
	v6 =	vmul.f32 v1, v6;
	v1 =	vld [tilespmem:s30+$0x10];
	v9 =	vmul.f32 v16, v9  }
0x5e: {  	v4 =	vld [tilespmem:s30+$0x0]  }
0x5f: {  	v5 =	vld [tilespmem:s30+$0xFFFFFFF0];
	v13 =	vadd.f32 v6, v7;
	v9 =	vmul.f32 v3, v9;
	v8 =	vmul.f32 v11, v8  }
0x60: {  	v6 =	vld [tilespmem:s30+$0xFFFFFFE0]  }
0x61: {  	s4 =	sadd.s32 $0x80, s4;
	v7 =	vld [tilespmem:s30+$0xFFFFFFC0];
	v11 =	vadd.f32 v9, v13;
	v10 =	vmul.f32 v10, v8;
	v3 =	vmov v12  }
.Ltmp0:
0x62: {  	v8 =	vld [tilespmem:s4+$0xFFFFFFE0];
	(pc) =	sbr.rel @p0 .LBB2_4-.Ltmp0, $4  }
0x63: {  	s10 =	sadd.s32 $0x80, s10;
	v9 =	vld [tilespmem:s4+$0xFFFFFFC0];
	v12 =	vadd.f32 v10, v11  }
0x64: {  	v10 =	vld [tilespmem:s10+$0xFFFFFFC0]  }
0x65: {  	v11 =	vld [tilespmem:s4+$0xFFFFFFD0];
	(xrf2) =	vadd.scan.msk.f32 $0xffff, v12  }
0x66: {  	s22 =	sadd.s32 $0x1, s22;
	v12 =	vld [tilespmem:s10+$0xFFFFFFD0]  }
0x67: {  	v13 =	vld [tilespmem:s10+$0xFFFFFFE0]  }
0x68: {  	v14 =	vld [tilespmem:s30+$0xFFFFFFD0]  }
0x69: {  	v15 =	vld [tilespmem:s4+$0xFFFFFFF0]  }
0x6a: {  	v16 =	vld [tilespmem:s10+$0xFFFFFFF0];
	v9 =	vmul.f32 v10, v9  }
0x6b: {  	v48 =	vld [tilespmem:s4+$0x0];
	v47 =	vmul.f32 v12, v11  }
0x6c: {  	v49 =	vld [tilespmem:s10+$0x0];
	v7 =	vmul.f32 v7, v9  }
0x6d: {  	v51 =	vld [tilespmem:s4+$0x10];
	v8 =	vmul.f32 v13, v8;
	v50 =	vmul.f32 v14, v47  }
0x6e: {  	v52 =	vld [tilespmem:s10+$0x10]  }
0x6f: {  	v54 =	vld [tilespmem:s4+$0x20];
	v53 =	vmul.f32 v16, v15;
	v6 =	vmul.f32 v6, v8;
	v7 =	vadd.f32 v50, v7  }
0x70: {  	v55 =	vld [tilespmem:s10+$0x20]  }
0x71: {  	v57 =	vld [tilespmem:s4+$0x30];
	v56 =	vmul.f32 v49, v48;
	v5 =	vmul.f32 v5, v53;
	v6 =	vadd.f32 v6, v7  }
0x72: {  	v58 =	vld [tilespmem:s10+$0x30]  }
0x73: {  	v59 =	vmul.f32 v52, v51;
	v4 =	vmul.f32 v4, v56;
	v5 =	vadd.f32 v5, v6  }
0x74: {  	v60 =	vld [tilespmem:s30+$0x30]  }
0x75: {  	v61 =	vmul.f32 v55, v54;
	v1 =	vmul.f32 v1, v59;
	v4 =	vadd.f32 v4, v5;
	_ =	sdelay $0x1  }
0x76: {  	v62 =	vmul.f32 v58, v57;
	v3 =	vmul.f32 v3, v61;
	v1 =	vadd.f32 v1, v4;
	_ =	sdelay $0x1  }
0x77: {  	v1 =	vadd.f32 v3, v1;
	v3 =	vmul.f32 v60, v62;
	_ =	sdelay $0x1  }
0x78: {  	v1 =	vadd.f32 v3, v1;
	_ =	sdelay $0x1  }
0x79: {  	(xrf2) =	vadd.scan.msk.f32 $0xffff, v1;
	_ =	sdelay $0x6  }
0x7a: {  	v3 =	vmov s0  }
0x7b: {  	vm0 =	veq.s32 v3, v0;
	v3 =	vmov s31;
	s31 =	sshll.u32 s25, $0x4;
	s25 =	sadd.s32 $0x1, s25  }
0x7c: {  	p0 =	sne.s32 s25, $0x4;
	v1, _, _ =	vpop (xrf2)  }
.Ltmp1:
0x7d: {  	v1 =	vbroadcast v1, $0xF;
	v63, _, _ =	vpop (xrf2);
	(pc) =	sbr.rel @p0 .LBB2_3-.Ltmp1, $4  }
0x7e: {  	v4 =	vbroadcast v63, $0xF  }
0x7f: {  	vm15 =	veq.s32 v3, v0;
	v1 =	vsel vm0, v1, v2  }
0x80: {  	s0 =	sand.u32 $0x3FFFFFF0, s31;
	v1 =	vsel vm15, v4, v1  }
0x81: {  	s26 =	sadd.s32 $0x800, s26;
	s28 =	sadd.s32 $0x800, s28;
	s29 =	sadd.s32 $0x800, s29;
	[tilespmem:s0+$0x6180] =	vst v1  }
0x82: {  	s23 =	sadd.s32 $0x1, s23  }
0x83: {  	p0 =	sne.s32 s23, $0x10  }
.Ltmp2:
0x84: {  	s0 =	sadd.s32 s2, s24;
	(pc) =	sbr.rel @p0 .LBB2_2-.Ltmp2, $4  }
0x85: {  	[hbm4b:s0+s3] =	stream.linear.scatter [tilespmem:s21], [sflag:$0x4], $0x40, $0x38;
	[tilespmem:$0x6200] =	vst v63  }
0x86: {  	_ =	swait.ge [sflag:s11], $0x40  }
0x87: {  	[sflag:s11] =	ssyncset.done $0x0  }
0x88: {  	[sflag:s11] =	ssyncadd.s32 $0xFFFFFFC0  }
0x89: {  	s4 =	rddreg [dreg:$0x5]  }
0x8a: {  	s0 =	rddreg [dreg:$0x4];
	s4 =	sadd.s32 $0x1, s4  }
0x8b: {  	p0 =	sne.s32 s4, s0  }
.Ltmp3:
0x8c: {  	_ = 	snop;
	(pc) =	sbr.rel @p0 .LBB2_1-.Ltmp3, $1  }
0x8d: {  	_ =	sdelay $0x3  }
0x8e: {  	_ =	sfence.sel $0x180000  }
0x8f: {  	[bflag:$0x0] =	sbarrier.arrive $0xFFFF  }
0x90: {  	_ =	strace $0x90000053  }
0x91: {  	s0 =	stileid.u32;
	[bflag:$0x2] =	sbarrier.arrive $0xFFFF  }
0x92: {  	p0 =	sne.s32 s0, $0x0;
	s0 =	rddreg [dreg:$0x3]  }
0x93: {  	s0 =	sadd.s32 @!p0 $0x100000, s0  }
0x94: {  	[sflag:s0] =	ssyncadd.tile.s32 @!p0 $0x1;
	_ =	shalt  }
.Lfunc_end2:
_tile_overlayer_lowered:
.L_overlay_start_2:
0x95: {  	(tag) =	ssettag $0x2  }
0x96: {  	s0 =	rddreg [dreg:$0x0];
	s2 =	stileid.u32  }
0x97: {  	s1 =	rddreg [dreg:$0x1];
	p0 =	sne.s32 s2, $0x0  }
0x98: {  	s3 =	rddreg [dreg:$0x2];
	[bflag:$0x3] =	sbarrier.arrive $0xFFFF;
	s2 =	simm.s32 @!p0 $0x1C04  }
0x99: {  	[timem:s3], [sflag:s2] =	dma.local @!p0 [hbm:s0], s1  }
0x9a: {  	s0 =	simm.s32 @!p0 $0x4  }
0x9b: {  	_ =	swait.ge @!p0 [sflag:s0], s1  }
0x9c: {  	s1 =	ssub.s32 @!p0 $0x0, s1;
	[sflag:s0] =	ssyncset.done @!p0 $0x0  }
0x9d: {  	[sflag:s0] =	ssyncadd.s32 @!p0 s1  }
0x9e: {  	[bflag:$0x3] =	sbarrier.arrive $0xFFFF  }
0x9f: {  	_ =	shalt  }

</sc_bundles>
